<compile_context>
chip_gen: v7x
topology: tpu7x:2x2x1
jax: 0.10.2.dev20260603
libtpu: 0.0.44.dev20260713+nightly
codegen_flags: <defaults>
</compile_context>

<pallas_src>
import functools

import jax
import jax.numpy as jnp
from jax import lax
from jax.experimental import pallas as pl
from jax.experimental.pallas import tpu as pltpu
from jax.experimental.pallas import tpu_sc as plsc

N_NODES = 10000
D = 128
N_PAD = 10240
E_PAD = 327680
CHUNK = 256
GJ = CHUNK // 128
ROWS_PT = N_PAD // 16
EPT_C = E_PAD // 32
NCH_C4 = EPT_C // 1024
EPT_D = E_PAD // 16
NCH_D4 = EPT_D // 1024



def _evolve_body(iw_ref, wih_ref, whh_ref, bih_ref, bhh_ref, w_ref):
    iw = iw_ref[...]
    xw = jnp.dot(iw, wih_ref[...], preferred_element_type=jnp.float32) + bih_ref[...]
    hw = jnp.dot(iw, whh_ref[...], preferred_element_type=jnp.float32) + bhh_ref[...]
    r = jax.nn.sigmoid(xw[:, :D] + hw[:, :D])
    z = jax.nn.sigmoid(xw[:, D:2 * D] + hw[:, D:2 * D])
    n = jnp.tanh(xw[:, 2 * D:] + r * hw[:, 2 * D:])
    w_ref[...] = (1.0 - z) * n + z * iw


def _xw_body(x_ref, w_ref, o_ref):
    o_ref[...] = jnp.dot(x_ref[...], w_ref[...],
                         preferred_element_type=jnp.float32)


def _post_body(p0_ref, p1_ref, xw_ref, dis_ref, lwt_ref, lb_ref, o_ref):
    dis = dis_ref[...]
    inv = dis * dis
    h = p0_ref[...] + p1_ref[...] + inv * xw_ref[...]
    h = jnp.maximum(h, 0.0)
    o_ref[...] = jnp.dot(h, lwt_ref[...], preferred_element_type=jnp.float32) + lb_ref[...]



def _sc_body(row_hbm, col_hbm, ew_hbm, xw_hbm, part_hbm, dis_hbm,
             acc_sh, deg_sh, dis_v, rowi, coli, ewv, normv, rows, sem):
    c = lax.axis_index("c")
    s = lax.axis_index("s")
    zero16 = jnp.zeros((16,), jnp.float32)

    scope = jax.named_scope
    with scope("ph0_zero"):
        def zrow(i, carry):
            for j in range(8):
                rows[i, pl.ds(j * 16, 16)] = zero16
            return carry
        lax.fori_loop(0, CHUNK, zrow, 0)

        def zdis(i, carry):
            dis_v[pl.ds(i * 16, 16)] = zero16
            return carry
        lax.fori_loop(0, N_PAD // 16, zdis, 0)

        pltpu.sync_copy(rows.at[pl.ds(0, 256)],
                        acc_sh.at[pl.ds(s * ROWS_PT, 256)])
        pltpu.sync_copy(rows.at[pl.ds(0, 256)],
                        acc_sh.at[pl.ds(s * ROWS_PT + 256, 256)])
        pltpu.sync_copy(rows.at[pl.ds(0, 128)],
                        acc_sh.at[pl.ds(s * ROWS_PT + 512, 128)])
        pltpu.sync_copy(dis_v.at[pl.ds(0, ROWS_PT)],
                        deg_sh.at[pl.ds(s * ROWS_PT, ROWS_PT)])
        plsc.subcore_barrier()

    with scope("ph1_deg"):
        def deg_chunk(k, carry):
            base = (s * NCH_D4 + k) * 8
            pltpu.make_async_copy(col_hbm.at[pl.ds(base, 8)], coli, sem).start()
            pltpu.make_async_copy(ew_hbm.at[pl.ds(base, 8)], ewv, sem).start()
            pltpu.make_async_copy(col_hbm.at[pl.ds(base, 8)], coli, sem).wait()
            pltpu.make_async_copy(ew_hbm.at[pl.ds(base, 8)], ewv, sem).wait()
            for j in range(8):
                pltpu.sync_copy(ewv.at[j], deg_sh.at[coli.at[j]], add=True)
            return carry
        lax.fori_loop(0, NCH_D4, deg_chunk, 0)
        plsc.subcore_barrier()

    with scope("ph2_dis"):
        def disb(i, carry):
            pltpu.sync_copy(deg_sh.at[pl.ds(i * 1024, 1024)], normv)
            def disb2(m, c2):
                d = normv[pl.ds(m * 16, 16)] + 1.0
                xi = lax.bitcast_convert_type(d, jnp.int32)
                yi = jnp.int32(0x5F3759DF) - lax.shift_right_arithmetic(xi, 1)
                y = lax.bitcast_convert_type(yi, jnp.float32)
                for _ in range(3):
                    y = y * (1.5 - 0.5 * d * y * y)
                dis_v[pl.ds(i * 1024 + m * 16, 16)] = y
                return c2
            lax.fori_loop(0, 64, disb2, 0)
            return carry
        lax.fori_loop(0, N_PAD // 1024, disb, 0)

        @pl.when(c == 0)
        def _():
            pltpu.sync_copy(dis_v.at[pl.ds(s * ROWS_PT, ROWS_PT)],
                            dis_hbm.at[pl.ds(s * ROWS_PT, ROWS_PT)])

    def main_chunk(k, carry):
        sub = jax.named_scope
        base = c * (E_PAD // 2 // 128) + (s * NCH_C4 + k) * 8
        with sub("e_idx"):
            pltpu.make_async_copy(row_hbm.at[pl.ds(base, 8)], rowi, sem).start()
            pltpu.make_async_copy(col_hbm.at[pl.ds(base, 8)], coli, sem).start()
            pltpu.make_async_copy(ew_hbm.at[pl.ds(base, 8)], ewv, sem).start()
            pltpu.make_async_copy(row_hbm.at[pl.ds(base, 8)], rowi, sem).wait()
            pltpu.make_async_copy(col_hbm.at[pl.ds(base, 8)], coli, sem).wait()
            pltpu.make_async_copy(ew_hbm.at[pl.ds(base, 8)], ewv, sem).wait()
        with sub("e_fire"):
            pltpu.make_async_copy(xw_hbm.at[rowi.at[0]],
                                  rows.at[pl.ds(0, 128)], sem).start()
        with sub("e_norm"):
            def normb(j, cr):
                for l in range(8):
                    ir = rowi[j, pl.ds(l * 16, 16)]
                    ic = coli[j, pl.ds(l * 16, 16)]
                    w = ewv[j, pl.ds(l * 16, 16)]
                    nr = plsc.load_gather(dis_v, [ir])
                    nc = plsc.load_gather(dis_v, [ic])
                    normv[pl.ds(j * 128 + l * 16, 16)] = nr * w * nc
                return cr
            lax.fori_loop(0, 8, normb, 0)

        def group(g, cr):
            bo = (g % 2) * 128
            nbo = ((g + 1) % 2) * 128
            gn = jnp.minimum(g + 1, 7)
            with sub("e_drain"):
                pltpu.make_async_copy(xw_hbm.at[rowi.at[g]],
                                      rows.at[pl.ds(bo, 128)], sem).wait()

            @pl.when(g < 7)
            def _():
                with sub("e_fire"):
                    pltpu.make_async_copy(xw_hbm.at[rowi.at[gn]],
                                          rows.at[pl.ds(nbo, 128)],
                                          sem).start()

            with sub("e_scale"):
                def scale(e16, cr2):
                    nv16 = normv[pl.ds(g * 128 + e16 * 16, 16)]
                    for u in range(16):
                        e = bo + e16 * 16 + u
                        nv = nv16[u]
                        for j in range(8):
                            rows[e, pl.ds(j * 16, 16)] = (
                                rows[e, pl.ds(j * 16, 16)] * nv)
                    return cr2
                lax.fori_loop(0, 8, scale, 0)
            with sub("e_scat"):
                pltpu.sync_copy(rows.at[pl.ds(bo, 128)],
                                acc_sh.at[coli.at[g]], add=True)
            return cr
        lax.fori_loop(0, 8, group, 0)
        return carry
    lax.fori_loop(0, NCH_C4, main_chunk, 0)
    plsc.subcore_barrier()

    pltpu.sync_copy(acc_sh.at[pl.ds(s * ROWS_PT, ROWS_PT)],
                    part_hbm.at[c].at[pl.ds(s * ROWS_PT, ROWS_PT)])


_sc_call = functools.partial(
    pl.kernel,
    out_type=[
        jax.ShapeDtypeStruct((2, N_PAD, D), jnp.float32),
        jax.ShapeDtypeStruct((N_PAD,), jnp.float32),
    ],
    mesh=plsc.VectorSubcoreMesh(core_axis_name="c", subcore_axis_name="s"),
    compiler_params=pltpu.CompilerParams(needs_layout_passes=False),
    scratch_types=[
        pltpu.VMEM_SHARED((N_PAD, D), jnp.float32),
        pltpu.VMEM_SHARED((N_PAD,), jnp.float32),
        pltpu.VMEM((N_PAD,), jnp.float32),
        pltpu.VMEM((8, 128), jnp.int32),
        pltpu.VMEM((8, 128), jnp.int32),
        pltpu.VMEM((8, 128), jnp.float32),
        pltpu.VMEM((1024,), jnp.float32),
        pltpu.VMEM((CHUNK, D), jnp.float32),
        pltpu.SemaphoreType.DMA,
    ],
)(_sc_body)



@jax.jit
def _run(x, edge_index, edge_weight, initial_weight,
         gru_w_ih, gru_w_hh, gru_b_ih, gru_b_hh, lin_w, lin_b):
    row = edge_index[0].astype(jnp.int32)
    col = edge_index[1].astype(jnp.int32)
    ew = edge_weight.astype(jnp.float32)
    e = row.shape[0]
    pad = jnp.arange(E_PAD - e, dtype=jnp.int32) % jnp.int32(N_NODES)
    row2d = jnp.concatenate([row, pad]).reshape(E_PAD // 128, 128)
    col2d = jnp.concatenate([col, pad]).reshape(E_PAD // 128, 128)
    ew2d = jnp.zeros((E_PAD,), jnp.float32).at[:e].set(ew).reshape(E_PAD // 128, 128)
    w_evo = pl.pallas_call(
        _evolve_body,
        out_shape=jax.ShapeDtypeStruct((D, D), jnp.float32),
    )(initial_weight, gru_w_ih.T, gru_w_hh.T,
      gru_b_ih.reshape(1, 3 * D), gru_b_hh.reshape(1, 3 * D))

    blk = 5000
    nblk = N_NODES // blk
    xw = pl.pallas_call(
        _xw_body,
        grid=(nblk,),
        in_specs=[
            pl.BlockSpec((blk, D), lambda i: (i, 0)),
            pl.BlockSpec((D, D), lambda i: (0, 0)),
        ],
        out_specs=pl.BlockSpec((blk, D), lambda i: (i, 0)),
        out_shape=jax.ShapeDtypeStruct((N_NODES, D), jnp.float32),
    )(x, w_evo)

    part, dis = _sc_call(row2d, col2d, ew2d, xw)

    n_t = lin_w.shape[0]
    out = pl.pallas_call(
        _post_body,
        grid=(nblk,),
        in_specs=[
            pl.BlockSpec((blk, D), lambda i: (i, 0)),
            pl.BlockSpec((blk, D), lambda i: (i, 0)),
            pl.BlockSpec((blk, D), lambda i: (i, 0)),
            pl.BlockSpec((blk, 1), lambda i: (i, 0)),
            pl.BlockSpec((D, n_t), lambda i: (0, 0)),
            pl.BlockSpec((1, n_t), lambda i: (0, 0)),
        ],
        out_specs=pl.BlockSpec((blk, n_t), lambda i: (i, 0)),
        out_shape=jax.ShapeDtypeStruct((N_NODES, n_t), jnp.float32),
    )(part[0], part[1], xw, dis.reshape(N_PAD, 1), lin_w.T,
      lin_b.reshape(1, n_t))
    return out


def kernel(x, edge_index, edge_weight, initial_weight,
           gru_w_ih, gru_w_hh, gru_b_ih, gru_b_hh, lin_w, lin_b):
    return _run(x, edge_index, edge_weight, initial_weight,
                gru_w_ih, gru_w_hh, gru_b_ih, gru_b_hh, lin_w, lin_b)

# --- scband reference (transcript-rebuilt; emitter-appended) ---
"""Pipeline reference for scband-evolve-gcnmodel-25451976196928 (READ-ONLY COPY).

The authoritative reference and input builder live on the scoring server;
editing this copy changes nothing except your own understanding.
"""

import jax, jax.numpy as jnp
import numpy as np

N_NODES = 10000
N_EDGES = 320000
D_FEAT = 128
N_TARGET = 64


def setup_inputs(seed: int = 0) -> dict:
    key = jax.random.key(seed)
    ks = jax.random.split(key, 10)
    x = jax.random.normal(ks[0], (N_NODES, D_FEAT), dtype=jnp.float32)
    edge_index = jax.random.randint(ks[1], (2, N_EDGES), 0, N_NODES, dtype=jnp.int64)
    edge_weight = jax.random.uniform(ks[2], (N_EDGES,), dtype=jnp.float32)
    s = 1.0 / np.sqrt(D_FEAT)
    initial_weight = jax.random.uniform(ks[3], (D_FEAT, D_FEAT), dtype=jnp.float32, minval=-s, maxval=s)
    gru_w_ih = jax.random.uniform(ks[4], (3 * D_FEAT, D_FEAT), dtype=jnp.float32, minval=-s, maxval=s)
    gru_w_hh = jax.random.uniform(ks[5], (3 * D_FEAT, D_FEAT), dtype=jnp.float32, minval=-s, maxval=s)
    gru_b_ih = jax.random.uniform(ks[6], (3 * D_FEAT,), dtype=jnp.float32, minval=-s, maxval=s)
    gru_b_hh = jax.random.uniform(ks[7], (3 * D_FEAT,), dtype=jnp.float32, minval=-s, maxval=s)
    lin_w = jax.random.uniform(ks[8], (N_TARGET, D_FEAT), dtype=jnp.float32, minval=-s, maxval=s)
    lin_b = jax.random.uniform(ks[9], (N_TARGET,), dtype=jnp.float32, minval=-s, maxval=s)
    return {"x": x, "edge_index": edge_index, "edge_weight": edge_weight,
            "initial_weight": initial_weight, "gru_w_ih": gru_w_ih, "gru_w_hh": gru_w_hh,
            "gru_b_ih": gru_b_ih, "gru_b_hh": gru_b_hh, "lin_w": lin_w, "lin_b": lin_b}


def _evolve_weight(initial_weight, gru_w_ih, gru_w_hh, gru_b_ih, gru_b_hh):
    # PyTorch GRU, single step. input = initial_weight (batch=F, feat=F), h0 = initial_weight.
    xw = initial_weight @ gru_w_ih.T + gru_b_ih  # [F, 3F]
    hw = initial_weight @ gru_w_hh.T + gru_b_hh  # [F, 3F]
    xr, xz, xn = jnp.split(xw, 3, axis=1)
    hr, hz, hn = jnp.split(hw, 3, axis=1)
    r = jax.nn.sigmoid(xr + hr)
    z = jax.nn.sigmoid(xz + hz)
    n = jnp.tanh(xn + r * hn)
    W = (1.0 - z) * n + z * initial_weight
    return W


def _gcn_conv_fixed_w(W, x, edge_index, edge_weight):
    N = x.shape[0]
    row = edge_index[0]
    col = edge_index[1]
    loop = jnp.arange(N)
    row = jnp.concatenate([row, loop])
    col = jnp.concatenate([col, loop])
    ew = jnp.concatenate([edge_weight, jnp.ones((N,), dtype=x.dtype)])
    deg = jnp.zeros((N,), dtype=x.dtype).at[col].add(ew)
    deg_safe = jnp.where(deg > 0, deg, 1.0)
    dis = jnp.where(deg > 0, deg_safe ** -0.5, 0.0)
    norm = dis[row] * ew * dis[col]
    xW = x @ W
    msgs = norm[:, None] * jnp.take(xW, row, axis=0)
    out = jnp.zeros_like(xW).at[col].add(msgs)
    return out


def reference(x, edge_index, edge_weight, initial_weight, gru_w_ih, gru_w_hh, gru_b_ih, gru_b_hh, lin_w, lin_b):
    W = _evolve_weight(initial_weight, gru_w_ih, gru_w_hh, gru_b_ih, gru_b_hh)
    h = _gcn_conv_fixed_w(W, x, edge_index, edge_weight)
    h = jax.nn.relu(h)
    h_out = h @ lin_w.T + lin_b
    return h_out

if __name__ == "__main__":
    import jax
    _d = setup_inputs()
    print(jax.jit(kernel)(*tuple(_d.values())))

</pallas_src>

<mosaic_0001>
#map = affine_map<(d0, d1) -> (0, 0)>
#map1 = affine_map<(d0, d1) -> (0, 0, 0)>
#map2 = affine_map<(d0, d1) -> (0)>
module attributes {stable_mosaic.version = 14 : i64} {
  func.func @_sc_body(%arg0: i32, %arg1: i32, %arg2: memref<2560x128xi32, #tpu.memory_space<hbm>>, %arg3: memref<2560x128xi32, #tpu.memory_space<hbm>>, %arg4: memref<2560x128xf32, #tpu.memory_space<hbm>>, %arg5: memref<10000x128xf32, #tpu.memory_space<hbm>>, %arg6: memref<2x10240x128xf32, #tpu.memory_space<hbm>>, %arg7: memref<10240xf32, #tpu.memory_space<hbm>>, %arg8: memref<10240x128xf32, #tpu.memory_space<vmem_shared>>, %arg9: memref<10240xf32, #tpu.memory_space<vmem_shared>>, %arg10: memref<10240xf32, #tpu.memory_space<vmem>>, %arg11: memref<8x128xi32, #tpu.memory_space<vmem>>, %arg12: memref<8x128xi32, #tpu.memory_space<vmem>>, %arg13: memref<8x128xf32, #tpu.memory_space<vmem>>, %arg14: memref<1024xf32, #tpu.memory_space<vmem>>, %arg15: memref<256x128xf32, #tpu.memory_space<vmem>>, %arg16: memref<!tpu.dma_semaphore, #tpu.memory_space<semaphore_mem>>) attributes {dimension_semantics = [#tpu.dimension_semantics<core_parallel>, #tpu.dimension_semantics<subcore_parallel>], iteration_bounds = array<i64: 2, 16>, scalar_prefetch = 0 : i64, scratch_operands = 9 : i64, tpu.core_type = #tpu.core_type<sc_vector_subcore>, window_params = [{transform_indices = #map}, {transform_indices = #map}, {transform_indices = #map}, {transform_indices = #map}, {transform_indices = #map1}, {transform_indices = #map2}]} {
    %broadcast_in_dim3A = arith.constant 0.000000e+00 : f32
    %broadcast_in_dim3A_0 = vector.broadcast %broadcast_in_dim3A : f32 to vector<16xf32>
    "tpu.trace_start"() <{level = 10 : i32, message = "ph0_zero"}> : () -> ()
    %scan3A = arith.constant 0 : i32
    %scan3A_1 = arith.constant 0 : i32
    %scan3A_2 = arith.constant 256 : i32
    %scan3A_3 = arith.addi %scan3A_1, %scan3A_2 : i32
    %scan3A_4 = arith.constant 1 : i32
    scf.for %scan3A_48 = %scan3A_1 to %scan3A_3 step %scan3A_4  : i32 {
      %swap3A = arith.index_cast %scan3A_48 : i32 to index
      %swap3A_49 = arith.constant 0 : index
      %swap3A_50 = tpu.vector_load %arg15[%swap3A, %swap3A_49] {strides = array<i32>} : memref<256x128xf32, #tpu.memory_space<vmem>>, vector<16xf32>,
      tpu.vector_store %arg15[%swap3A, %swap3A_49], %broadcast_in_dim3A_0 {strides = array<i32>} : memref<256x128xf32, #tpu.memory_space<vmem>>, vector<16xf32>,
      %swap3A_51 = arith.index_cast %scan3A_48 : i32 to index
      %swap3A_52 = arith.constant 16 : index
      %swap3A_53 = tpu.vector_load %arg15[%swap3A_51, %swap3A_52] {strides = array<i32>} : memref<256x128xf32, #tpu.memory_space<vmem>>, vector<16xf32>,
      tpu.vector_store %arg15[%swap3A_51, %swap3A_52], %broadcast_in_dim3A_0 {strides = array<i32>} : memref<256x128xf32, #tpu.memory_space<vmem>>, vector<16xf32>,
      %swap3A_54 = arith.index_cast %scan3A_48 : i32 to index
      %swap3A_55 = arith.constant 32 : index
      %swap3A_56 = tpu.vector_load %arg15[%swap3A_54, %swap3A_55] {strides = array<i32>} : memref<256x128xf32, #tpu.memory_space<vmem>>, vector<16xf32>,
      tpu.vector_store %arg15[%swap3A_54, %swap3A_55], %broadcast_in_dim3A_0 {strides = array<i32>} : memref<256x128xf32, #tpu.memory_space<vmem>>, vector<16xf32>,
      %swap3A_57 = arith.index_cast %scan3A_48 : i32 to index
      %swap3A_58 = arith.constant 48 : index
      %swap3A_59 = tpu.vector_load %arg15[%swap3A_57, %swap3A_58] {strides = array<i32>} : memref<256x128xf32, #tpu.memory_space<vmem>>, vector<16xf32>,
      tpu.vector_store %arg15[%swap3A_57, %swap3A_58], %broadcast_in_dim3A_0 {strides = array<i32>} : memref<256x128xf32, #tpu.memory_space<vmem>>, vector<16xf32>,
      %swap3A_60 = arith.index_cast %scan3A_48 : i32 to index
      %swap3A_61 = arith.constant 64 : index
      %swap3A_62 = tpu.vector_load %arg15[%swap3A_60, %swap3A_61] {strides = array<i32>} : memref<256x128xf32, #tpu.memory_space<vmem>>, vector<16xf32>,
      tpu.vector_store %arg15[%swap3A_60, %swap3A_61], %broadcast_in_dim3A_0 {strides = array<i32>} : memref<256x128xf32, #tpu.memory_space<vmem>>, vector<16xf32>,
      %swap3A_63 = arith.index_cast %scan3A_48 : i32 to index
      %swap3A_64 = arith.constant 80 : index
      %swap3A_65 = tpu.vector_load %arg15[%swap3A_63, %swap3A_64] {strides = array<i32>} : memref<256x128xf32, #tpu.memory_space<vmem>>, vector<16xf32>,
      tpu.vector_store %arg15[%swap3A_63, %swap3A_64], %broadcast_in_dim3A_0 {strides = array<i32>} : memref<256x128xf32, #tpu.memory_space<vmem>>, vector<16xf32>,
      %swap3A_66 = arith.index_cast %scan3A_48 : i32 to index
      %swap3A_67 = arith.constant 96 : index
      %swap3A_68 = tpu.vector_load %arg15[%swap3A_66, %swap3A_67] {strides = array<i32>} : memref<256x128xf32, #tpu.memory_space<vmem>>, vector<16xf32>,
      tpu.vector_store %arg15[%swap3A_66, %swap3A_67], %broadcast_in_dim3A_0 {strides = array<i32>} : memref<256x128xf32, #tpu.memory_space<vmem>>, vector<16xf32>,
      %swap3A_69 = arith.index_cast %scan3A_48 : i32 to index
      %swap3A_70 = arith.constant 112 : index
      %swap3A_71 = tpu.vector_load %arg15[%swap3A_69, %swap3A_70] {strides = array<i32>} : memref<256x128xf32, #tpu.memory_space<vmem>>, vector<16xf32>,
      tpu.vector_store %arg15[%swap3A_69, %swap3A_70], %broadcast_in_dim3A_0 {strides = array<i32>} : memref<256x128xf32, #tpu.memory_space<vmem>>, vector<16xf32>,
    }
    %scan3A_5 = arith.constant 256 : i32
    %scan3A_6 = arith.constant 0 : i32
    %scan3A_7 = arith.constant 0 : i32
    %scan3A_8 = arith.constant 640 : i32
    %scan3A_9 = arith.addi %scan3A_7, %scan3A_8 : i32
    %scan3A_10 = arith.constant 1 : i32
    scf.for %scan3A_48 = %scan3A_7 to %scan3A_9 step %scan3A_10  : i32 {
      %mul3A_49 = arith.constant 16 : i32
      %mul3A_50 = arith.muli %scan3A_48, %mul3A_49 : i32
      %swap3A = arith.index_cast %mul3A_50 : i32 to index
      %swap3A_51 = tpu.vector_load %arg10[%swap3A] {strides = array<i32>} : memref<10240xf32, #tpu.memory_space<vmem>>, vector<16xf32>,
      tpu.vector_store %arg10[%swap3A], %broadcast_in_dim3A_0 {strides = array<i32>} : memref<10240xf32, #tpu.memory_space<vmem>>, vector<16xf32>,
    }
    %scan3A_11 = arith.constant 640 : i32
    %mul3A = arith.constant 640 : i32
    %mul3A_12 = arith.muli %arg1, %mul3A : i32
    "tpu.region"() ({
      %run_scoped3A = tpu.sem_alloc : memref<!tpu.dma_semaphore, #tpu.memory_space<semaphore_mem>>
      %dma_start3A = arith.constant 0 : i32
      %dma_start3A_48 = arith.constant 0 : i32
      %dma_start3A_49 = tpu.memref_slice %arg15[%dma_start3A, %dma_start3A_48] : memref<256x128xf32, #tpu.memory_space<vmem>> -> memref<256x128xf32, #tpu.memory_space<vmem>>
      %dma_start3A_50 = arith.constant 0 : i32
      %dma_start3A_51 = tpu.memref_slice %arg8[%mul3A_12, %dma_start3A_50] : memref<10240x128xf32, #tpu.memory_space<vmem_shared>> -> memref<256x128xf32, #tpu.memory_space<vmem_shared>>
      %dma_start3A_52 = arith.constant 0 : i32
      %dma_start3A_53 = tpu.memref_slice %arg8[%mul3A_12, %dma_start3A_52] : memref<10240x128xf32, #tpu.memory_space<vmem_shared>> -> memref<256x128xf32, #tpu.memory_space<vmem_shared>>
      %dma_start3A_54 = arith.constant 0 : i32
      %dma_start3A_55 = arith.constant 0 : i32
      %dma_start3A_56 = tpu.memref_slice %arg15[%dma_start3A_54, %dma_start3A_55] : memref<256x128xf32, #tpu.memory_space<vmem>> -> memref<256x128xf32, #tpu.memory_space<vmem>>
      tpu.enqueue_dma source(%dma_start3A_56 : memref<256x128xf32, #tpu.memory_space<vmem>>) target(%dma_start3A_53 : memref<256x128xf32, #tpu.memory_space<vmem_shared>>) target_semaphore(%run_scoped3A : memref<!tpu.dma_semaphore, #tpu.memory_space<semaphore_mem>>)
      %dma_wait3A = arith.constant 0 : i32
      %dma_wait3A_57 = arith.constant 0 : i32
      %dma_wait3A_58 = tpu.memref_slice %arg15[%dma_wait3A, %dma_wait3A_57] : memref<256x128xf32, #tpu.memory_space<vmem>> -> memref<256x128xf32, #tpu.memory_space<vmem>>
      %dma_wait3A_59 = arith.constant 0 : i32
      %dma_wait3A_60 = tpu.memref_slice %arg8[%mul3A_12, %dma_wait3A_59] : memref<10240x128xf32, #tpu.memory_space<vmem_shared>> -> memref<256x128xf32, #tpu.memory_space<vmem_shared>>
      %dma_wait3A_61 = arith.constant 0 : i32
      %dma_wait3A_62 = tpu.memref_slice %arg8[%mul3A_12, %dma_wait3A_61] : memref<10240x128xf32, #tpu.memory_space<vmem_shared>> -> memref<256x128xf32, #tpu.memory_space<vmem_shared>>
      %dma_wait3A_63 = arith.constant 0 : i32
      %dma_wait3A_64 = arith.constant 0 : i32
      %dma_wait3A_65 = tpu.memref_slice %arg15[%dma_wait3A_63, %dma_wait3A_64] : memref<256x128xf32, #tpu.memory_space<vmem>> -> memref<256x128xf32, #tpu.memory_space<vmem>>
      tpu.wait_dma2 semaphore(%run_scoped3A : memref<!tpu.dma_semaphore, #tpu.memory_space<semaphore_mem>>) src(%dma_wait3A_65 : memref<256x128xf32, #tpu.memory_space<vmem>>) dst(%dma_wait3A_62 : memref<256x128xf32, #tpu.memory_space<vmem_shared>>)
      tpu.yield
    }) : () -> ()
    %mul3A_13 = arith.constant 640 : i32
    %mul3A_14 = arith.muli %arg1, %mul3A_13 : i32
    %add3A = arith.constant 256 : i32
    %add3A_15 = arith.addi %mul3A_14, %add3A : i32
    "tpu.region"() ({
      %run_scoped3A = tpu.sem_alloc : memref<!tpu.dma_semaphore, #tpu.memory_space<semaphore_mem>>
      %dma_start3A = arith.constant 0 : i32
      %dma_start3A_48 = arith.constant 0 : i32
      %dma_start3A_49 = tpu.memref_slice %arg15[%dma_start3A, %dma_start3A_48] : memref<256x128xf32, #tpu.memory_space<vmem>> -> memref<256x128xf32, #tpu.memory_space<vmem>>
      %dma_start3A_50 = arith.constant 0 : i32
      %dma_start3A_51 = tpu.memref_slice %arg8[%add3A_15, %dma_start3A_50] : memref<10240x128xf32, #tpu.memory_space<vmem_shared>> -> memref<256x128xf32, #tpu.memory_space<vmem_shared>>
      %dma_start3A_52 = arith.constant 0 : i32
      %dma_start3A_53 = tpu.memref_slice %arg8[%add3A_15, %dma_start3A_52] : memref<10240x128xf32, #tpu.memory_space<vmem_shared>> -> memref<256x128xf32, #tpu.memory_space<vmem_shared>>
      %dma_start3A_54 = arith.constant 0 : i32
      %dma_start3A_55 = arith.constant 0 : i32
      %dma_start3A_56 = tpu.memref_slice %arg15[%dma_start3A_54, %dma_start3A_55] : memref<256x128xf32, #tpu.memory_space<vmem>> -> memref<256x128xf32, #tpu.memory_space<vmem>>
      tpu.enqueue_dma source(%dma_start3A_56 : memref<256x128xf32, #tpu.memory_space<vmem>>) target(%dma_start3A_53 : memref<256x128xf32, #tpu.memory_space<vmem_shared>>) target_semaphore(%run_scoped3A : memref<!tpu.dma_semaphore, #tpu.memory_space<semaphore_mem>>)
      %dma_wait3A = arith.constant 0 : i32
      %dma_wait3A_57 = arith.constant 0 : i32
      %dma_wait3A_58 = tpu.memref_slice %arg15[%dma_wait3A, %dma_wait3A_57] : memref<256x128xf32, #tpu.memory_space<vmem>> -> memref<256x128xf32, #tpu.memory_space<vmem>>
      %dma_wait3A_59 = arith.constant 0 : i32
      %dma_wait3A_60 = tpu.memref_slice %arg8[%add3A_15, %dma_wait3A_59] : memref<10240x128xf32, #tpu.memory_space<vmem_shared>> -> memref<256x128xf32, #tpu.memory_space<vmem_shared>>
      %dma_wait3A_61 = arith.constant 0 : i32
      %dma_wait3A_62 = tpu.memref_slice %arg8[%add3A_15, %dma_wait3A_61] : memref<10240x128xf32, #tpu.memory_space<vmem_shared>> -> memref<256x128xf32, #tpu.memory_space<vmem_shared>>
      %dma_wait3A_63 = arith.constant 0 : i32
      %dma_wait3A_64 = arith.constant 0 : i32
      %dma_wait3A_65 = tpu.memref_slice %arg15[%dma_wait3A_63, %dma_wait3A_64] : memref<256x128xf32, #tpu.memory_space<vmem>> -> memref<256x128xf32, #tpu.memory_space<vmem>>
      tpu.wait_dma2 semaphore(%run_scoped3A : memref<!tpu.dma_semaphore, #tpu.memory_space<semaphore_mem>>) src(%dma_wait3A_65 : memref<256x128xf32, #tpu.memory_space<vmem>>) dst(%dma_wait3A_62 : memref<256x128xf32, #tpu.memory_space<vmem_shared>>)
      tpu.yield
    }) : () -> ()
    %mul3A_16 = arith.constant 640 : i32
    %mul3A_17 = arith.muli %arg1, %mul3A_16 : i32
    %add3A_18 = arith.constant 512 : i32
    %add3A_19 = arith.addi %mul3A_17, %add3A_18 : i32
    "tpu.region"() ({
      %run_scoped3A = tpu.sem_alloc : memref<!tpu.dma_semaphore, #tpu.memory_space<semaphore_mem>>
      %dma_start3A = arith.constant 0 : i32
      %dma_start3A_48 = arith.constant 0 : i32
      %dma_start3A_49 = tpu.memref_slice %arg15[%dma_start3A, %dma_start3A_48] : memref<256x128xf32, #tpu.memory_space<vmem>> -> memref<128x128xf32, #tpu.memory_space<vmem>>
      %dma_start3A_50 = arith.constant 0 : i32
      %dma_start3A_51 = tpu.memref_slice %arg8[%add3A_19, %dma_start3A_50] : memref<10240x128xf32, #tpu.memory_space<vmem_shared>> -> memref<128x128xf32, #tpu.memory_space<vmem_shared>>
      %dma_start3A_52 = arith.constant 0 : i32
      %dma_start3A_53 = tpu.memref_slice %arg8[%add3A_19, %dma_start3A_52] : memref<10240x128xf32, #tpu.memory_space<vmem_shared>> -> memref<128x128xf32, #tpu.memory_space<vmem_shared>>
      %dma_start3A_54 = arith.constant 0 : i32
      %dma_start3A_55 = arith.constant 0 : i32
      %dma_start3A_56 = tpu.memref_slice %arg15[%dma_start3A_54, %dma_start3A_55] : memref<256x128xf32, #tpu.memory_space<vmem>> -> memref<128x128xf32, #tpu.memory_space<vmem>>
      tpu.enqueue_dma source(%dma_start3A_56 : memref<128x128xf32, #tpu.memory_space<vmem>>) target(%dma_start3A_53 : memref<128x128xf32, #tpu.memory_space<vmem_shared>>) target_semaphore(%run_scoped3A : memref<!tpu.dma_semaphore, #tpu.memory_space<semaphore_mem>>)
      %dma_wait3A = arith.constant 0 : i32
      %dma_wait3A_57 = arith.constant 0 : i32
      %dma_wait3A_58 = tpu.memref_slice %arg15[%dma_wait3A, %dma_wait3A_57] : memref<256x128xf32, #tpu.memory_space<vmem>> -> memref<128x128xf32, #tpu.memory_space<vmem>>
      %dma_wait3A_59 = arith.constant 0 : i32
      %dma_wait3A_60 = tpu.memref_slice %arg8[%add3A_19, %dma_wait3A_59] : memref<10240x128xf32, #tpu.memory_space<vmem_shared>> -> memref<128x128xf32, #tpu.memory_space<vmem_shared>>
      %dma_wait3A_61 = arith.constant 0 : i32
      %dma_wait3A_62 = tpu.memref_slice %arg8[%add3A_19, %dma_wait3A_61] : memref<10240x128xf32, #tpu.memory_space<vmem_shared>> -> memref<128x128xf32, #tpu.memory_space<vmem_shared>>
      %dma_wait3A_63 = arith.constant 0 : i32
      %dma_wait3A_64 = arith.constant 0 : i32
      %dma_wait3A_65 = tpu.memref_slice %arg15[%dma_wait3A_63, %dma_wait3A_64] : memref<256x128xf32, #tpu.memory_space<vmem>> -> memref<128x128xf32, #tpu.memory_space<vmem>>
      tpu.wait_dma2 semaphore(%run_scoped3A : memref<!tpu.dma_semaphore, #tpu.memory_space<semaphore_mem>>) src(%dma_wait3A_65 : memref<128x128xf32, #tpu.memory_space<vmem>>) dst(%dma_wait3A_62 : memref<128x128xf32, #tpu.memory_space<vmem_shared>>)
      tpu.yield
    }) : () -> ()
    %mul3A_20 = arith.constant 640 : i32
    %mul3A_21 = arith.muli %arg1, %mul3A_20 : i32
    "tpu.region"() ({
      %run_scoped3A = tpu.sem_alloc : memref<!tpu.dma_semaphore, #tpu.memory_space<semaphore_mem>>
      %dma_start3A = arith.constant 0 : i32
      %dma_start3A_48 = tpu.memref_slice %arg10[%dma_start3A] : memref<10240xf32, #tpu.memory_space<vmem>> -> memref<640xf32, #tpu.memory_space<vmem>>
      %dma_start3A_49 = tpu.memref_slice %arg9[%mul3A_21] : memref<10240xf32, #tpu.memory_space<vmem_shared>> -> memref<640xf32, #tpu.memory_space<vmem_shared>>
      %dma_start3A_50 = tpu.memref_slice %arg9[%mul3A_21] : memref<10240xf32, #tpu.memory_space<vmem_shared>> -> memref<640xf32, #tpu.memory_space<vmem_shared>>
      %dma_start3A_51 = arith.constant 0 : i32
      %dma_start3A_52 = tpu.memref_slice %arg10[%dma_start3A_51] : memref<10240xf32, #tpu.memory_space<vmem>> -> memref<640xf32, #tpu.memory_space<vmem>>
      tpu.enqueue_dma source(%dma_start3A_52 : memref<640xf32, #tpu.memory_space<vmem>>) target(%dma_start3A_50 : memref<640xf32, #tpu.memory_space<vmem_shared>>) target_semaphore(%run_scoped3A : memref<!tpu.dma_semaphore, #tpu.memory_space<semaphore_mem>>)
      %dma_wait3A = arith.constant 0 : i32
      %dma_wait3A_53 = tpu.memref_slice %arg10[%dma_wait3A] : memref<10240xf32, #tpu.memory_space<vmem>> -> memref<640xf32, #tpu.memory_space<vmem>>
      %dma_wait3A_54 = tpu.memref_slice %arg9[%mul3A_21] : memref<10240xf32, #tpu.memory_space<vmem_shared>> -> memref<640xf32, #tpu.memory_space<vmem_shared>>
      %dma_wait3A_55 = tpu.memref_slice %arg9[%mul3A_21] : memref<10240xf32, #tpu.memory_space<vmem_shared>> -> memref<640xf32, #tpu.memory_space<vmem_shared>>
      %dma_wait3A_56 = arith.constant 0 : i32
      %dma_wait3A_57 = tpu.memref_slice %arg10[%dma_wait3A_56] : memref<10240xf32, #tpu.memory_space<vmem>> -> memref<640xf32, #tpu.memory_space<vmem>>
      tpu.wait_dma2 semaphore(%run_scoped3A : memref<!tpu.dma_semaphore, #tpu.memory_space<semaphore_mem>>) src(%dma_wait3A_57 : memref<640xf32, #tpu.memory_space<vmem>>) dst(%dma_wait3A_55 : memref<640xf32, #tpu.memory_space<vmem_shared>>)
      tpu.yield
    }) : () -> ()
    %barrier3A = arith.constant 0 : index
    tpu.barrier barrier_id(%barrier3A)
    "tpu.trace_stop"() : () -> ()
    "tpu.trace_start"() <{level = 10 : i32, message = "ph1_deg"}> : () -> ()
    %scan3A_22 = arith.constant 0 : i32
    %scan3A_23 = arith.constant 0 : i32
    %scan3A_24 = arith.constant 20 : i32
    %scan3A_25 = arith.addi %scan3A_23, %scan3A_24 : i32
    %scan3A_26 = arith.constant 1 : i32
    scf.for %scan3A_48 = %scan3A_23 to %scan3A_25 step %scan3A_26  : i32 {
      %mul3A_49 = arith.constant 20 : i32
      %mul3A_50 = arith.muli %arg1, %mul3A_49 : i32
      %add3A_51 = arith.addi %mul3A_50, %scan3A_48 : i32
      %mul3A_52 = arith.constant 8 : i32
      %mul3A_53 = arith.muli %add3A_51, %mul3A_52 : i32
      %dma_start3A = arith.constant 0 : i32
      %dma_start3A_54 = tpu.memref_slice %arg3[%mul3A_53, %dma_start3A] : memref<2560x128xi32, #tpu.memory_space<hbm>> -> memref<8x128xi32, #tpu.memory_space<hbm>>
      %dma_start3A_55 = arith.constant 0 : i32
      %dma_start3A_56 = tpu.memref_slice %arg3[%mul3A_53, %dma_start3A_55] : memref<2560x128xi32, #tpu.memory_space<hbm>> -> memref<8x128xi32, #tpu.memory_space<hbm>>
      tpu.enqueue_dma source(%dma_start3A_56 : memref<8x128xi32, #tpu.memory_space<hbm>>) target(%arg12 : memref<8x128xi32, #tpu.memory_space<vmem>>) target_semaphore(%arg16 : memref<!tpu.dma_semaphore, #tpu.memory_space<semaphore_mem>>)
      %dma_start3A_57 = arith.constant 0 : i32
      %dma_start3A_58 = tpu.memref_slice %arg4[%mul3A_53, %dma_start3A_57] : memref<2560x128xf32, #tpu.memory_space<hbm>> -> memref<8x128xf32, #tpu.memory_space<hbm>>
      %dma_start3A_59 = arith.constant 0 : i32
      %dma_start3A_60 = tpu.memref_slice %arg4[%mul3A_53, %dma_start3A_59] : memref<2560x128xf32, #tpu.memory_space<hbm>> -> memref<8x128xf32, #tpu.memory_space<hbm>>
      tpu.enqueue_dma source(%dma_start3A_60 : memref<8x128xf32, #tpu.memory_space<hbm>>) target(%arg13 : memref<8x128xf32, #tpu.memory_space<vmem>>) target_semaphore(%arg16 : memref<!tpu.dma_semaphore, #tpu.memory_space<semaphore_mem>>)
      %dma_wait3A = arith.constant 0 : i32
      %dma_wait3A_61 = tpu.memref_slice %arg3[%mul3A_53, %dma_wait3A] : memref<2560x128xi32, #tpu.memory_space<hbm>> -> memref<8x128xi32, #tpu.memory_space<hbm>>
      %dma_wait3A_62 = arith.constant 0 : i32
      %dma_wait3A_63 = tpu.memref_slice %arg3[%mul3A_53, %dma_wait3A_62] : memref<2560x128xi32, #tpu.memory_space<hbm>> -> memref<8x128xi32, #tpu.memory_space<hbm>>
      tpu.wait_dma2 semaphore(%arg16 : memref<!tpu.dma_semaphore, #tpu.memory_space<semaphore_mem>>) src(%dma_wait3A_63 : memref<8x128xi32, #tpu.memory_space<hbm>>) dst(%arg12 : memref<8x128xi32, #tpu.memory_space<vmem>>)
      %dma_wait3A_64 = arith.constant 0 : i32
      %dma_wait3A_65 = tpu.memref_slice %arg4[%mul3A_53, %dma_wait3A_64] : memref<2560x128xf32, #tpu.memory_space<hbm>> -> memref<8x128xf32, #tpu.memory_space<hbm>>
      %dma_wait3A_66 = arith.constant 0 : i32
      %dma_wait3A_67 = tpu.memref_slice %arg4[%mul3A_53, %dma_wait3A_66] : memref<2560x128xf32, #tpu.memory_space<hbm>> -> memref<8x128xf32, #tpu.memory_space<hbm>>
      tpu.wait_dma2 semaphore(%arg16 : memref<!tpu.dma_semaphore, #tpu.memory_space<semaphore_mem>>) src(%dma_wait3A_67 : memref<8x128xf32, #tpu.memory_space<hbm>>) dst(%arg13 : memref<8x128xf32, #tpu.memory_space<vmem>>)
      %run_scoped3A = arith.constant 0 : i32
      %run_scoped3A_68 = arith.constant 0 : i32
      "tpu.region"() ({
        %run_scoped3A_83 = tpu.sem_alloc : memref<!tpu.dma_semaphore, #tpu.memory_space<semaphore_mem>>
        %dma_start3A_84 = arith.constant 0 : i32
        %dma_start3A_85 = tpu.memref_slice %arg13[%run_scoped3A, %dma_start3A_84] : memref<8x128xf32, #tpu.memory_space<vmem>> -> memref<1x128xf32, #tpu.memory_space<vmem>>
        %dma_start3A_86 = tpu.memref_squeeze %dma_start3A_85 : memref<1x128xf32, #tpu.memory_space<vmem>> -> memref<128xf32, #tpu.memory_space<vmem>>
        %dma_start3A_87 = arith.constant 0 : i32
        %dma_start3A_88 = tpu.memref_slice %arg12[%run_scoped3A_68, %dma_start3A_87] : memref<8x128xi32, #tpu.memory_space<vmem>> -> memref<1x128xi32, #tpu.memory_space<vmem>>
        %dma_start3A_89 = tpu.memref_squeeze %dma_start3A_88 : memref<1x128xi32, #tpu.memory_space<vmem>> -> memref<128xi32, #tpu.memory_space<vmem>>
        %dma_start3A_90 = arith.constant 0 : i32
        %dma_start3A_91 = tpu.memref_slice %arg9[%dma_start3A_90] : memref<10240xf32, #tpu.memory_space<vmem_shared>> -> memref<10240xf32, #tpu.memory_space<vmem_shared>>
        tpu.enqueue_indirect_dma source(%dma_start3A_86 : memref<128xf32, #tpu.memory_space<vmem>>) target(%dma_start3A_91 : memref<10240xf32, #tpu.memory_space<vmem_shared>>) offsets(%dma_start3A_89 : memref<128xi32, #tpu.memory_space<vmem>>) semaphore(%run_scoped3A_83 : memref<!tpu.dma_semaphore, #tpu.memory_space<semaphore_mem>>) {add = true}
        %dma_wait3A_92 = arith.constant 0 : i32
        %dma_wait3A_93 = tpu.memref_slice %arg13[%run_scoped3A, %dma_wait3A_92] : memref<8x128xf32, #tpu.memory_space<vmem>> -> memref<1x128xf32, #tpu.memory_space<vmem>>
        %dma_wait3A_94 = tpu.memref_squeeze %dma_wait3A_93 : memref<1x128xf32, #tpu.memory_space<vmem>> -> memref<128xf32, #tpu.memory_space<vmem>>
        %dma_wait3A_95 = arith.constant 0 : i32
        %dma_wait3A_96 = tpu.memref_slice %arg12[%run_scoped3A_68, %dma_wait3A_95] : memref<8x128xi32, #tpu.memory_space<vmem>> -> memref<1x128xi32, #tpu.memory_space<vmem>>
        %dma_wait3A_97 = tpu.memref_squeeze %dma_wait3A_96 : memref<1x128xi32, #tpu.memory_space<vmem>> -> memref<128xi32, #tpu.memory_space<vmem>>
        %dma_wait3A_98 = arith.constant 0 : i32
        %dma_wait3A_99 = tpu.memref_slice %arg9[%dma_wait3A_98] : memref<10240xf32, #tpu.memory_space<vmem_shared>> -> memref<10240xf32, #tpu.memory_space<vmem_shared>>
        tpu.wait_indirect_dma semaphore(%run_scoped3A_83 : memref<!tpu.dma_semaphore, #tpu.memory_space<semaphore_mem>>) src(%dma_wait3A_94 : memref<128xf32, #tpu.memory_space<vmem>>) dst(%dma_wait3A_99 : memref<10240xf32, #tpu.memory_space<vmem_shared>>)
        tpu.yield
      }) : () -> ()
      %run_scoped3A_69 = arith.constant 1 : i32
      %run_scoped3A_70 = arith.constant 1 : i32
      "tpu.region"() ({
        %run_scoped3A_83 = tpu.sem_alloc : memref<!tpu.dma_semaphore, #tpu.memory_space<semaphore_mem>>
        %dma_start3A_84 = arith.constant 0 : i32
        %dma_start3A_85 = tpu.memref_slice %arg13[%run_scoped3A_69, %dma_start3A_84] : memref<8x128xf32, #tpu.memory_space<vmem>> -> memref<1x128xf32, #tpu.memory_space<vmem>>
        %dma_start3A_86 = tpu.memref_squeeze %dma_start3A_85 : memref<1x128xf32, #tpu.memory_space<vmem>> -> memref<128xf32, #tpu.memory_space<vmem>>
        %dma_start3A_87 = arith.constant 0 : i32
        %dma_start3A_88 = tpu.memref_slice %arg12[%run_scoped3A_70, %dma_start3A_87] : memref<8x128xi32, #tpu.memory_space<vmem>> -> memref<1x128xi32, #tpu.memory_space<vmem>>
        %dma_start3A_89 = tpu.memref_squeeze %dma_start3A_88 : memref<1x128xi32, #tpu.memory_space<vmem>> -> memref<128xi32, #tpu.memory_space<vmem>>
        %dma_start3A_90 = arith.constant 0 : i32
        %dma_start3A_91 = tpu.memref_slice %arg9[%dma_start3A_90] : memref<10240xf32, #tpu.memory_space<vmem_shared>> -> memref<10240xf32, #tpu.memory_space<vmem_shared>>
        tpu.enqueue_indirect_dma source(%dma_start3A_86 : memref<128xf32, #tpu.memory_space<vmem>>) target(%dma_start3A_91 : memref<10240xf32, #tpu.memory_space<vmem_shared>>) offsets(%dma_start3A_89 : memref<128xi32, #tpu.memory_space<vmem>>) semaphore(%run_scoped3A_83 : memref<!tpu.dma_semaphore, #tpu.memory_space<semaphore_mem>>) {add = true}
        %dma_wait3A_92 = arith.constant 0 : i32
        %dma_wait3A_93 = tpu.memref_slice %arg13[%run_scoped3A_69, %dma_wait3A_92] : memref<8x128xf32, #tpu.memory_space<vmem>> -> memref<1x128xf32, #tpu.memory_space<vmem>>
        %dma_wait3A_94 = tpu.memref_squeeze %dma_wait3A_93 : memref<1x128xf32, #tpu.memory_space<vmem>> -> memref<128xf32, #tpu.memory_space<vmem>>
        %dma_wait3A_95 = arith.constant 0 : i32
        %dma_wait3A_96 = tpu.memref_slice %arg12[%run_scoped3A_70, %dma_wait3A_95] : memref<8x128xi32, #tpu.memory_space<vmem>> -> memref<1x128xi32, #tpu.memory_space<vmem>>
        %dma_wait3A_97 = tpu.memref_squeeze %dma_wait3A_96 : memref<1x128xi32, #tpu.memory_space<vmem>> -> memref<128xi32, #tpu.memory_space<vmem>>
        %dma_wait3A_98 = arith.constant 0 : i32
        %dma_wait3A_99 = tpu.memref_slice %arg9[%dma_wait3A_98] : memref<10240xf32, #tpu.memory_space<vmem_shared>> -> memref<10240xf32, #tpu.memory_space<vmem_shared>>
        tpu.wait_indirect_dma semaphore(%run_scoped3A_83 : memref<!tpu.dma_semaphore, #tpu.memory_space<semaphore_mem>>) src(%dma_wait3A_94 : memref<128xf32, #tpu.memory_space<vmem>>) dst(%dma_wait3A_99 : memref<10240xf32, #tpu.memory_space<vmem_shared>>)
        tpu.yield
      }) : () -> ()
      %run_scoped3A_71 = arith.constant 2 : i32
      %run_scoped3A_72 = arith.constant 2 : i32
      "tpu.region"() ({
        %run_scoped3A_83 = tpu.sem_alloc : memref<!tpu.dma_semaphore, #tpu.memory_space<semaphore_mem>>
        %dma_start3A_84 = arith.constant 0 : i32
        %dma_start3A_85 = tpu.memref_slice %arg13[%run_scoped3A_71, %dma_start3A_84] : memref<8x128xf32, #tpu.memory_space<vmem>> -> memref<1x128xf32, #tpu.memory_space<vmem>>
        %dma_start3A_86 = tpu.memref_squeeze %dma_start3A_85 : memref<1x128xf32, #tpu.memory_space<vmem>> -> memref<128xf32, #tpu.memory_space<vmem>>
        %dma_start3A_87 = arith.constant 0 : i32
        %dma_start3A_88 = tpu.memref_slice %arg12[%run_scoped3A_72, %dma_start3A_87] : memref<8x128xi32, #tpu.memory_space<vmem>> -> memref<1x128xi32, #tpu.memory_space<vmem>>
        %dma_start3A_89 = tpu.memref_squeeze %dma_start3A_88 : memref<1x128xi32, #tpu.memory_space<vmem>> -> memref<128xi32, #tpu.memory_space<vmem>>
        %dma_start3A_90 = arith.constant 0 : i32
        %dma_start3A_91 = tpu.memref_slice %arg9[%dma_start3A_90] : memref<10240xf32, #tpu.memory_space<vmem_shared>> -> memref<10240xf32, #tpu.memory_space<vmem_shared>>
        tpu.enqueue_indirect_dma source(%dma_start3A_86 : memref<128xf32, #tpu.memory_space<vmem>>) target(%dma_start3A_91 : memref<10240xf32, #tpu.memory_space<vmem_shared>>) offsets(%dma_start3A_89 : memref<128xi32, #tpu.memory_space<vmem>>) semaphore(%run_scoped3A_83 : memref<!tpu.dma_semaphore, #tpu.memory_space<semaphore_mem>>) {add = true}
        %dma_wait3A_92 = arith.constant 0 : i32
        %dma_wait3A_93 = tpu.memref_slice %arg13[%run_scoped3A_71, %dma_wait3A_92] : memref<8x128xf32, #tpu.memory_space<vmem>> -> memref<1x128xf32, #tpu.memory_space<vmem>>
        %dma_wait3A_94 = tpu.memref_squeeze %dma_wait3A_93 : memref<1x128xf32, #tpu.memory_space<vmem>> -> memref<128xf32, #tpu.memory_space<vmem>>
        %dma_wait3A_95 = arith.constant 0 : i32
        %dma_wait3A_96 = tpu.memref_slice %arg12[%run_scoped3A_72, %dma_wait3A_95] : memref<8x128xi32, #tpu.memory_space<vmem>> -> memref<1x128xi32, #tpu.memory_space<vmem>>
        %dma_wait3A_97 = tpu.memref_squeeze %dma_wait3A_96 : memref<1x128xi32, #tpu.memory_space<vmem>> -> memref<128xi32, #tpu.memory_space<vmem>>
        %dma_wait3A_98 = arith.constant 0 : i32
        %dma_wait3A_99 = tpu.memref_slice %arg9[%dma_wait3A_98] : memref<10240xf32, #tpu.memory_space<vmem_shared>> -> memref<10240xf32, #tpu.memory_space<vmem_shared>>
        tpu.wait_indirect_dma semaphore(%run_scoped3A_83 : memref<!tpu.dma_semaphore, #tpu.memory_space<semaphore_mem>>) src(%dma_wait3A_94 : memref<128xf32, #tpu.memory_space<vmem>>) dst(%dma_wait3A_99 : memref<10240xf32, #tpu.memory_space<vmem_shared>>)
        tpu.yield
      }) : () -> ()
      %run_scoped3A_73 = arith.constant 3 : i32
      %run_scoped3A_74 = arith.constant 3 : i32
      "tpu.region"() ({
        %run_scoped3A_83 = tpu.sem_alloc : memref<!tpu.dma_semaphore, #tpu.memory_space<semaphore_mem>>
        %dma_start3A_84 = arith.constant 0 : i32
        %dma_start3A_85 = tpu.memref_slice %arg13[%run_scoped3A_73, %dma_start3A_84] : memref<8x128xf32, #tpu.memory_space<vmem>> -> memref<1x128xf32, #tpu.memory_space<vmem>>
        %dma_start3A_86 = tpu.memref_squeeze %dma_start3A_85 : memref<1x128xf32, #tpu.memory_space<vmem>> -> memref<128xf32, #tpu.memory_space<vmem>>
        %dma_start3A_87 = arith.constant 0 : i32
        %dma_start3A_88 = tpu.memref_slice %arg12[%run_scoped3A_74, %dma_start3A_87] : memref<8x128xi32, #tpu.memory_space<vmem>> -> memref<1x128xi32, #tpu.memory_space<vmem>>
        %dma_start3A_89 = tpu.memref_squeeze %dma_start3A_88 : memref<1x128xi32, #tpu.memory_space<vmem>> -> memref<128xi32, #tpu.memory_space<vmem>>
        %dma_start3A_90 = arith.constant 0 : i32
        %dma_start3A_91 = tpu.memref_slice %arg9[%dma_start3A_90] : memref<10240xf32, #tpu.memory_space<vmem_shared>> -> memref<10240xf32, #tpu.memory_space<vmem_shared>>
        tpu.enqueue_indirect_dma source(%dma_start3A_86 : memref<128xf32, #tpu.memory_space<vmem>>) target(%dma_start3A_91 : memref<10240xf32, #tpu.memory_space<vmem_shared>>) offsets(%dma_start3A_89 : memref<128xi32, #tpu.memory_space<vmem>>) semaphore(%run_scoped3A_83 : memref<!tpu.dma_semaphore, #tpu.memory_space<semaphore_mem>>) {add = true}
        %dma_wait3A_92 = arith.constant 0 : i32
        %dma_wait3A_93 = tpu.memref_slice %arg13[%run_scoped3A_73, %dma_wait3A_92] : memref<8x128xf32, #tpu.memory_space<vmem>> -> memref<1x128xf32, #tpu.memory_space<vmem>>
        %dma_wait3A_94 = tpu.memref_squeeze %dma_wait3A_93 : memref<1x128xf32, #tpu.memory_space<vmem>> -> memref<128xf32, #tpu.memory_space<vmem>>
        %dma_wait3A_95 = arith.constant 0 : i32
        %dma_wait3A_96 = tpu.memref_slice %arg12[%run_scoped3A_74, %dma_wait3A_95] : memref<8x128xi32, #tpu.memory_space<vmem>> -> memref<1x128xi32, #tpu.memory_space<vmem>>
        %dma_wait3A_97 = tpu.memref_squeeze %dma_wait3A_96 : memref<1x128xi32, #tpu.memory_space<vmem>> -> memref<128xi32, #tpu.memory_space<vmem>>
        %dma_wait3A_98 = arith.constant 0 : i32
        %dma_wait3A_99 = tpu.memref_slice %arg9[%dma_wait3A_98] : memref<10240xf32, #tpu.memory_space<vmem_shared>> -> memref<10240xf32, #tpu.memory_space<vmem_shared>>
        tpu.wait_indirect_dma semaphore(%run_scoped3A_83 : memref<!tpu.dma_semaphore, #tpu.memory_space<semaphore_mem>>) src(%dma_wait3A_94 : memref<128xf32, #tpu.memory_space<vmem>>) dst(%dma_wait3A_99 : memref<10240xf32, #tpu.memory_space<vmem_shared>>)
        tpu.yield
      }) : () -> ()
      %run_scoped3A_75 = arith.constant 4 : i32
      %run_scoped3A_76 = arith.constant 4 : i32
      "tpu.region"() ({
        %run_scoped3A_83 = tpu.sem_alloc : memref<!tpu.dma_semaphore, #tpu.memory_space<semaphore_mem>>
        %dma_start3A_84 = arith.constant 0 : i32
        %dma_start3A_85 = tpu.memref_slice %arg13[%run_scoped3A_75, %dma_start3A_84] : memref<8x128xf32, #tpu.memory_space<vmem>> -> memref<1x128xf32, #tpu.memory_space<vmem>>
        %dma_start3A_86 = tpu.memref_squeeze %dma_start3A_85 : memref<1x128xf32, #tpu.memory_space<vmem>> -> memref<128xf32, #tpu.memory_space<vmem>>
        %dma_start3A_87 = arith.constant 0 : i32
        %dma_start3A_88 = tpu.memref_slice %arg12[%run_scoped3A_76, %dma_start3A_87] : memref<8x128xi32, #tpu.memory_space<vmem>> -> memref<1x128xi32, #tpu.memory_space<vmem>>
        %dma_start3A_89 = tpu.memref_squeeze %dma_start3A_88 : memref<1x128xi32, #tpu.memory_space<vmem>> -> memref<128xi32, #tpu.memory_space<vmem>>
        %dma_start3A_90 = arith.constant 0 : i32
        %dma_start3A_91 = tpu.memref_slice %arg9[%dma_start3A_90] : memref<10240xf32, #tpu.memory_space<vmem_shared>> -> memref<10240xf32, #tpu.memory_space<vmem_shared>>
        tpu.enqueue_indirect_dma source(%dma_start3A_86 : memref<128xf32, #tpu.memory_space<vmem>>) target(%dma_start3A_91 : memref<10240xf32, #tpu.memory_space<vmem_shared>>) offsets(%dma_start3A_89 : memref<128xi32, #tpu.memory_space<vmem>>) semaphore(%run_scoped3A_83 : memref<!tpu.dma_semaphore, #tpu.memory_space<semaphore_mem>>) {add = true}
        %dma_wait3A_92 = arith.constant 0 : i32
        %dma_wait3A_93 = tpu.memref_slice %arg13[%run_scoped3A_75, %dma_wait3A_92] : memref<8x128xf32, #tpu.memory_space<vmem>> -> memref<1x128xf32, #tpu.memory_space<vmem>>
        %dma_wait3A_94 = tpu.memref_squeeze %dma_wait3A_93 : memref<1x128xf32, #tpu.memory_space<vmem>> -> memref<128xf32, #tpu.memory_space<vmem>>
        %dma_wait3A_95 = arith.constant 0 : i32
        %dma_wait3A_96 = tpu.memref_slice %arg12[%run_scoped3A_76, %dma_wait3A_95] : memref<8x128xi32, #tpu.memory_space<vmem>> -> memref<1x128xi32, #tpu.memory_space<vmem>>
        %dma_wait3A_97 = tpu.memref_squeeze %dma_wait3A_96 : memref<1x128xi32, #tpu.memory_space<vmem>> -> memref<128xi32, #tpu.memory_space<vmem>>
        %dma_wait3A_98 = arith.constant 0 : i32
        %dma_wait3A_99 = tpu.memref_slice %arg9[%dma_wait3A_98] : memref<10240xf32, #tpu.memory_space<vmem_shared>> -> memref<10240xf32, #tpu.memory_space<vmem_shared>>
        tpu.wait_indirect_dma semaphore(%run_scoped3A_83 : memref<!tpu.dma_semaphore, #tpu.memory_space<semaphore_mem>>) src(%dma_wait3A_94 : memref<128xf32, #tpu.memory_space<vmem>>) dst(%dma_wait3A_99 : memref<10240xf32, #tpu.memory_space<vmem_shared>>)
        tpu.yield
      }) : () -> ()
      %run_scoped3A_77 = arith.constant 5 : i32
      %run_scoped3A_78 = arith.constant 5 : i32
      "tpu.region"() ({
        %run_scoped3A_83 = tpu.sem_alloc : memref<!tpu.dma_semaphore, #tpu.memory_space<semaphore_mem>>
        %dma_start3A_84 = arith.constant 0 : i32
        %dma_start3A_85 = tpu.memref_slice %arg13[%run_scoped3A_77, %dma_start3A_84] : memref<8x128xf32, #tpu.memory_space<vmem>> -> memref<1x128xf32, #tpu.memory_space<vmem>>
        %dma_start3A_86 = tpu.memref_squeeze %dma_start3A_85 : memref<1x128xf32, #tpu.memory_space<vmem>> -> memref<128xf32, #tpu.memory_space<vmem>>
        %dma_start3A_87 = arith.constant 0 : i32
        %dma_start3A_88 = tpu.memref_slice %arg12[%run_scoped3A_78, %dma_start3A_87] : memref<8x128xi32, #tpu.memory_space<vmem>> -> memref<1x128xi32, #tpu.memory_space<vmem>>
        %dma_start3A_89 = tpu.memref_squeeze %dma_start3A_88 : memref<1x128xi32, #tpu.memory_space<vmem>> -> memref<128xi32, #tpu.memory_space<vmem>>
        %dma_start3A_90 = arith.constant 0 : i32
        %dma_start3A_91 = tpu.memref_slice %arg9[%dma_start3A_90] : memref<10240xf32, #tpu.memory_space<vmem_shared>> -> memref<10240xf32, #tpu.memory_space<vmem_shared>>
        tpu.enqueue_indirect_dma source(%dma_start3A_86 : memref<128xf32, #tpu.memory_space<vmem>>) target(%dma_start3A_91 : memref<10240xf32, #tpu.memory_space<vmem_shared>>) offsets(%dma_start3A_89 : memref<128xi32, #tpu.memory_space<vmem>>) semaphore(%run_scoped3A_83 : memref<!tpu.dma_semaphore, #tpu.memory_space<semaphore_mem>>) {add = true}
        %dma_wait3A_92 = arith.constant 0 : i32
        %dma_wait3A_93 = tpu.memref_slice %arg13[%run_scoped3A_77, %dma_wait3A_92] : memref<8x128xf32, #tpu.memory_space<vmem>> -> memref<1x128xf32, #tpu.memory_space<vmem>>
        %dma_wait3A_94 = tpu.memref_squeeze %dma_wait3A_93 : memref<1x128xf32, #tpu.memory_space<vmem>> -> memref<128xf32, #tpu.memory_space<vmem>>
        %dma_wait3A_95 = arith.constant 0 : i32
        %dma_wait3A_96 = tpu.memref_slice %arg12[%run_scoped3A_78, %dma_wait3A_95] : memref<8x128xi32, #tpu.memory_space<vmem>> -> memref<1x128xi32, #tpu.memory_space<vmem>>
        %dma_wait3A_97 = tpu.memref_squeeze %dma_wait3A_96 : memref<1x128xi32, #tpu.memory_space<vmem>> -> memref<128xi32, #tpu.memory_space<vmem>>
        %dma_wait3A_98 = arith.constant 0 : i32
        %dma_wait3A_99 = tpu.memref_slice %arg9[%dma_wait3A_98] : memref<10240xf32, #tpu.memory_space<vmem_shared>> -> memref<10240xf32, #tpu.memory_space<vmem_shared>>
        tpu.wait_indirect_dma semaphore(%run_scoped3A_83 : memref<!tpu.dma_semaphore, #tpu.memory_space<semaphore_mem>>) src(%dma_wait3A_94 : memref<128xf32, #tpu.memory_space<vmem>>) dst(%dma_wait3A_99 : memref<10240xf32, #tpu.memory_space<vmem_shared>>)
        tpu.yield
      }) : () -> ()
      %run_scoped3A_79 = arith.constant 6 : i32
      %run_scoped3A_80 = arith.constant 6 : i32
      "tpu.region"() ({
        %run_scoped3A_83 = tpu.sem_alloc : memref<!tpu.dma_semaphore, #tpu.memory_space<semaphore_mem>>
        %dma_start3A_84 = arith.constant 0 : i32
        %dma_start3A_85 = tpu.memref_slice %arg13[%run_scoped3A_79, %dma_start3A_84] : memref<8x128xf32, #tpu.memory_space<vmem>> -> memref<1x128xf32, #tpu.memory_space<vmem>>
        %dma_start3A_86 = tpu.memref_squeeze %dma_start3A_85 : memref<1x128xf32, #tpu.memory_space<vmem>> -> memref<128xf32, #tpu.memory_space<vmem>>
        %dma_start3A_87 = arith.constant 0 : i32
        %dma_start3A_88 = tpu.memref_slice %arg12[%run_scoped3A_80, %dma_start3A_87] : memref<8x128xi32, #tpu.memory_space<vmem>> -> memref<1x128xi32, #tpu.memory_space<vmem>>
        %dma_start3A_89 = tpu.memref_squeeze %dma_start3A_88 : memref<1x128xi32, #tpu.memory_space<vmem>> -> memref<128xi32, #tpu.memory_space<vmem>>
        %dma_start3A_90 = arith.constant 0 : i32
        %dma_start3A_91 = tpu.memref_slice %arg9[%dma_start3A_90] : memref<10240xf32, #tpu.memory_space<vmem_shared>> -> memref<10240xf32, #tpu.memory_space<vmem_shared>>
        tpu.enqueue_indirect_dma source(%dma_start3A_86 : memref<128xf32, #tpu.memory_space<vmem>>) target(%dma_start3A_91 : memref<10240xf32, #tpu.memory_space<vmem_shared>>) offsets(%dma_start3A_89 : memref<128xi32, #tpu.memory_space<vmem>>) semaphore(%run_scoped3A_83 : memref<!tpu.dma_semaphore, #tpu.memory_space<semaphore_mem>>) {add = true}
        %dma_wait3A_92 = arith.constant 0 : i32
        %dma_wait3A_93 = tpu.memref_slice %arg13[%run_scoped3A_79, %dma_wait3A_92] : memref<8x128xf32, #tpu.memory_space<vmem>> -> memref<1x128xf32, #tpu.memory_space<vmem>>
        %dma_wait3A_94 = tpu.memref_squeeze %dma_wait3A_93 : memref<1x128xf32, #tpu.memory_space<vmem>> -> memref<128xf32, #tpu.memory_space<vmem>>
        %dma_wait3A_95 = arith.constant 0 : i32
        %dma_wait3A_96 = tpu.memref_slice %arg12[%run_scoped3A_80, %dma_wait3A_95] : memref<8x128xi32, #tpu.memory_space<vmem>> -> memref<1x128xi32, #tpu.memory_space<vmem>>
        %dma_wait3A_97 = tpu.memref_squeeze %dma_wait3A_96 : memref<1x128xi32, #tpu.memory_space<vmem>> -> memref<128xi32, #tpu.memory_space<vmem>>
        %dma_wait3A_98 = arith.constant 0 : i32
        %dma_wait3A_99 = tpu.memref_slice %arg9[%dma_wait3A_98] : memref<10240xf32, #tpu.memory_space<vmem_shared>> -> memref<10240xf32, #tpu.memory_space<vmem_shared>>
        tpu.wait_indirect_dma semaphore(%run_scoped3A_83 : memref<!tpu.dma_semaphore, #tpu.memory_space<semaphore_mem>>) src(%dma_wait3A_94 : memref<128xf32, #tpu.memory_space<vmem>>) dst(%dma_wait3A_99 : memref<10240xf32, #tpu.memory_space<vmem_shared>>)
        tpu.yield
      }) : () -> ()
      %run_scoped3A_81 = arith.constant 7 : i32
      %run_scoped3A_82 = arith.constant 7 : i32
      "tpu.region"() ({
        %run_scoped3A_83 = tpu.sem_alloc : memref<!tpu.dma_semaphore, #tpu.memory_space<semaphore_mem>>
        %dma_start3A_84 = arith.constant 0 : i32
        %dma_start3A_85 = tpu.memref_slice %arg13[%run_scoped3A_81, %dma_start3A_84] : memref<8x128xf32, #tpu.memory_space<vmem>> -> memref<1x128xf32, #tpu.memory_space<vmem>>
        %dma_start3A_86 = tpu.memref_squeeze %dma_start3A_85 : memref<1x128xf32, #tpu.memory_space<vmem>> -> memref<128xf32, #tpu.memory_space<vmem>>
        %dma_start3A_87 = arith.constant 0 : i32
        %dma_start3A_88 = tpu.memref_slice %arg12[%run_scoped3A_82, %dma_start3A_87] : memref<8x128xi32, #tpu.memory_space<vmem>> -> memref<1x128xi32, #tpu.memory_space<vmem>>
        %dma_start3A_89 = tpu.memref_squeeze %dma_start3A_88 : memref<1x128xi32, #tpu.memory_space<vmem>> -> memref<128xi32, #tpu.memory_space<vmem>>
        %dma_start3A_90 = arith.constant 0 : i32
        %dma_start3A_91 = tpu.memref_slice %arg9[%dma_start3A_90] : memref<10240xf32, #tpu.memory_space<vmem_shared>> -> memref<10240xf32, #tpu.memory_space<vmem_shared>>
        tpu.enqueue_indirect_dma source(%dma_start3A_86 : memref<128xf32, #tpu.memory_space<vmem>>) target(%dma_start3A_91 : memref<10240xf32, #tpu.memory_space<vmem_shared>>) offsets(%dma_start3A_89 : memref<128xi32, #tpu.memory_space<vmem>>) semaphore(%run_scoped3A_83 : memref<!tpu.dma_semaphore, #tpu.memory_space<semaphore_mem>>) {add = true}
        %dma_wait3A_92 = arith.constant 0 : i32
        %dma_wait3A_93 = tpu.memref_slice %arg13[%run_scoped3A_81, %dma_wait3A_92] : memref<8x128xf32, #tpu.memory_space<vmem>> -> memref<1x128xf32, #tpu.memory_space<vmem>>
        %dma_wait3A_94 = tpu.memref_squeeze %dma_wait3A_93 : memref<1x128xf32, #tpu.memory_space<vmem>> -> memref<128xf32, #tpu.memory_space<vmem>>
        %dma_wait3A_95 = arith.constant 0 : i32
        %dma_wait3A_96 = tpu.memref_slice %arg12[%run_scoped3A_82, %dma_wait3A_95] : memref<8x128xi32, #tpu.memory_space<vmem>> -> memref<1x128xi32, #tpu.memory_space<vmem>>
        %dma_wait3A_97 = tpu.memref_squeeze %dma_wait3A_96 : memref<1x128xi32, #tpu.memory_space<vmem>> -> memref<128xi32, #tpu.memory_space<vmem>>
        %dma_wait3A_98 = arith.constant 0 : i32
        %dma_wait3A_99 = tpu.memref_slice %arg9[%dma_wait3A_98] : memref<10240xf32, #tpu.memory_space<vmem_shared>> -> memref<10240xf32, #tpu.memory_space<vmem_shared>>
        tpu.wait_indirect_dma semaphore(%run_scoped3A_83 : memref<!tpu.dma_semaphore, #tpu.memory_space<semaphore_mem>>) src(%dma_wait3A_94 : memref<128xf32, #tpu.memory_space<vmem>>) dst(%dma_wait3A_99 : memref<10240xf32, #tpu.memory_space<vmem_shared>>)
        tpu.yield
      }) : () -> ()
    }
    %scan3A_27 = arith.constant 20 : i32
    %barrier3A_28 = arith.constant 0 : index
    tpu.barrier barrier_id(%barrier3A_28)
    "tpu.trace_stop"() : () -> ()
    "tpu.trace_start"() <{level = 10 : i32, message = "ph2_dis"}> : () -> ()
    %scan3A_29 = arith.constant 0 : i32
    %scan3A_30 = arith.constant 0 : i32
    %scan3A_31 = arith.constant 10 : i32
    %scan3A_32 = arith.addi %scan3A_30, %scan3A_31 : i32
    %scan3A_33 = arith.constant 1 : i32
    scf.for %scan3A_48 = %scan3A_30 to %scan3A_32 step %scan3A_33  : i32 {
      %mul3A_49 = arith.constant 1024 : i32
      %mul3A_50 = arith.muli %scan3A_48, %mul3A_49 : i32
      "tpu.region"() ({
        %run_scoped3A = tpu.sem_alloc : memref<!tpu.dma_semaphore, #tpu.memory_space<semaphore_mem>>
        %dma_start3A = tpu.memref_slice %arg9[%mul3A_50] : memref<10240xf32, #tpu.memory_space<vmem_shared>> -> memref<1024xf32, #tpu.memory_space<vmem_shared>>
        %dma_start3A_57 = tpu.memref_slice %arg9[%mul3A_50] : memref<10240xf32, #tpu.memory_space<vmem_shared>> -> memref<1024xf32, #tpu.memory_space<vmem_shared>>
        tpu.enqueue_dma source(%dma_start3A_57 : memref<1024xf32, #tpu.memory_space<vmem_shared>>) target(%arg14 : memref<1024xf32, #tpu.memory_space<vmem>>) target_semaphore(%run_scoped3A : memref<!tpu.dma_semaphore, #tpu.memory_space<semaphore_mem>>)
        %dma_wait3A = tpu.memref_slice %arg9[%mul3A_50] : memref<10240xf32, #tpu.memory_space<vmem_shared>> -> memref<1024xf32, #tpu.memory_space<vmem_shared>>
        %dma_wait3A_58 = tpu.memref_slice %arg9[%mul3A_50] : memref<10240xf32, #tpu.memory_space<vmem_shared>> -> memref<1024xf32, #tpu.memory_space<vmem_shared>>
        tpu.wait_dma2 semaphore(%run_scoped3A : memref<!tpu.dma_semaphore, #tpu.memory_space<semaphore_mem>>) src(%dma_wait3A_58 : memref<1024xf32, #tpu.memory_space<vmem_shared>>) dst(%arg14 : memref<1024xf32, #tpu.memory_space<vmem>>)
        tpu.yield
      }) : () -> ()
      %scan3A_51 = arith.constant 0 : i32
      %scan3A_52 = arith.constant 0 : i32
      %scan3A_53 = arith.constant 64 : i32
      %scan3A_54 = arith.addi %scan3A_52, %scan3A_53 : i32
      %scan3A_55 = arith.constant 1 : i32
      scf.for %scan3A_57 = %scan3A_52 to %scan3A_54 step %scan3A_55  : i32 {
        %mul3A_58 = arith.constant 16 : i32
        %mul3A_59 = arith.muli %scan3A_57, %mul3A_58 : i32
        %get3A = arith.index_cast %mul3A_59 : i32 to index
        %get3A_60 = tpu.vector_load %arg14[%get3A] {strides = array<i32>} : memref<1024xf32, #tpu.memory_space<vmem>>, vector<16xf32>,
        %add3A_61 = arith.constant 1.000000e+00 : f32
        %add3A_62 = vector.broadcast %add3A_61 : f32 to vector<16xf32>
        %add3A_63 = arith.addf %get3A_60, %add3A_62 : vector<16xf32>
        %bitcast_convert_type3A = tpu.bitcast %add3A_63 : vector<16xf32> -> vector<16xi32>
        %shift_right_arithmetic3A = arith.constant 1 : i32
        %shift_right_arithmetic3A_64 = vector.broadcast %shift_right_arithmetic3A : i32 to vector<16xi32>
        %shift_right_arithmetic3A_65 = arith.shrsi %bitcast_convert_type3A, %shift_right_arithmetic3A_64 : vector<16xi32>
        %sub3A = arith.constant 1597463007 : i32
        %sub3A_66 = vector.broadcast %sub3A : i32 to vector<16xi32>
        %sub3A_67 = arith.subi %sub3A_66, %shift_right_arithmetic3A_65 : vector<16xi32>
        %bitcast_convert_type3A_68 = tpu.bitcast %sub3A_67 : vector<16xi32> -> vector<16xf32>
        %mul3A_69 = arith.constant 5.000000e-01 : f32
        %mul3A_70 = vector.broadcast %mul3A_69 : f32 to vector<16xf32>
        %mul3A_71 = arith.mulf %mul3A_70, %add3A_63 : vector<16xf32>
        %mul3A_72 = arith.mulf %mul3A_71, %bitcast_convert_type3A_68 : vector<16xf32>
        %mul3A_73 = arith.mulf %mul3A_72, %bitcast_convert_type3A_68 : vector<16xf32>
        %sub3A_74 = arith.constant 1.500000e+00 : f32
        %sub3A_75 = vector.broadcast %sub3A_74 : f32 to vector<16xf32>
        %sub3A_76 = arith.subf %sub3A_75, %mul3A_73 : vector<16xf32>
        %mul3A_77 = arith.mulf %bitcast_convert_type3A_68, %sub3A_76 : vector<16xf32>
        %mul3A_78 = arith.constant 5.000000e-01 : f32
        %mul3A_79 = vector.broadcast %mul3A_78 : f32 to vector<16xf32>
        %mul3A_80 = arith.mulf %mul3A_79, %add3A_63 : vector<16xf32>
        %mul3A_81 = arith.mulf %mul3A_80, %mul3A_77 : vector<16xf32>
        %mul3A_82 = arith.mulf %mul3A_81, %mul3A_77 : vector<16xf32>
        %sub3A_83 = arith.constant 1.500000e+00 : f32
        %sub3A_84 = vector.broadcast %sub3A_83 : f32 to vector<16xf32>
        %sub3A_85 = arith.subf %sub3A_84, %mul3A_82 : vector<16xf32>
        %mul3A_86 = arith.mulf %mul3A_77, %sub3A_85 : vector<16xf32>
        %mul3A_87 = arith.constant 5.000000e-01 : f32
        %mul3A_88 = vector.broadcast %mul3A_87 : f32 to vector<16xf32>
        %mul3A_89 = arith.mulf %mul3A_88, %add3A_63 : vector<16xf32>
        %mul3A_90 = arith.mulf %mul3A_89, %mul3A_86 : vector<16xf32>
        %mul3A_91 = arith.mulf %mul3A_90, %mul3A_86 : vector<16xf32>
        %sub3A_92 = arith.constant 1.500000e+00 : f32
        %sub3A_93 = vector.broadcast %sub3A_92 : f32 to vector<16xf32>
        %sub3A_94 = arith.subf %sub3A_93, %mul3A_91 : vector<16xf32>
        %mul3A_95 = arith.mulf %mul3A_86, %sub3A_94 : vector<16xf32>
        %mul3A_96 = arith.constant 1024 : i32
        %mul3A_97 = arith.muli %scan3A_48, %mul3A_96 : i32
        %mul3A_98 = arith.constant 16 : i32
        %mul3A_99 = arith.muli %scan3A_57, %mul3A_98 : i32
        %add3A_100 = arith.addi %mul3A_97, %mul3A_99 : i32
        %swap3A = arith.index_cast %add3A_100 : i32 to index
        %swap3A_101 = tpu.vector_load %arg10[%swap3A] {strides = array<i32>} : memref<10240xf32, #tpu.memory_space<vmem>>, vector<16xf32>,
        tpu.vector_store %arg10[%swap3A], %mul3A_95 {strides = array<i32>} : memref<10240xf32, #tpu.memory_space<vmem>>, vector<16xf32>,
      }
      %scan3A_56 = arith.constant 64 : i32
    }
    %scan3A_34 = arith.constant 10 : i32
    %eq3A = arith.constant 0 : i32
    %eq3A_35 = arith.cmpi eq, %arg0, %eq3A : i32
    %convert_element_type3A = arith.extui %eq3A_35 : i1 to i32
    %cond3A = arith.constant 0 : i32
    %cond3A_36 = arith.cmpi ne, %convert_element_type3A, %cond3A : i32
    scf.if %cond3A_36 {
      %mul3A_48 = arith.constant 640 : i32
      %mul3A_49 = arith.muli %arg1, %mul3A_48 : i32
      %mul3A_50 = arith.constant 640 : i32
      %mul3A_51 = arith.muli %arg1, %mul3A_50 : i32
      "tpu.region"() ({
        %run_scoped3A = tpu.sem_alloc : memref<!tpu.dma_semaphore, #tpu.memory_space<semaphore_mem>>
        %dma_start3A = tpu.memref_slice %arg10[%mul3A_49] : memref<10240xf32, #tpu.memory_space<vmem>> -> memref<640xf32, #tpu.memory_space<vmem>>
        %dma_start3A_52 = tpu.memref_slice %arg7[%mul3A_51] : memref<10240xf32, #tpu.memory_space<hbm>> -> memref<640xf32, #tpu.memory_space<hbm>>
        %dma_start3A_53 = tpu.memref_slice %arg7[%mul3A_51] : memref<10240xf32, #tpu.memory_space<hbm>> -> memref<640xf32, #tpu.memory_space<hbm>>
        %dma_start3A_54 = tpu.memref_slice %arg10[%mul3A_49] : memref<10240xf32, #tpu.memory_space<vmem>> -> memref<640xf32, #tpu.memory_space<vmem>>
        tpu.enqueue_dma source(%dma_start3A_54 : memref<640xf32, #tpu.memory_space<vmem>>) target(%dma_start3A_53 : memref<640xf32, #tpu.memory_space<hbm>>) target_semaphore(%run_scoped3A : memref<!tpu.dma_semaphore, #tpu.memory_space<semaphore_mem>>)
        %dma_wait3A = tpu.memref_slice %arg10[%mul3A_49] : memref<10240xf32, #tpu.memory_space<vmem>> -> memref<640xf32, #tpu.memory_space<vmem>>
        %dma_wait3A_55 = tpu.memref_slice %arg7[%mul3A_51] : memref<10240xf32, #tpu.memory_space<hbm>> -> memref<640xf32, #tpu.memory_space<hbm>>
        %dma_wait3A_56 = tpu.memref_slice %arg7[%mul3A_51] : memref<10240xf32, #tpu.memory_space<hbm>> -> memref<640xf32, #tpu.memory_space<hbm>>
        %dma_wait3A_57 = tpu.memref_slice %arg10[%mul3A_49] : memref<10240xf32, #tpu.memory_space<vmem>> -> memref<640xf32, #tpu.memory_space<vmem>>
        tpu.wait_dma2 semaphore(%run_scoped3A : memref<!tpu.dma_semaphore, #tpu.memory_space<semaphore_mem>>) src(%dma_wait3A_57 : memref<640xf32, #tpu.memory_space<vmem>>) dst(%dma_wait3A_56 : memref<640xf32, #tpu.memory_space<hbm>>)
        tpu.yield
      }) : () -> ()
    } else {
    }
    "tpu.trace_stop"() : () -> ()
    %scan3A_37 = arith.constant 0 : i32
    %scan3A_38 = arith.constant 0 : i32
    %scan3A_39 = arith.constant 10 : i32
    %scan3A_40 = arith.addi %scan3A_38, %scan3A_39 : i32
    %scan3A_41 = arith.constant 1 : i32
    scf.for %scan3A_48 = %scan3A_38 to %scan3A_40 step %scan3A_41  : i32 {
      %mul3A_49 = arith.constant 1280 : i32
      %mul3A_50 = arith.muli %arg0, %mul3A_49 : i32
      %mul3A_51 = arith.constant 10 : i32
      %mul3A_52 = arith.muli %arg1, %mul3A_51 : i32
      %add3A_53 = arith.addi %mul3A_52, %scan3A_48 : i32
      %mul3A_54 = arith.constant 8 : i32
      %mul3A_55 = arith.muli %add3A_53, %mul3A_54 : i32
      %add3A_56 = arith.addi %mul3A_50, %mul3A_55 : i32
      "tpu.trace_start"() <{level = 10 : i32, message = "e_idx"}> : () -> ()
      %dma_start3A = arith.constant 0 : i32
      %dma_start3A_57 = tpu.memref_slice %arg2[%add3A_56, %dma_start3A] : memref<2560x128xi32, #tpu.memory_space<hbm>> -> memref<8x128xi32, #tpu.memory_space<hbm>>
      %dma_start3A_58 = arith.constant 0 : i32
      %dma_start3A_59 = tpu.memref_slice %arg2[%add3A_56, %dma_start3A_58] : memref<2560x128xi32, #tpu.memory_space<hbm>> -> memref<8x128xi32, #tpu.memory_space<hbm>>
      tpu.enqueue_dma source(%dma_start3A_59 : memref<8x128xi32, #tpu.memory_space<hbm>>) target(%arg11 : memref<8x128xi32, #tpu.memory_space<vmem>>) target_semaphore(%arg16 : memref<!tpu.dma_semaphore, #tpu.memory_space<semaphore_mem>>)
      %dma_start3A_60 = arith.constant 0 : i32
      %dma_start3A_61 = tpu.memref_slice %arg3[%add3A_56, %dma_start3A_60] : memref<2560x128xi32, #tpu.memory_space<hbm>> -> memref<8x128xi32, #tpu.memory_space<hbm>>
      %dma_start3A_62 = arith.constant 0 : i32
      %dma_start3A_63 = tpu.memref_slice %arg3[%add3A_56, %dma_start3A_62] : memref<2560x128xi32, #tpu.memory_space<hbm>> -> memref<8x128xi32, #tpu.memory_space<hbm>>
      tpu.enqueue_dma source(%dma_start3A_63 : memref<8x128xi32, #tpu.memory_space<hbm>>) target(%arg12 : memref<8x128xi32, #tpu.memory_space<vmem>>) target_semaphore(%arg16 : memref<!tpu.dma_semaphore, #tpu.memory_space<semaphore_mem>>)
      %dma_start3A_64 = arith.constant 0 : i32
      %dma_start3A_65 = tpu.memref_slice %arg4[%add3A_56, %dma_start3A_64] : memref<2560x128xf32, #tpu.memory_space<hbm>> -> memref<8x128xf32, #tpu.memory_space<hbm>>
      %dma_start3A_66 = arith.constant 0 : i32
      %dma_start3A_67 = tpu.memref_slice %arg4[%add3A_56, %dma_start3A_66] : memref<2560x128xf32, #tpu.memory_space<hbm>> -> memref<8x128xf32, #tpu.memory_space<hbm>>
      tpu.enqueue_dma source(%dma_start3A_67 : memref<8x128xf32, #tpu.memory_space<hbm>>) target(%arg13 : memref<8x128xf32, #tpu.memory_space<vmem>>) target_semaphore(%arg16 : memref<!tpu.dma_semaphore, #tpu.memory_space<semaphore_mem>>)
      %dma_wait3A = arith.constant 0 : i32
      %dma_wait3A_68 = tpu.memref_slice %arg2[%add3A_56, %dma_wait3A] : memref<2560x128xi32, #tpu.memory_space<hbm>> -> memref<8x128xi32, #tpu.memory_space<hbm>>
      %dma_wait3A_69 = arith.constant 0 : i32
      %dma_wait3A_70 = tpu.memref_slice %arg2[%add3A_56, %dma_wait3A_69] : memref<2560x128xi32, #tpu.memory_space<hbm>> -> memref<8x128xi32, #tpu.memory_space<hbm>>
      tpu.wait_dma2 semaphore(%arg16 : memref<!tpu.dma_semaphore, #tpu.memory_space<semaphore_mem>>) src(%dma_wait3A_70 : memref<8x128xi32, #tpu.memory_space<hbm>>) dst(%arg11 : memref<8x128xi32, #tpu.memory_space<vmem>>)
      %dma_wait3A_71 = arith.constant 0 : i32
      %dma_wait3A_72 = tpu.memref_slice %arg3[%add3A_56, %dma_wait3A_71] : memref<2560x128xi32, #tpu.memory_space<hbm>> -> memref<8x128xi32, #tpu.memory_space<hbm>>
      %dma_wait3A_73 = arith.constant 0 : i32
      %dma_wait3A_74 = tpu.memref_slice %arg3[%add3A_56, %dma_wait3A_73] : memref<2560x128xi32, #tpu.memory_space<hbm>> -> memref<8x128xi32, #tpu.memory_space<hbm>>
      tpu.wait_dma2 semaphore(%arg16 : memref<!tpu.dma_semaphore, #tpu.memory_space<semaphore_mem>>) src(%dma_wait3A_74 : memref<8x128xi32, #tpu.memory_space<hbm>>) dst(%arg12 : memref<8x128xi32, #tpu.memory_space<vmem>>)
      %dma_wait3A_75 = arith.constant 0 : i32
      %dma_wait3A_76 = tpu.memref_slice %arg4[%add3A_56, %dma_wait3A_75] : memref<2560x128xf32, #tpu.memory_space<hbm>> -> memref<8x128xf32, #tpu.memory_space<hbm>>
      %dma_wait3A_77 = arith.constant 0 : i32
      %dma_wait3A_78 = tpu.memref_slice %arg4[%add3A_56, %dma_wait3A_77] : memref<2560x128xf32, #tpu.memory_space<hbm>> -> memref<8x128xf32, #tpu.memory_space<hbm>>
      tpu.wait_dma2 semaphore(%arg16 : memref<!tpu.dma_semaphore, #tpu.memory_space<semaphore_mem>>) src(%dma_wait3A_78 : memref<8x128xf32, #tpu.memory_space<hbm>>) dst(%arg13 : memref<8x128xf32, #tpu.memory_space<vmem>>)
      %dma_start3A_79 = arith.constant 0 : i32
      "tpu.trace_stop"() : () -> ()
      "tpu.trace_start"() <{level = 10 : i32, message = "e_fire"}> : () -> ()
      %dma_start3A_80 = arith.constant 0 : i32
      %dma_start3A_81 = arith.constant 0 : i32
      %dma_start3A_82 = tpu.memref_slice %arg15[%dma_start3A_80, %dma_start3A_81] : memref<256x128xf32, #tpu.memory_space<vmem>> -> memref<128x128xf32, #tpu.memory_space<vmem>>
      %dma_start3A_83 = arith.constant 0 : i32
      %dma_start3A_84 = tpu.memref_slice %arg11[%dma_start3A_79, %dma_start3A_83] : memref<8x128xi32, #tpu.memory_space<vmem>> -> memref<1x128xi32, #tpu.memory_space<vmem>>
      %dma_start3A_85 = tpu.memref_squeeze %dma_start3A_84 : memref<1x128xi32, #tpu.memory_space<vmem>> -> memref<128xi32, #tpu.memory_space<vmem>>
      %dma_start3A_86 = arith.constant 0 : i32
      %dma_start3A_87 = arith.constant 0 : i32
      %dma_start3A_88 = tpu.memref_slice %arg5[%dma_start3A_86, %dma_start3A_87] : memref<10000x128xf32, #tpu.memory_space<hbm>> -> memref<10000x128xf32, #tpu.memory_space<hbm>>
      tpu.enqueue_indirect_dma source(%dma_start3A_88 : memref<10000x128xf32, #tpu.memory_space<hbm>>) target(%dma_start3A_82 : memref<128x128xf32, #tpu.memory_space<vmem>>) offsets(%dma_start3A_85 : memref<128xi32, #tpu.memory_space<vmem>>) semaphore(%arg16 : memref<!tpu.dma_semaphore, #tpu.memory_space<semaphore_mem>>)
      "tpu.trace_stop"() : () -> ()
      "tpu.trace_start"() <{level = 10 : i32, message = "e_norm"}> : () -> ()
      %scan3A_89 = arith.constant 0 : i32
      %scan3A_90 = arith.constant 0 : i32
      %scan3A_91 = arith.constant 8 : i32
      %scan3A_92 = arith.addi %scan3A_90, %scan3A_91 : i32
      %scan3A_93 = arith.constant 1 : i32
      scf.for %scan3A_101 = %scan3A_90 to %scan3A_92 step %scan3A_93  : i32 {
        %get3A = arith.index_cast %scan3A_101 : i32 to index
        %get3A_102 = arith.constant 0 : index
        %get3A_103 = tpu.vector_load %arg11[%get3A, %get3A_102] {strides = array<i32>} : memref<8x128xi32, #tpu.memory_space<vmem>>, vector<16xi32>,
        %get3A_104 = arith.index_cast %scan3A_101 : i32 to index
        %get3A_105 = arith.constant 0 : index
        %get3A_106 = tpu.vector_load %arg12[%get3A_104, %get3A_105] {strides = array<i32>} : memref<8x128xi32, #tpu.memory_space<vmem>>, vector<16xi32>,
        %get3A_107 = arith.index_cast %scan3A_101 : i32 to index
        %get3A_108 = arith.constant 0 : index
        %get3A_109 = tpu.vector_load %arg13[%get3A_107, %get3A_108] {strides = array<i32>} : memref<8x128xf32, #tpu.memory_space<vmem>>, vector<16xf32>,
        %gather3A = tpu.vector_load_idx %arg10[%get3A_103] : memref<10240xf32, #tpu.memory_space<vmem>>[vector<16xi32>], vector<16xf32>,
        %gather3A_110 = tpu.vector_load_idx %arg10[%get3A_106] : memref<10240xf32, #tpu.memory_space<vmem>>[vector<16xi32>], vector<16xf32>,
        %mul3A_111 = arith.mulf %gather3A, %get3A_109 : vector<16xf32>
        %mul3A_112 = arith.mulf %mul3A_111, %gather3A_110 : vector<16xf32>
        %mul3A_113 = arith.constant 128 : i32
        %mul3A_114 = arith.muli %scan3A_101, %mul3A_113 : i32
        %add3A_115 = arith.constant 0 : i32
        %add3A_116 = arith.addi %mul3A_114, %add3A_115 : i32
        %swap3A = arith.index_cast %add3A_116 : i32 to index
        %swap3A_117 = tpu.vector_load %arg14[%swap3A] {strides = array<i32>} : memref<1024xf32, #tpu.memory_space<vmem>>, vector<16xf32>,
        tpu.vector_store %arg14[%swap3A], %mul3A_112 {strides = array<i32>} : memref<1024xf32, #tpu.memory_space<vmem>>, vector<16xf32>,
        %get3A_118 = arith.index_cast %scan3A_101 : i32 to index
        %get3A_119 = arith.constant 16 : index
        %get3A_120 = tpu.vector_load %arg11[%get3A_118, %get3A_119] {strides = array<i32>} : memref<8x128xi32, #tpu.memory_space<vmem>>, vector<16xi32>,
        %get3A_121 = arith.index_cast %scan3A_101 : i32 to index
        %get3A_122 = arith.constant 16 : index
        %get3A_123 = tpu.vector_load %arg12[%get3A_121, %get3A_122] {strides = array<i32>} : memref<8x128xi32, #tpu.memory_space<vmem>>, vector<16xi32>,
        %get3A_124 = arith.index_cast %scan3A_101 : i32 to index
        %get3A_125 = arith.constant 16 : index
        %get3A_126 = tpu.vector_load %arg13[%get3A_124, %get3A_125] {strides = array<i32>} : memref<8x128xf32, #tpu.memory_space<vmem>>, vector<16xf32>,
        %gather3A_127 = tpu.vector_load_idx %arg10[%get3A_120] : memref<10240xf32, #tpu.memory_space<vmem>>[vector<16xi32>], vector<16xf32>,
        %gather3A_128 = tpu.vector_load_idx %arg10[%get3A_123] : memref<10240xf32, #tpu.memory_space<vmem>>[vector<16xi32>], vector<16xf32>,
        %mul3A_129 = arith.mulf %gather3A_127, %get3A_126 : vector<16xf32>
        %mul3A_130 = arith.mulf %mul3A_129, %gather3A_128 : vector<16xf32>
        %mul3A_131 = arith.constant 128 : i32
        %mul3A_132 = arith.muli %scan3A_101, %mul3A_131 : i32
        %add3A_133 = arith.constant 16 : i32
        %add3A_134 = arith.addi %mul3A_132, %add3A_133 : i32
        %swap3A_135 = arith.index_cast %add3A_134 : i32 to index
        %swap3A_136 = tpu.vector_load %arg14[%swap3A_135] {strides = array<i32>} : memref<1024xf32, #tpu.memory_space<vmem>>, vector<16xf32>,
        tpu.vector_store %arg14[%swap3A_135], %mul3A_130 {strides = array<i32>} : memref<1024xf32, #tpu.memory_space<vmem>>, vector<16xf32>,
        %get3A_137 = arith.index_cast %scan3A_101 : i32 to index
        %get3A_138 = arith.constant 32 : index
        %get3A_139 = tpu.vector_load %arg11[%get3A_137, %get3A_138] {strides = array<i32>} : memref<8x128xi32, #tpu.memory_space<vmem>>, vector<16xi32>,
        %get3A_140 = arith.index_cast %scan3A_101 : i32 to index
        %get3A_141 = arith.constant 32 : index
        %get3A_142 = tpu.vector_load %arg12[%get3A_140, %get3A_141] {strides = array<i32>} : memref<8x128xi32, #tpu.memory_space<vmem>>, vector<16xi32>,
        %get3A_143 = arith.index_cast %scan3A_101 : i32 to index
        %get3A_144 = arith.constant 32 : index
        %get3A_145 = tpu.vector_load %arg13[%get3A_143, %get3A_144] {strides = array<i32>} : memref<8x128xf32, #tpu.memory_space<vmem>>, vector<16xf32>,
        %gather3A_146 = tpu.vector_load_idx %arg10[%get3A_139] : memref<10240xf32, #tpu.memory_space<vmem>>[vector<16xi32>], vector<16xf32>,
        %gather3A_147 = tpu.vector_load_idx %arg10[%get3A_142] : memref<10240xf32, #tpu.memory_space<vmem>>[vector<16xi32>], vector<16xf32>,
        %mul3A_148 = arith.mulf %gather3A_146, %get3A_145 : vector<16xf32>
        %mul3A_149 = arith.mulf %mul3A_148, %gather3A_147 : vector<16xf32>
        %mul3A_150 = arith.constant 128 : i32
        %mul3A_151 = arith.muli %scan3A_101, %mul3A_150 : i32
        %add3A_152 = arith.constant 32 : i32
        %add3A_153 = arith.addi %mul3A_151, %add3A_152 : i32
        %swap3A_154 = arith.index_cast %add3A_153 : i32 to index
        %swap3A_155 = tpu.vector_load %arg14[%swap3A_154] {strides = array<i32>} : memref<1024xf32, #tpu.memory_space<vmem>>, vector<16xf32>,
        tpu.vector_store %arg14[%swap3A_154], %mul3A_149 {strides = array<i32>} : memref<1024xf32, #tpu.memory_space<vmem>>, vector<16xf32>,
        %get3A_156 = arith.index_cast %scan3A_101 : i32 to index
        %get3A_157 = arith.constant 48 : index
        %get3A_158 = tpu.vector_load %arg11[%get3A_156, %get3A_157] {strides = array<i32>} : memref<8x128xi32, #tpu.memory_space<vmem>>, vector<16xi32>,
        %get3A_159 = arith.index_cast %scan3A_101 : i32 to index
        %get3A_160 = arith.constant 48 : index
        %get3A_161 = tpu.vector_load %arg12[%get3A_159, %get3A_160] {strides = array<i32>} : memref<8x128xi32, #tpu.memory_space<vmem>>, vector<16xi32>,
        %get3A_162 = arith.index_cast %scan3A_101 : i32 to index
        %get3A_163 = arith.constant 48 : index
        %get3A_164 = tpu.vector_load %arg13[%get3A_162, %get3A_163] {strides = array<i32>} : memref<8x128xf32, #tpu.memory_space<vmem>>, vector<16xf32>,
        %gather3A_165 = tpu.vector_load_idx %arg10[%get3A_158] : memref<10240xf32, #tpu.memory_space<vmem>>[vector<16xi32>], vector<16xf32>,
        %gather3A_166 = tpu.vector_load_idx %arg10[%get3A_161] : memref<10240xf32, #tpu.memory_space<vmem>>[vector<16xi32>], vector<16xf32>,
        %mul3A_167 = arith.mulf %gather3A_165, %get3A_164 : vector<16xf32>
        %mul3A_168 = arith.mulf %mul3A_167, %gather3A_166 : vector<16xf32>
        %mul3A_169 = arith.constant 128 : i32
        %mul3A_170 = arith.muli %scan3A_101, %mul3A_169 : i32
        %add3A_171 = arith.constant 48 : i32
        %add3A_172 = arith.addi %mul3A_170, %add3A_171 : i32
        %swap3A_173 = arith.index_cast %add3A_172 : i32 to index
        %swap3A_174 = tpu.vector_load %arg14[%swap3A_173] {strides = array<i32>} : memref<1024xf32, #tpu.memory_space<vmem>>, vector<16xf32>,
        tpu.vector_store %arg14[%swap3A_173], %mul3A_168 {strides = array<i32>} : memref<1024xf32, #tpu.memory_space<vmem>>, vector<16xf32>,
        %get3A_175 = arith.index_cast %scan3A_101 : i32 to index
        %get3A_176 = arith.constant 64 : index
        %get3A_177 = tpu.vector_load %arg11[%get3A_175, %get3A_176] {strides = array<i32>} : memref<8x128xi32, #tpu.memory_space<vmem>>, vector<16xi32>,
        %get3A_178 = arith.index_cast %scan3A_101 : i32 to index
        %get3A_179 = arith.constant 64 : index
        %get3A_180 = tpu.vector_load %arg12[%get3A_178, %get3A_179] {strides = array<i32>} : memref<8x128xi32, #tpu.memory_space<vmem>>, vector<16xi32>,
        %get3A_181 = arith.index_cast %scan3A_101 : i32 to index
        %get3A_182 = arith.constant 64 : index
        %get3A_183 = tpu.vector_load %arg13[%get3A_181, %get3A_182] {strides = array<i32>} : memref<8x128xf32, #tpu.memory_space<vmem>>, vector<16xf32>,
        %gather3A_184 = tpu.vector_load_idx %arg10[%get3A_177] : memref<10240xf32, #tpu.memory_space<vmem>>[vector<16xi32>], vector<16xf32>,
        %gather3A_185 = tpu.vector_load_idx %arg10[%get3A_180] : memref<10240xf32, #tpu.memory_space<vmem>>[vector<16xi32>], vector<16xf32>,
        %mul3A_186 = arith.mulf %gather3A_184, %get3A_183 : vector<16xf32>
        %mul3A_187 = arith.mulf %mul3A_186, %gather3A_185 : vector<16xf32>
        %mul3A_188 = arith.constant 128 : i32
        %mul3A_189 = arith.muli %scan3A_101, %mul3A_188 : i32
        %add3A_190 = arith.constant 64 : i32
        %add3A_191 = arith.addi %mul3A_189, %add3A_190 : i32
        %swap3A_192 = arith.index_cast %add3A_191 : i32 to index
        %swap3A_193 = tpu.vector_load %arg14[%swap3A_192] {strides = array<i32>} : memref<1024xf32, #tpu.memory_space<vmem>>, vector<16xf32>,
        tpu.vector_store %arg14[%swap3A_192], %mul3A_187 {strides = array<i32>} : memref<1024xf32, #tpu.memory_space<vmem>>, vector<16xf32>,
        %get3A_194 = arith.index_cast %scan3A_101 : i32 to index
        %get3A_195 = arith.constant 80 : index
        %get3A_196 = tpu.vector_load %arg11[%get3A_194, %get3A_195] {strides = array<i32>} : memref<8x128xi32, #tpu.memory_space<vmem>>, vector<16xi32>,
        %get3A_197 = arith.index_cast %scan3A_101 : i32 to index
        %get3A_198 = arith.constant 80 : index
        %get3A_199 = tpu.vector_load %arg12[%get3A_197, %get3A_198] {strides = array<i32>} : memref<8x128xi32, #tpu.memory_space<vmem>>, vector<16xi32>,
        %get3A_200 = arith.index_cast %scan3A_101 : i32 to index
        %get3A_201 = arith.constant 80 : index
        %get3A_202 = tpu.vector_load %arg13[%get3A_200, %get3A_201] {strides = array<i32>} : memref<8x128xf32, #tpu.memory_space<vmem>>, vector<16xf32>,
        %gather3A_203 = tpu.vector_load_idx %arg10[%get3A_196] : memref<10240xf32, #tpu.memory_space<vmem>>[vector<16xi32>], vector<16xf32>,
        %gather3A_204 = tpu.vector_load_idx %arg10[%get3A_199] : memref<10240xf32, #tpu.memory_space<vmem>>[vector<16xi32>], vector<16xf32>,
        %mul3A_205 = arith.mulf %gather3A_203, %get3A_202 : vector<16xf32>
        %mul3A_206 = arith.mulf %mul3A_205, %gather3A_204 : vector<16xf32>
        %mul3A_207 = arith.constant 128 : i32
        %mul3A_208 = arith.muli %scan3A_101, %mul3A_207 : i32
        %add3A_209 = arith.constant 80 : i32
        %add3A_210 = arith.addi %mul3A_208, %add3A_209 : i32
        %swap3A_211 = arith.index_cast %add3A_210 : i32 to index
        %swap3A_212 = tpu.vector_load %arg14[%swap3A_211] {strides = array<i32>} : memref<1024xf32, #tpu.memory_space<vmem>>, vector<16xf32>,
        tpu.vector_store %arg14[%swap3A_211], %mul3A_206 {strides = array<i32>} : memref<1024xf32, #tpu.memory_space<vmem>>, vector<16xf32>,
        %get3A_213 = arith.index_cast %scan3A_101 : i32 to index
        %get3A_214 = arith.constant 96 : index
        %get3A_215 = tpu.vector_load %arg11[%get3A_213, %get3A_214] {strides = array<i32>} : memref<8x128xi32, #tpu.memory_space<vmem>>, vector<16xi32>,
        %get3A_216 = arith.index_cast %scan3A_101 : i32 to index
        %get3A_217 = arith.constant 96 : index
        %get3A_218 = tpu.vector_load %arg12[%get3A_216, %get3A_217] {strides = array<i32>} : memref<8x128xi32, #tpu.memory_space<vmem>>, vector<16xi32>,
        %get3A_219 = arith.index_cast %scan3A_101 : i32 to index
        %get3A_220 = arith.constant 96 : index
        %get3A_221 = tpu.vector_load %arg13[%get3A_219, %get3A_220] {strides = array<i32>} : memref<8x128xf32, #tpu.memory_space<vmem>>, vector<16xf32>,
        %gather3A_222 = tpu.vector_load_idx %arg10[%get3A_215] : memref<10240xf32, #tpu.memory_space<vmem>>[vector<16xi32>], vector<16xf32>,
        %gather3A_223 = tpu.vector_load_idx %arg10[%get3A_218] : memref<10240xf32, #tpu.memory_space<vmem>>[vector<16xi32>], vector<16xf32>,
        %mul3A_224 = arith.mulf %gather3A_222, %get3A_221 : vector<16xf32>
        %mul3A_225 = arith.mulf %mul3A_224, %gather3A_223 : vector<16xf32>
        %mul3A_226 = arith.constant 128 : i32
        %mul3A_227 = arith.muli %scan3A_101, %mul3A_226 : i32
        %add3A_228 = arith.constant 96 : i32
        %add3A_229 = arith.addi %mul3A_227, %add3A_228 : i32
        %swap3A_230 = arith.index_cast %add3A_229 : i32 to index
        %swap3A_231 = tpu.vector_load %arg14[%swap3A_230] {strides = array<i32>} : memref<1024xf32, #tpu.memory_space<vmem>>, vector<16xf32>,
        tpu.vector_store %arg14[%swap3A_230], %mul3A_225 {strides = array<i32>} : memref<1024xf32, #tpu.memory_space<vmem>>, vector<16xf32>,
        %get3A_232 = arith.index_cast %scan3A_101 : i32 to index
        %get3A_233 = arith.constant 112 : index
        %get3A_234 = tpu.vector_load %arg11[%get3A_232, %get3A_233] {strides = array<i32>} : memref<8x128xi32, #tpu.memory_space<vmem>>, vector<16xi32>,
        %get3A_235 = arith.index_cast %scan3A_101 : i32 to index
        %get3A_236 = arith.constant 112 : index
        %get3A_237 = tpu.vector_load %arg12[%get3A_235, %get3A_236] {strides = array<i32>} : memref<8x128xi32, #tpu.memory_space<vmem>>, vector<16xi32>,
        %get3A_238 = arith.index_cast %scan3A_101 : i32 to index
        %get3A_239 = arith.constant 112 : index
        %get3A_240 = tpu.vector_load %arg13[%get3A_238, %get3A_239] {strides = array<i32>} : memref<8x128xf32, #tpu.memory_space<vmem>>, vector<16xf32>,
        %gather3A_241 = tpu.vector_load_idx %arg10[%get3A_234] : memref<10240xf32, #tpu.memory_space<vmem>>[vector<16xi32>], vector<16xf32>,
        %gather3A_242 = tpu.vector_load_idx %arg10[%get3A_237] : memref<10240xf32, #tpu.memory_space<vmem>>[vector<16xi32>], vector<16xf32>,
        %mul3A_243 = arith.mulf %gather3A_241, %get3A_240 : vector<16xf32>
        %mul3A_244 = arith.mulf %mul3A_243, %gather3A_242 : vector<16xf32>
        %mul3A_245 = arith.constant 128 : i32
        %mul3A_246 = arith.muli %scan3A_101, %mul3A_245 : i32
        %add3A_247 = arith.constant 112 : i32
        %add3A_248 = arith.addi %mul3A_246, %add3A_247 : i32
        %swap3A_249 = arith.index_cast %add3A_248 : i32 to index
        %swap3A_250 = tpu.vector_load %arg14[%swap3A_249] {strides = array<i32>} : memref<1024xf32, #tpu.memory_space<vmem>>, vector<16xf32>,
        tpu.vector_store %arg14[%swap3A_249], %mul3A_244 {strides = array<i32>} : memref<1024xf32, #tpu.memory_space<vmem>>, vector<16xf32>,
      }
      %scan3A_94 = arith.constant 8 : i32
      "tpu.trace_stop"() : () -> ()
      %scan3A_95 = arith.constant 0 : i32
      %scan3A_96 = arith.constant 0 : i32
      %scan3A_97 = arith.constant 8 : i32
      %scan3A_98 = arith.addi %scan3A_96, %scan3A_97 : i32
      %scan3A_99 = arith.constant 1 : i32
      scf.for %scan3A_101 = %scan3A_96 to %scan3A_98 step %scan3A_99  : i32 {
        %jit3A = arith.constant 2 : i32
        %eq3A_102 = arith.constant 0 : i32
        %eq3A_103 = arith.cmpi eq, %jit3A, %eq3A_102 : i32
        %jit3A_104 = arith.constant 1 : i32
        %select_n3A = arith.select %eq3A_103, %jit3A_104, %jit3A : i32
        %rem3A = arith.remsi %scan3A_101, %select_n3A : i32
        %ne3A = arith.constant 0 : i32
        %ne3A_105 = arith.cmpi ne, %rem3A, %ne3A : i32
        %lt3A = arith.constant 0 : i32
        %lt3A_106 = arith.cmpi slt, %rem3A, %lt3A : i32
        %lt3A_107 = arith.constant 0 : i32
        %lt3A_108 = arith.cmpi slt, %select_n3A, %lt3A_107 : i32
        %ne3A_109 = arith.xori %lt3A_106, %lt3A_108 : i1
        %and3A = arith.andi %ne3A_109, %ne3A_105 : i1
        %add3A_110 = arith.addi %rem3A, %select_n3A : i32
        %select_n3A_111 = arith.select %and3A, %add3A_110, %rem3A : i32
        %mul3A_112 = arith.constant 128 : i32
        %mul3A_113 = arith.muli %select_n3A_111, %mul3A_112 : i32
        %add3A_114 = arith.constant 1 : i32
        %add3A_115 = arith.addi %scan3A_101, %add3A_114 : i32
        %jit3A_116 = arith.constant 2 : i32
        %eq3A_117 = arith.constant 0 : i32
        %eq3A_118 = arith.cmpi eq, %jit3A_116, %eq3A_117 : i32
        %jit3A_119 = arith.constant 1 : i32
        %select_n3A_120 = arith.select %eq3A_118, %jit3A_119, %jit3A_116 : i32
        %rem3A_121 = arith.remsi %add3A_115, %select_n3A_120 : i32
        %ne3A_122 = arith.constant 0 : i32
        %ne3A_123 = arith.cmpi ne, %rem3A_121, %ne3A_122 : i32
        %lt3A_124 = arith.constant 0 : i32
        %lt3A_125 = arith.cmpi slt, %rem3A_121, %lt3A_124 : i32
        %lt3A_126 = arith.constant 0 : i32
        %lt3A_127 = arith.cmpi slt, %select_n3A_120, %lt3A_126 : i32
        %ne3A_128 = arith.xori %lt3A_125, %lt3A_127 : i1
        %and3A_129 = arith.andi %ne3A_128, %ne3A_123 : i1
        %add3A_130 = arith.addi %rem3A_121, %select_n3A_120 : i32
        %select_n3A_131 = arith.select %and3A_129, %add3A_130, %rem3A_121 : i32
        %mul3A_132 = arith.constant 128 : i32
        %mul3A_133 = arith.muli %select_n3A_131, %mul3A_132 : i32
        %add3A_134 = arith.constant 1 : i32
        %add3A_135 = arith.addi %scan3A_101, %add3A_134 : i32
        %min3A = arith.constant 7 : i32
        %min3A_136 = arith.minsi %add3A_135, %min3A : i32
        "tpu.trace_start"() <{level = 10 : i32, message = "e_drain"}> : () -> ()
        %dma_wait3A_137 = arith.constant 0 : i32
        %dma_wait3A_138 = tpu.memref_slice %arg15[%mul3A_113, %dma_wait3A_137] : memref<256x128xf32, #tpu.memory_space<vmem>> -> memref<128x128xf32, #tpu.memory_space<vmem>>
        %dma_wait3A_139 = arith.constant 0 : i32
        %dma_wait3A_140 = tpu.memref_slice %arg11[%scan3A_101, %dma_wait3A_139] : memref<8x128xi32, #tpu.memory_space<vmem>> -> memref<1x128xi32, #tpu.memory_space<vmem>>
        %dma_wait3A_141 = tpu.memref_squeeze %dma_wait3A_140 : memref<1x128xi32, #tpu.memory_space<vmem>> -> memref<128xi32, #tpu.memory_space<vmem>>
        %dma_wait3A_142 = arith.constant 0 : i32
        %dma_wait3A_143 = arith.constant 0 : i32
        %dma_wait3A_144 = tpu.memref_slice %arg5[%dma_wait3A_142, %dma_wait3A_143] : memref<10000x128xf32, #tpu.memory_space<hbm>> -> memref<10000x128xf32, #tpu.memory_space<hbm>>
        tpu.wait_indirect_dma semaphore(%arg16 : memref<!tpu.dma_semaphore, #tpu.memory_space<semaphore_mem>>) src(%dma_wait3A_144 : memref<10000x128xf32, #tpu.memory_space<hbm>>) dst(%dma_wait3A_138 : memref<128x128xf32, #tpu.memory_space<vmem>>)
        %lt3A_145 = arith.constant 7 : i32
        "tpu.trace_stop"() : () -> ()
        %lt3A_146 = arith.cmpi slt, %scan3A_101, %lt3A_145 : i32
        %convert_element_type3A_147 = arith.extui %lt3A_146 : i1 to i32
        %cond3A_148 = arith.constant 0 : i32
        %cond3A_149 = arith.cmpi ne, %convert_element_type3A_147, %cond3A_148 : i32
        scf.if %cond3A_149 {
          "tpu.trace_start"() <{level = 10 : i32, message = "e_fire"}> : () -> ()
          %dma_start3A_156 = arith.constant 0 : i32
          %dma_start3A_157 = tpu.memref_slice %arg15[%mul3A_133, %dma_start3A_156] : memref<256x128xf32, #tpu.memory_space<vmem>> -> memref<128x128xf32, #tpu.memory_space<vmem>>
          %dma_start3A_158 = arith.constant 0 : i32
          %dma_start3A_159 = tpu.memref_slice %arg11[%min3A_136, %dma_start3A_158] : memref<8x128xi32, #tpu.memory_space<vmem>> -> memref<1x128xi32, #tpu.memory_space<vmem>>
          %dma_start3A_160 = tpu.memref_squeeze %dma_start3A_159 : memref<1x128xi32, #tpu.memory_space<vmem>> -> memref<128xi32, #tpu.memory_space<vmem>>
          %dma_start3A_161 = arith.constant 0 : i32
          %dma_start3A_162 = arith.constant 0 : i32
          %dma_start3A_163 = tpu.memref_slice %arg5[%dma_start3A_161, %dma_start3A_162] : memref<10000x128xf32, #tpu.memory_space<hbm>> -> memref<10000x128xf32, #tpu.memory_space<hbm>>
          tpu.enqueue_indirect_dma source(%dma_start3A_163 : memref<10000x128xf32, #tpu.memory_space<hbm>>) target(%dma_start3A_157 : memref<128x128xf32, #tpu.memory_space<vmem>>) offsets(%dma_start3A_160 : memref<128xi32, #tpu.memory_space<vmem>>) semaphore(%arg16 : memref<!tpu.dma_semaphore, #tpu.memory_space<semaphore_mem>>)
          "tpu.trace_stop"() : () -> ()
        } else {
        }
        "tpu.trace_start"() <{level = 10 : i32, message = "e_scale"}> : () -> ()
        %scan3A_150 = arith.constant 0 : i32
        %scan3A_151 = arith.constant 0 : i32
        %scan3A_152 = arith.constant 8 : i32
        %scan3A_153 = arith.addi %scan3A_151, %scan3A_152 : i32
        %scan3A_154 = arith.constant 1 : i32
        scf.for %scan3A_156 = %scan3A_151 to %scan3A_153 step %scan3A_154  : i32 {
          %mul3A_157 = arith.constant 128 : i32
          %mul3A_158 = arith.muli %scan3A_101, %mul3A_157 : i32
          %mul3A_159 = arith.constant 16 : i32
          %mul3A_160 = arith.muli %scan3A_156, %mul3A_159 : i32
          %add3A_161 = arith.addi %mul3A_158, %mul3A_160 : i32
          %get3A = arith.index_cast %add3A_161 : i32 to index
          %get3A_162 = tpu.vector_load %arg14[%get3A] {strides = array<i32>} : memref<1024xf32, #tpu.memory_space<vmem>>, vector<16xf32>,
          %mul3A_163 = arith.constant 16 : i32
          %mul3A_164 = arith.muli %scan3A_156, %mul3A_163 : i32
          %add3A_165 = arith.addi %mul3A_113, %mul3A_164 : i32
          %add3A_166 = arith.constant 0 : i32
          %add3A_167 = arith.addi %add3A_165, %add3A_166 : i32
          %slice3A = vector.extract_strided_slice %get3A_162 {offsets = [0], sizes = [1], strides = [1]} : vector<16xf32> to vector<1xf32>
          %squeeze3A = vector.extract %slice3A[0] : f32 from vector<1xf32>
          %get3A_168 = arith.index_cast %add3A_167 : i32 to index
          %get3A_169 = arith.constant 0 : index
          %get3A_170 = tpu.vector_load %arg15[%get3A_168, %get3A_169] {strides = array<i32>} : memref<256x128xf32, #tpu.memory_space<vmem>>, vector<16xf32>,
          %mul3A_171 = vector.broadcast %squeeze3A : f32 to vector<16xf32>
          %mul3A_172 = arith.mulf %get3A_170, %mul3A_171 : vector<16xf32>
          %swap3A = arith.index_cast %add3A_167 : i32 to index
          %swap3A_173 = arith.constant 0 : index
          %swap3A_174 = tpu.vector_load %arg15[%swap3A, %swap3A_173] {strides = array<i32>} : memref<256x128xf32, #tpu.memory_space<vmem>>, vector<16xf32>,
          tpu.vector_store %arg15[%swap3A, %swap3A_173], %mul3A_172 {strides = array<i32>} : memref<256x128xf32, #tpu.memory_space<vmem>>, vector<16xf32>,
          %get3A_175 = arith.index_cast %add3A_167 : i32 to index
          %get3A_176 = arith.constant 16 : index
          %get3A_177 = tpu.vector_load %arg15[%get3A_175, %get3A_176] {strides = array<i32>} : memref<256x128xf32, #tpu.memory_space<vmem>>, vector<16xf32>,
          %mul3A_178 = vector.broadcast %squeeze3A : f32 to vector<16xf32>
          %mul3A_179 = arith.mulf %get3A_177, %mul3A_178 : vector<16xf32>
          %swap3A_180 = arith.index_cast %add3A_167 : i32 to index
          %swap3A_181 = arith.constant 16 : index
          %swap3A_182 = tpu.vector_load %arg15[%swap3A_180, %swap3A_181] {strides = array<i32>} : memref<256x128xf32, #tpu.memory_space<vmem>>, vector<16xf32>,
          tpu.vector_store %arg15[%swap3A_180, %swap3A_181], %mul3A_179 {strides = array<i32>} : memref<256x128xf32, #tpu.memory_space<vmem>>, vector<16xf32>,
          %get3A_183 = arith.index_cast %add3A_167 : i32 to index
          %get3A_184 = arith.constant 32 : index
          %get3A_185 = tpu.vector_load %arg15[%get3A_183, %get3A_184] {strides = array<i32>} : memref<256x128xf32, #tpu.memory_space<vmem>>, vector<16xf32>,
          %mul3A_186 = vector.broadcast %squeeze3A : f32 to vector<16xf32>
          %mul3A_187 = arith.mulf %get3A_185, %mul3A_186 : vector<16xf32>
          %swap3A_188 = arith.index_cast %add3A_167 : i32 to index
          %swap3A_189 = arith.constant 32 : index
          %swap3A_190 = tpu.vector_load %arg15[%swap3A_188, %swap3A_189] {strides = array<i32>} : memref<256x128xf32, #tpu.memory_space<vmem>>, vector<16xf32>,
          tpu.vector_store %arg15[%swap3A_188, %swap3A_189], %mul3A_187 {strides = array<i32>} : memref<256x128xf32, #tpu.memory_space<vmem>>, vector<16xf32>,
          %get3A_191 = arith.index_cast %add3A_167 : i32 to index
          %get3A_192 = arith.constant 48 : index
          %get3A_193 = tpu.vector_load %arg15[%get3A_191, %get3A_192] {strides = array<i32>} : memref<256x128xf32, #tpu.memory_space<vmem>>, vector<16xf32>,
          %mul3A_194 = vector.broadcast %squeeze3A : f32 to vector<16xf32>
          %mul3A_195 = arith.mulf %get3A_193, %mul3A_194 : vector<16xf32>
          %swap3A_196 = arith.index_cast %add3A_167 : i32 to index
          %swap3A_197 = arith.constant 48 : index
          %swap3A_198 = tpu.vector_load %arg15[%swap3A_196, %swap3A_197] {strides = array<i32>} : memref<256x128xf32, #tpu.memory_space<vmem>>, vector<16xf32>,
          tpu.vector_store %arg15[%swap3A_196, %swap3A_197], %mul3A_195 {strides = array<i32>} : memref<256x128xf32, #tpu.memory_space<vmem>>, vector<16xf32>,
          %get3A_199 = arith.index_cast %add3A_167 : i32 to index
          %get3A_200 = arith.constant 64 : index
          %get3A_201 = tpu.vector_load %arg15[%get3A_199, %get3A_200] {strides = array<i32>} : memref<256x128xf32, #tpu.memory_space<vmem>>, vector<16xf32>,
          %mul3A_202 = vector.broadcast %squeeze3A : f32 to vector<16xf32>
          %mul3A_203 = arith.mulf %get3A_201, %mul3A_202 : vector<16xf32>
          %swap3A_204 = arith.index_cast %add3A_167 : i32 to index
          %swap3A_205 = arith.constant 64 : index
          %swap3A_206 = tpu.vector_load %arg15[%swap3A_204, %swap3A_205] {strides = array<i32>} : memref<256x128xf32, #tpu.memory_space<vmem>>, vector<16xf32>,
          tpu.vector_store %arg15[%swap3A_204, %swap3A_205], %mul3A_203 {strides = array<i32>} : memref<256x128xf32, #tpu.memory_space<vmem>>, vector<16xf32>,
          %get3A_207 = arith.index_cast %add3A_167 : i32 to index
          %get3A_208 = arith.constant 80 : index
          %get3A_209 = tpu.vector_load %arg15[%get3A_207, %get3A_208] {strides = array<i32>} : memref<256x128xf32, #tpu.memory_space<vmem>>, vector<16xf32>,
          %mul3A_210 = vector.broadcast %squeeze3A : f32 to vector<16xf32>
          %mul3A_211 = arith.mulf %get3A_209, %mul3A_210 : vector<16xf32>
          %swap3A_212 = arith.index_cast %add3A_167 : i32 to index
          %swap3A_213 = arith.constant 80 : index
          %swap3A_214 = tpu.vector_load %arg15[%swap3A_212, %swap3A_213] {strides = array<i32>} : memref<256x128xf32, #tpu.memory_space<vmem>>, vector<16xf32>,
          tpu.vector_store %arg15[%swap3A_212, %swap3A_213], %mul3A_211 {strides = array<i32>} : memref<256x128xf32, #tpu.memory_space<vmem>>, vector<16xf32>,
          %get3A_215 = arith.index_cast %add3A_167 : i32 to index
          %get3A_216 = arith.constant 96 : index
          %get3A_217 = tpu.vector_load %arg15[%get3A_215, %get3A_216] {strides = array<i32>} : memref<256x128xf32, #tpu.memory_space<vmem>>, vector<16xf32>,
          %mul3A_218 = vector.broadcast %squeeze3A : f32 to vector<16xf32>
          %mul3A_219 = arith.mulf %get3A_217, %mul3A_218 : vector<16xf32>
          %swap3A_220 = arith.index_cast %add3A_167 : i32 to index
          %swap3A_221 = arith.constant 96 : index
          %swap3A_222 = tpu.vector_load %arg15[%swap3A_220, %swap3A_221] {strides = array<i32>} : memref<256x128xf32, #tpu.memory_space<vmem>>, vector<16xf32>,
          tpu.vector_store %arg15[%swap3A_220, %swap3A_221], %mul3A_219 {strides = array<i32>} : memref<256x128xf32, #tpu.memory_space<vmem>>, vector<16xf32>,
          %get3A_223 = arith.index_cast %add3A_167 : i32 to index
          %get3A_224 = arith.constant 112 : index
          %get3A_225 = tpu.vector_load %arg15[%get3A_223, %get3A_224] {strides = array<i32>} : memref<256x128xf32, #tpu.memory_space<vmem>>, vector<16xf32>,
          %mul3A_226 = vector.broadcast %squeeze3A : f32 to vector<16xf32>
          %mul3A_227 = arith.mulf %get3A_225, %mul3A_226 : vector<16xf32>
          %swap3A_228 = arith.index_cast %add3A_167 : i32 to index
          %swap3A_229 = arith.constant 112 : index
          %swap3A_230 = tpu.vector_load %arg15[%swap3A_228, %swap3A_229] {strides = array<i32>} : memref<256x128xf32, #tpu.memory_space<vmem>>, vector<16xf32>,
          tpu.vector_store %arg15[%swap3A_228, %swap3A_229], %mul3A_227 {strides = array<i32>} : memref<256x128xf32, #tpu.memory_space<vmem>>, vector<16xf32>,
          %mul3A_231 = arith.constant 16 : i32
          %mul3A_232 = arith.muli %scan3A_156, %mul3A_231 : i32
          %add3A_233 = arith.addi %mul3A_113, %mul3A_232 : i32
          %add3A_234 = arith.constant 1 : i32
          %add3A_235 = arith.addi %add3A_233, %add3A_234 : i32
          %slice3A_236 = vector.extract_strided_slice %get3A_162 {offsets = [1], sizes = [1], strides = [1]} : vector<16xf32> to vector<1xf32>
          %squeeze3A_237 = vector.extract %slice3A_236[0] : f32 from vector<1xf32>
          %get3A_238 = arith.index_cast %add3A_235 : i32 to index
          %get3A_239 = arith.constant 0 : index
          %get3A_240 = tpu.vector_load %arg15[%get3A_238, %get3A_239] {strides = array<i32>} : memref<256x128xf32, #tpu.memory_space<vmem>>, vector<16xf32>,
          %mul3A_241 = vector.broadcast %squeeze3A_237 : f32 to vector<16xf32>
          %mul3A_242 = arith.mulf %get3A_240, %mul3A_241 : vector<16xf32>
          %swap3A_243 = arith.index_cast %add3A_235 : i32 to index
          %swap3A_244 = arith.constant 0 : index
          %swap3A_245 = tpu.vector_load %arg15[%swap3A_243, %swap3A_244] {strides = array<i32>} : memref<256x128xf32, #tpu.memory_space<vmem>>, vector<16xf32>,
          tpu.vector_store %arg15[%swap3A_243, %swap3A_244], %mul3A_242 {strides = array<i32>} : memref<256x128xf32, #tpu.memory_space<vmem>>, vector<16xf32>,
          %get3A_246 = arith.index_cast %add3A_235 : i32 to index
          %get3A_247 = arith.constant 16 : index
          %get3A_248 = tpu.vector_load %arg15[%get3A_246, %get3A_247] {strides = array<i32>} : memref<256x128xf32, #tpu.memory_space<vmem>>, vector<16xf32>,
          %mul3A_249 = vector.broadcast %squeeze3A_237 : f32 to vector<16xf32>
          %mul3A_250 = arith.mulf %get3A_248, %mul3A_249 : vector<16xf32>
          %swap3A_251 = arith.index_cast %add3A_235 : i32 to index
          %swap3A_252 = arith.constant 16 : index
          %swap3A_253 = tpu.vector_load %arg15[%swap3A_251, %swap3A_252] {strides = array<i32>} : memref<256x128xf32, #tpu.memory_space<vmem>>, vector<16xf32>,
          tpu.vector_store %arg15[%swap3A_251, %swap3A_252], %mul3A_250 {strides = array<i32>} : memref<256x128xf32, #tpu.memory_space<vmem>>, vector<16xf32>,
          %get3A_254 = arith.index_cast %add3A_235 : i32 to index
          %get3A_255 = arith.constant 32 : index
          %get3A_256 = tpu.vector_load %arg15[%get3A_254, %get3A_255] {strides = array<i32>} : memref<256x128xf32, #tpu.memory_space<vmem>>, vector<16xf32>,
          %mul3A_257 = vector.broadcast %squeeze3A_237 : f32 to vector<16xf32>
          %mul3A_258 = arith.mulf %get3A_256, %mul3A_257 : vector<16xf32>
          %swap3A_259 = arith.index_cast %add3A_235 : i32 to index
          %swap3A_260 = arith.constant 32 : index
          %swap3A_261 = tpu.vector_load %arg15[%swap3A_259, %swap3A_260] {strides = array<i32>} : memref<256x128xf32, #tpu.memory_space<vmem>>, vector<16xf32>,
          tpu.vector_store %arg15[%swap3A_259, %swap3A_260], %mul3A_258 {strides = array<i32>} : memref<256x128xf32, #tpu.memory_space<vmem>>, vector<16xf32>,
          %get3A_262 = arith.index_cast %add3A_235 : i32 to index
          %get3A_263 = arith.constant 48 : index
          %get3A_264 = tpu.vector_load %arg15[%get3A_262, %get3A_263] {strides = array<i32>} : memref<256x128xf32, #tpu.memory_space<vmem>>, vector<16xf32>,
          %mul3A_265 = vector.broadcast %squeeze3A_237 : f32 to vector<16xf32>
          %mul3A_266 = arith.mulf %get3A_264, %mul3A_265 : vector<16xf32>
          %swap3A_267 = arith.index_cast %add3A_235 : i32 to index
          %swap3A_268 = arith.constant 48 : index
          %swap3A_269 = tpu.vector_load %arg15[%swap3A_267, %swap3A_268] {strides = array<i32>} : memref<256x128xf32, #tpu.memory_space<vmem>>, vector<16xf32>,
          tpu.vector_store %arg15[%swap3A_267, %swap3A_268], %mul3A_266 {strides = array<i32>} : memref<256x128xf32, #tpu.memory_space<vmem>>, vector<16xf32>,
          %get3A_270 = arith.index_cast %add3A_235 : i32 to index
          %get3A_271 = arith.constant 64 : index
          %get3A_272 = tpu.vector_load %arg15[%get3A_270, %get3A_271] {strides = array<i32>} : memref<256x128xf32, #tpu.memory_space<vmem>>, vector<16xf32>,
          %mul3A_273 = vector.broadcast %squeeze3A_237 : f32 to vector<16xf32>
          %mul3A_274 = arith.mulf %get3A_272, %mul3A_273 : vector<16xf32>
          %swap3A_275 = arith.index_cast %add3A_235 : i32 to index
          %swap3A_276 = arith.constant 64 : index
          %swap3A_277 = tpu.vector_load %arg15[%swap3A_275, %swap3A_276] {strides = array<i32>} : memref<256x128xf32, #tpu.memory_space<vmem>>, vector<16xf32>,
          tpu.vector_store %arg15[%swap3A_275, %swap3A_276], %mul3A_274 {strides = array<i32>} : memref<256x128xf32, #tpu.memory_space<vmem>>, vector<16xf32>,
          %get3A_278 = arith.index_cast %add3A_235 : i32 to index
          %get3A_279 = arith.constant 80 : index
          %get3A_280 = tpu.vector_load %arg15[%get3A_278, %get3A_279] {strides = array<i32>} : memref<256x128xf32, #tpu.memory_space<vmem>>, vector<16xf32>,
          %mul3A_281 = vector.broadcast %squeeze3A_237 : f32 to vector<16xf32>
          %mul3A_282 = arith.mulf %get3A_280, %mul3A_281 : vector<16xf32>
          %swap3A_283 = arith.index_cast %add3A_235 : i32 to index
          %swap3A_284 = arith.constant 80 : index
          %swap3A_285 = tpu.vector_load %arg15[%swap3A_283, %swap3A_284] {strides = array<i32>} : memref<256x128xf32, #tpu.memory_space<vmem>>, vector<16xf32>,
          tpu.vector_store %arg15[%swap3A_283, %swap3A_284], %mul3A_282 {strides = array<i32>} : memref<256x128xf32, #tpu.memory_space<vmem>>, vector<16xf32>,
          %get3A_286 = arith.index_cast %add3A_235 : i32 to index
          %get3A_287 = arith.constant 96 : index
          %get3A_288 = tpu.vector_load %arg15[%get3A_286, %get3A_287] {strides = array<i32>} : memref<256x128xf32, #tpu.memory_space<vmem>>, vector<16xf32>,
          %mul3A_289 = vector.broadcast %squeeze3A_237 : f32 to vector<16xf32>
          %mul3A_290 = arith.mulf %get3A_288, %mul3A_289 : vector<16xf32>
          %swap3A_291 = arith.index_cast %add3A_235 : i32 to index
          %swap3A_292 = arith.constant 96 : index
          %swap3A_293 = tpu.vector_load %arg15[%swap3A_291, %swap3A_292] {strides = array<i32>} : memref<256x128xf32, #tpu.memory_space<vmem>>, vector<16xf32>,
          tpu.vector_store %arg15[%swap3A_291, %swap3A_292], %mul3A_290 {strides = array<i32>} : memref<256x128xf32, #tpu.memory_space<vmem>>, vector<16xf32>,
          %get3A_294 = arith.index_cast %add3A_235 : i32 to index
          %get3A_295 = arith.constant 112 : index
          %get3A_296 = tpu.vector_load %arg15[%get3A_294, %get3A_295] {strides = array<i32>} : memref<256x128xf32, #tpu.memory_space<vmem>>, vector<16xf32>,
          %mul3A_297 = vector.broadcast %squeeze3A_237 : f32 to vector<16xf32>
          %mul3A_298 = arith.mulf %get3A_296, %mul3A_297 : vector<16xf32>
          %swap3A_299 = arith.index_cast %add3A_235 : i32 to index
          %swap3A_300 = arith.constant 112 : index
          %swap3A_301 = tpu.vector_load %arg15[%swap3A_299, %swap3A_300] {strides = array<i32>} : memref<256x128xf32, #tpu.memory_space<vmem>>, vector<16xf32>,
          tpu.vector_store %arg15[%swap3A_299, %swap3A_300], %mul3A_298 {strides = array<i32>} : memref<256x128xf32, #tpu.memory_space<vmem>>, vector<16xf32>,
          %mul3A_302 = arith.constant 16 : i32
          %mul3A_303 = arith.muli %scan3A_156, %mul3A_302 : i32
          %add3A_304 = arith.addi %mul3A_113, %mul3A_303 : i32
          %add3A_305 = arith.constant 2 : i32
          %add3A_306 = arith.addi %add3A_304, %add3A_305 : i32
          %slice3A_307 = vector.extract_strided_slice %get3A_162 {offsets = [2], sizes = [1], strides = [1]} : vector<16xf32> to vector<1xf32>
          %squeeze3A_308 = vector.extract %slice3A_307[0] : f32 from vector<1xf32>
          %get3A_309 = arith.index_cast %add3A_306 : i32 to index
          %get3A_310 = arith.constant 0 : index
          %get3A_311 = tpu.vector_load %arg15[%get3A_309, %get3A_310] {strides = array<i32>} : memref<256x128xf32, #tpu.memory_space<vmem>>, vector<16xf32>,
          %mul3A_312 = vector.broadcast %squeeze3A_308 : f32 to vector<16xf32>
          %mul3A_313 = arith.mulf %get3A_311, %mul3A_312 : vector<16xf32>
          %swap3A_314 = arith.index_cast %add3A_306 : i32 to index
          %swap3A_315 = arith.constant 0 : index
          %swap3A_316 = tpu.vector_load %arg15[%swap3A_314, %swap3A_315] {strides = array<i32>} : memref<256x128xf32, #tpu.memory_space<vmem>>, vector<16xf32>,
          tpu.vector_store %arg15[%swap3A_314, %swap3A_315], %mul3A_313 {strides = array<i32>} : memref<256x128xf32, #tpu.memory_space<vmem>>, vector<16xf32>,
          %get3A_317 = arith.index_cast %add3A_306 : i32 to index
          %get3A_318 = arith.constant 16 : index
          %get3A_319 = tpu.vector_load %arg15[%get3A_317, %get3A_318] {strides = array<i32>} : memref<256x128xf32, #tpu.memory_space<vmem>>, vector<16xf32>,
          %mul3A_320 = vector.broadcast %squeeze3A_308 : f32 to vector<16xf32>
          %mul3A_321 = arith.mulf %get3A_319, %mul3A_320 : vector<16xf32>
          %swap3A_322 = arith.index_cast %add3A_306 : i32 to index
          %swap3A_323 = arith.constant 16 : index
          %swap3A_324 = tpu.vector_load %arg15[%swap3A_322, %swap3A_323] {strides = array<i32>} : memref<256x128xf32, #tpu.memory_space<vmem>>, vector<16xf32>,
          tpu.vector_store %arg15[%swap3A_322, %swap3A_323], %mul3A_321 {strides = array<i32>} : memref<256x128xf32, #tpu.memory_space<vmem>>, vector<16xf32>,
          %get3A_325 = arith.index_cast %add3A_306 : i32 to index
          %get3A_326 = arith.constant 32 : index
          %get3A_327 = tpu.vector_load %arg15[%get3A_325, %get3A_326] {strides = array<i32>} : memref<256x128xf32, #tpu.memory_space<vmem>>, vector<16xf32>,
          %mul3A_328 = vector.broadcast %squeeze3A_308 : f32 to vector<16xf32>
          %mul3A_329 = arith.mulf %get3A_327, %mul3A_328 : vector<16xf32>
          %swap3A_330 = arith.index_cast %add3A_306 : i32 to index
          %swap3A_331 = arith.constant 32 : index
          %swap3A_332 = tpu.vector_load %arg15[%swap3A_330, %swap3A_331] {strides = array<i32>} : memref<256x128xf32, #tpu.memory_space<vmem>>, vector<16xf32>,
          tpu.vector_store %arg15[%swap3A_330, %swap3A_331], %mul3A_329 {strides = array<i32>} : memref<256x128xf32, #tpu.memory_space<vmem>>, vector<16xf32>,
          %get3A_333 = arith.index_cast %add3A_306 : i32 to index
          %get3A_334 = arith.constant 48 : index
          %get3A_335 = tpu.vector_load %arg15[%get3A_333, %get3A_334] {strides = array<i32>} : memref<256x128xf32, #tpu.memory_space<vmem>>, vector<16xf32>,
          %mul3A_336 = vector.broadcast %squeeze3A_308 : f32 to vector<16xf32>
          %mul3A_337 = arith.mulf %get3A_335, %mul3A_336 : vector<16xf32>
          %swap3A_338 = arith.index_cast %add3A_306 : i32 to index
          %swap3A_339 = arith.constant 48 : index
          %swap3A_340 = tpu.vector_load %arg15[%swap3A_338, %swap3A_339] {strides = array<i32>} : memref<256x128xf32, #tpu.memory_space<vmem>>, vector<16xf32>,
          tpu.vector_store %arg15[%swap3A_338, %swap3A_339], %mul3A_337 {strides = array<i32>} : memref<256x128xf32, #tpu.memory_space<vmem>>, vector<16xf32>,
          %get3A_341 = arith.index_cast %add3A_306 : i32 to index
          %get3A_342 = arith.constant 64 : index
          %get3A_343 = tpu.vector_load %arg15[%get3A_341, %get3A_342] {strides = array<i32>} : memref<256x128xf32, #tpu.memory_space<vmem>>, vector<16xf32>,
          %mul3A_344 = vector.broadcast %squeeze3A_308 : f32 to vector<16xf32>
          %mul3A_345 = arith.mulf %get3A_343, %mul3A_344 : vector<16xf32>
          %swap3A_346 = arith.index_cast %add3A_306 : i32 to index
          %swap3A_347 = arith.constant 64 : index
          %swap3A_348 = tpu.vector_load %arg15[%swap3A_346, %swap3A_347] {strides = array<i32>} : memref<256x128xf32, #tpu.memory_space<vmem>>, vector<16xf32>,
          tpu.vector_store %arg15[%swap3A_346, %swap3A_347], %mul3A_345 {strides = array<i32>} : memref<256x128xf32, #tpu.memory_space<vmem>>, vector<16xf32>,
          %get3A_349 = arith.index_cast %add3A_306 : i32 to index
          %get3A_350 = arith.constant 80 : index
          %get3A_351 = tpu.vector_load %arg15[%get3A_349, %get3A_350] {strides = array<i32>} : memref<256x128xf32, #tpu.memory_space<vmem>>, vector<16xf32>,
          %mul3A_352 = vector.broadcast %squeeze3A_308 : f32 to vector<16xf32>
          %mul3A_353 = arith.mulf %get3A_351, %mul3A_352 : vector<16xf32>
          %swap3A_354 = arith.index_cast %add3A_306 : i32 to index
          %swap3A_355 = arith.constant 80 : index
          %swap3A_356 = tpu.vector_load %arg15[%swap3A_354, %swap3A_355] {strides = array<i32>} : memref<256x128xf32, #tpu.memory_space<vmem>>, vector<16xf32>,
          tpu.vector_store %arg15[%swap3A_354, %swap3A_355], %mul3A_353 {strides = array<i32>} : memref<256x128xf32, #tpu.memory_space<vmem>>, vector<16xf32>,
          %get3A_357 = arith.index_cast %add3A_306 : i32 to index
          %get3A_358 = arith.constant 96 : index
          %get3A_359 = tpu.vector_load %arg15[%get3A_357, %get3A_358] {strides = array<i32>} : memref<256x128xf32, #tpu.memory_space<vmem>>, vector<16xf32>,
          %mul3A_360 = vector.broadcast %squeeze3A_308 : f32 to vector<16xf32>
          %mul3A_361 = arith.mulf %get3A_359, %mul3A_360 : vector<16xf32>
          %swap3A_362 = arith.index_cast %add3A_306 : i32 to index
          %swap3A_363 = arith.constant 96 : index
          %swap3A_364 = tpu.vector_load %arg15[%swap3A_362, %swap3A_363] {strides = array<i32>} : memref<256x128xf32, #tpu.memory_space<vmem>>, vector<16xf32>,
          tpu.vector_store %arg15[%swap3A_362, %swap3A_363], %mul3A_361 {strides = array<i32>} : memref<256x128xf32, #tpu.memory_space<vmem>>, vector<16xf32>,
          %get3A_365 = arith.index_cast %add3A_306 : i32 to index
          %get3A_366 = arith.constant 112 : index
          %get3A_367 = tpu.vector_load %arg15[%get3A_365, %get3A_366] {strides = array<i32>} : memref<256x128xf32, #tpu.memory_space<vmem>>, vector<16xf32>,
          %mul3A_368 = vector.broadcast %squeeze3A_308 : f32 to vector<16xf32>
          %mul3A_369 = arith.mulf %get3A_367, %mul3A_368 : vector<16xf32>
          %swap3A_370 = arith.index_cast %add3A_306 : i32 to index
          %swap3A_371 = arith.constant 112 : index
          %swap3A_372 = tpu.vector_load %arg15[%swap3A_370, %swap3A_371] {strides = array<i32>} : memref<256x128xf32, #tpu.memory_space<vmem>>, vector<16xf32>,
          tpu.vector_store %arg15[%swap3A_370, %swap3A_371], %mul3A_369 {strides = array<i32>} : memref<256x128xf32, #tpu.memory_space<vmem>>, vector<16xf32>,
          %mul3A_373 = arith.constant 16 : i32
          %mul3A_374 = arith.muli %scan3A_156, %mul3A_373 : i32
          %add3A_375 = arith.addi %mul3A_113, %mul3A_374 : i32
          %add3A_376 = arith.constant 3 : i32
          %add3A_377 = arith.addi %add3A_375, %add3A_376 : i32
          %slice3A_378 = vector.extract_strided_slice %get3A_162 {offsets = [3], sizes = [1], strides = [1]} : vector<16xf32> to vector<1xf32>
          %squeeze3A_379 = vector.extract %slice3A_378[0] : f32 from vector<1xf32>
          %get3A_380 = arith.index_cast %add3A_377 : i32 to index
          %get3A_381 = arith.constant 0 : index
          %get3A_382 = tpu.vector_load %arg15[%get3A_380, %get3A_381] {strides = array<i32>} : memref<256x128xf32, #tpu.memory_space<vmem>>, vector<16xf32>,
          %mul3A_383 = vector.broadcast %squeeze3A_379 : f32 to vector<16xf32>
          %mul3A_384 = arith.mulf %get3A_382, %mul3A_383 : vector<16xf32>
          %swap3A_385 = arith.index_cast %add3A_377 : i32 to index
          %swap3A_386 = arith.constant 0 : index
          %swap3A_387 = tpu.vector_load %arg15[%swap3A_385, %swap3A_386] {strides = array<i32>} : memref<256x128xf32, #tpu.memory_space<vmem>>, vector<16xf32>,
          tpu.vector_store %arg15[%swap3A_385, %swap3A_386], %mul3A_384 {strides = array<i32>} : memref<256x128xf32, #tpu.memory_space<vmem>>, vector<16xf32>,
          %get3A_388 = arith.index_cast %add3A_377 : i32 to index
          %get3A_389 = arith.constant 16 : index
          %get3A_390 = tpu.vector_load %arg15[%get3A_388, %get3A_389] {strides = array<i32>} : memref<256x128xf32, #tpu.memory_space<vmem>>, vector<16xf32>,
          %mul3A_391 = vector.broadcast %squeeze3A_379 : f32 to vector<16xf32>
          %mul3A_392 = arith.mulf %get3A_390, %mul3A_391 : vector<16xf32>
          %swap3A_393 = arith.index_cast %add3A_377 : i32 to index
          %swap3A_394 = arith.constant 16 : index
          %swap3A_395 = tpu.vector_load %arg15[%swap3A_393, %swap3A_394] {strides = array<i32>} : memref<256x128xf32, #tpu.memory_space<vmem>>, vector<16xf32>,
          tpu.vector_store %arg15[%swap3A_393, %swap3A_394], %mul3A_392 {strides = array<i32>} : memref<256x128xf32, #tpu.memory_space<vmem>>, vector<16xf32>,
          %get3A_396 = arith.index_cast %add3A_377 : i32 to index
          %get3A_397 = arith.constant 32 : index
          %get3A_398 = tpu.vector_load %arg15[%get3A_396, %get3A_397] {strides = array<i32>} : memref<256x128xf32, #tpu.memory_space<vmem>>, vector<16xf32>,
          %mul3A_399 = vector.broadcast %squeeze3A_379 : f32 to vector<16xf32>
          %mul3A_400 = arith.mulf %get3A_398, %mul3A_399 : vector<16xf32>
          %swap3A_401 = arith.index_cast %add3A_377 : i32 to index
          %swap3A_402 = arith.constant 32 : index
          %swap3A_403 = tpu.vector_load %arg15[%swap3A_401, %swap3A_402] {strides = array<i32>} : memref<256x128xf32, #tpu.memory_space<vmem>>, vector<16xf32>,
          tpu.vector_store %arg15[%swap3A_401, %swap3A_402], %mul3A_400 {strides = array<i32>} : memref<256x128xf32, #tpu.memory_space<vmem>>, vector<16xf32>,
          %get3A_404 = arith.index_cast %add3A_377 : i32 to index
          %get3A_405 = arith.constant 48 : index
          %get3A_406 = tpu.vector_load %arg15[%get3A_404, %get3A_405] {strides = array<i32>} : memref<256x128xf32, #tpu.memory_space<vmem>>, vector<16xf32>,
          %mul3A_407 = vector.broadcast %squeeze3A_379 : f32 to vector<16xf32>
          %mul3A_408 = arith.mulf %get3A_406, %mul3A_407 : vector<16xf32>
          %swap3A_409 = arith.index_cast %add3A_377 : i32 to index
          %swap3A_410 = arith.constant 48 : index
          %swap3A_411 = tpu.vector_load %arg15[%swap3A_409, %swap3A_410] {strides = array<i32>} : memref<256x128xf32, #tpu.memory_space<vmem>>, vector<16xf32>,
          tpu.vector_store %arg15[%swap3A_409, %swap3A_410], %mul3A_408 {strides = array<i32>} : memref<256x128xf32, #tpu.memory_space<vmem>>, vector<16xf32>,
          %get3A_412 = arith.index_cast %add3A_377 : i32 to index
          %get3A_413 = arith.constant 64 : index
          %get3A_414 = tpu.vector_load %arg15[%get3A_412, %get3A_413] {strides = array<i32>} : memref<256x128xf32, #tpu.memory_space<vmem>>, vector<16xf32>,
          %mul3A_415 = vector.broadcast %squeeze3A_379 : f32 to vector<16xf32>
          %mul3A_416 = arith.mulf %get3A_414, %mul3A_415 : vector<16xf32>
          %swap3A_417 = arith.index_cast %add3A_377 : i32 to index
          %swap3A_418 = arith.constant 64 : index
          %swap3A_419 = tpu.vector_load %arg15[%swap3A_417, %swap3A_418] {strides = array<i32>} : memref<256x128xf32, #tpu.memory_space<vmem>>, vector<16xf32>,
          tpu.vector_store %arg15[%swap3A_417, %swap3A_418], %mul3A_416 {strides = array<i32>} : memref<256x128xf32, #tpu.memory_space<vmem>>, vector<16xf32>,
          %get3A_420 = arith.index_cast %add3A_377 : i32 to index
          %get3A_421 = arith.constant 80 : index
          %get3A_422 = tpu.vector_load %arg15[%get3A_420, %get3A_421] {strides = array<i32>} : memref<256x128xf32, #tpu.memory_space<vmem>>, vector<16xf32>,
          %mul3A_423 = vector.broadcast %squeeze3A_379 : f32 to vector<16xf32>
          %mul3A_424 = arith.mulf %get3A_422, %mul3A_423 : vector<16xf32>
          %swap3A_425 = arith.index_cast %add3A_377 : i32 to index
          %swap3A_426 = arith.constant 80 : index
          %swap3A_427 = tpu.vector_load %arg15[%swap3A_425, %swap3A_426] {strides = array<i32>} : memref<256x128xf32, #tpu.memory_space<vmem>>, vector<16xf32>,
          tpu.vector_store %arg15[%swap3A_425, %swap3A_426], %mul3A_424 {strides = array<i32>} : memref<256x128xf32, #tpu.memory_space<vmem>>, vector<16xf32>,
          %get3A_428 = arith.index_cast %add3A_377 : i32 to index
          %get3A_429 = arith.constant 96 : index
          %get3A_430 = tpu.vector_load %arg15[%get3A_428, %get3A_429] {strides = array<i32>} : memref<256x128xf32, #tpu.memory_space<vmem>>, vector<16xf32>,
          %mul3A_431 = vector.broadcast %squeeze3A_379 : f32 to vector<16xf32>
          %mul3A_432 = arith.mulf %get3A_430, %mul3A_431 : vector<16xf32>
          %swap3A_433 = arith.index_cast %add3A_377 : i32 to index
          %swap3A_434 = arith.constant 96 : index
          %swap3A_435 = tpu.vector_load %arg15[%swap3A_433, %swap3A_434] {strides = array<i32>} : memref<256x128xf32, #tpu.memory_space<vmem>>, vector<16xf32>,
          tpu.vector_store %arg15[%swap3A_433, %swap3A_434], %mul3A_432 {strides = array<i32>} : memref<256x128xf32, #tpu.memory_space<vmem>>, vector<16xf32>,
          %get3A_436 = arith.index_cast %add3A_377 : i32 to index
          %get3A_437 = arith.constant 112 : index
          %get3A_438 = tpu.vector_load %arg15[%get3A_436, %get3A_437] {strides = array<i32>} : memref<256x128xf32, #tpu.memory_space<vmem>>, vector<16xf32>,
          %mul3A_439 = vector.broadcast %squeeze3A_379 : f32 to vector<16xf32>
          %mul3A_440 = arith.mulf %get3A_438, %mul3A_439 : vector<16xf32>
          %swap3A_441 = arith.index_cast %add3A_377 : i32 to index
          %swap3A_442 = arith.constant 112 : index
          %swap3A_443 = tpu.vector_load %arg15[%swap3A_441, %swap3A_442] {strides = array<i32>} : memref<256x128xf32, #tpu.memory_space<vmem>>, vector<16xf32>,
          tpu.vector_store %arg15[%swap3A_441, %swap3A_442], %mul3A_440 {strides = array<i32>} : memref<256x128xf32, #tpu.memory_space<vmem>>, vector<16xf32>,
          %mul3A_444 = arith.constant 16 : i32
          %mul3A_445 = arith.muli %scan3A_156, %mul3A_444 : i32
          %add3A_446 = arith.addi %mul3A_113, %mul3A_445 : i32
          %add3A_447 = arith.constant 4 : i32
          %add3A_448 = arith.addi %add3A_446, %add3A_447 : i32
          %slice3A_449 = vector.extract_strided_slice %get3A_162 {offsets = [4], sizes = [1], strides = [1]} : vector<16xf32> to vector<1xf32>
          %squeeze3A_450 = vector.extract %slice3A_449[0] : f32 from vector<1xf32>
          %get3A_451 = arith.index_cast %add3A_448 : i32 to index
          %get3A_452 = arith.constant 0 : index
          %get3A_453 = tpu.vector_load %arg15[%get3A_451, %get3A_452] {strides = array<i32>} : memref<256x128xf32, #tpu.memory_space<vmem>>, vector<16xf32>,
          %mul3A_454 = vector.broadcast %squeeze3A_450 : f32 to vector<16xf32>
          %mul3A_455 = arith.mulf %get3A_453, %mul3A_454 : vector<16xf32>
          %swap3A_456 = arith.index_cast %add3A_448 : i32 to index
          %swap3A_457 = arith.constant 0 : index
          %swap3A_458 = tpu.vector_load %arg15[%swap3A_456, %swap3A_457] {strides = array<i32>} : memref<256x128xf32, #tpu.memory_space<vmem>>, vector<16xf32>,
          tpu.vector_store %arg15[%swap3A_456, %swap3A_457], %mul3A_455 {strides = array<i32>} : memref<256x128xf32, #tpu.memory_space<vmem>>, vector<16xf32>,
          %get3A_459 = arith.index_cast %add3A_448 : i32 to index
          %get3A_460 = arith.constant 16 : index
          %get3A_461 = tpu.vector_load %arg15[%get3A_459, %get3A_460] {strides = array<i32>} : memref<256x128xf32, #tpu.memory_space<vmem>>, vector<16xf32>,
          %mul3A_462 = vector.broadcast %squeeze3A_450 : f32 to vector<16xf32>
          %mul3A_463 = arith.mulf %get3A_461, %mul3A_462 : vector<16xf32>
          %swap3A_464 = arith.index_cast %add3A_448 : i32 to index
          %swap3A_465 = arith.constant 16 : index
          %swap3A_466 = tpu.vector_load %arg15[%swap3A_464, %swap3A_465] {strides = array<i32>} : memref<256x128xf32, #tpu.memory_space<vmem>>, vector<16xf32>,
          tpu.vector_store %arg15[%swap3A_464, %swap3A_465], %mul3A_463 {strides = array<i32>} : memref<256x128xf32, #tpu.memory_space<vmem>>, vector<16xf32>,
          %get3A_467 = arith.index_cast %add3A_448 : i32 to index
          %get3A_468 = arith.constant 32 : index
          %get3A_469 = tpu.vector_load %arg15[%get3A_467, %get3A_468] {strides = array<i32>} : memref<256x128xf32, #tpu.memory_space<vmem>>, vector<16xf32>,
          %mul3A_470 = vector.broadcast %squeeze3A_450 : f32 to vector<16xf32>
          %mul3A_471 = arith.mulf %get3A_469, %mul3A_470 : vector<16xf32>
          %swap3A_472 = arith.index_cast %add3A_448 : i32 to index
          %swap3A_473 = arith.constant 32 : index
          %swap3A_474 = tpu.vector_load %arg15[%swap3A_472, %swap3A_473] {strides = array<i32>} : memref<256x128xf32, #tpu.memory_space<vmem>>, vector<16xf32>,
          tpu.vector_store %arg15[%swap3A_472, %swap3A_473], %mul3A_471 {strides = array<i32>} : memref<256x128xf32, #tpu.memory_space<vmem>>, vector<16xf32>,
          %get3A_475 = arith.index_cast %add3A_448 : i32 to index
          %get3A_476 = arith.constant 48 : index
          %get3A_477 = tpu.vector_load %arg15[%get3A_475, %get3A_476] {strides = array<i32>} : memref<256x128xf32, #tpu.memory_space<vmem>>, vector<16xf32>,
          %mul3A_478 = vector.broadcast %squeeze3A_450 : f32 to vector<16xf32>
          %mul3A_479 = arith.mulf %get3A_477, %mul3A_478 : vector<16xf32>
          %swap3A_480 = arith.index_cast %add3A_448 : i32 to index
          %swap3A_481 = arith.constant 48 : index
          %swap3A_482 = tpu.vector_load %arg15[%swap3A_480, %swap3A_481] {strides = array<i32>} : memref<256x128xf32, #tpu.memory_space<vmem>>, vector<16xf32>,
          tpu.vector_store %arg15[%swap3A_480, %swap3A_481], %mul3A_479 {strides = array<i32>} : memref<256x128xf32, #tpu.memory_space<vmem>>, vector<16xf32>,
          %get3A_483 = arith.index_cast %add3A_448 : i32 to index
          %get3A_484 = arith.constant 64 : index
          %get3A_485 = tpu.vector_load %arg15[%get3A_483, %get3A_484] {strides = array<i32>} : memref<256x128xf32, #tpu.memory_space<vmem>>, vector<16xf32>,
          %mul3A_486 = vector.broadcast %squeeze3A_450 : f32 to vector<16xf32>
          %mul3A_487 = arith.mulf %get3A_485, %mul3A_486 : vector<16xf32>
          %swap3A_488 = arith.index_cast %add3A_448 : i32 to index
          %swap3A_489 = arith.constant 64 : index
          %swap3A_490 = tpu.vector_load %arg15[%swap3A_488, %swap3A_489] {strides = array<i32>} : memref<256x128xf32, #tpu.memory_space<vmem>>, vector<16xf32>,
          tpu.vector_store %arg15[%swap3A_488, %swap3A_489], %mul3A_487 {strides = array<i32>} : memref<256x128xf32, #tpu.memory_space<vmem>>, vector<16xf32>,
          %get3A_491 = arith.index_cast %add3A_448 : i32 to index
          %get3A_492 = arith.constant 80 : index
          %get3A_493 = tpu.vector_load %arg15[%get3A_491, %get3A_492] {strides = array<i32>} : memref<256x128xf32, #tpu.memory_space<vmem>>, vector<16xf32>,
          %mul3A_494 = vector.broadcast %squeeze3A_450 : f32 to vector<16xf32>
          %mul3A_495 = arith.mulf %get3A_493, %mul3A_494 : vector<16xf32>
          %swap3A_496 = arith.index_cast %add3A_448 : i32 to index
          %swap3A_497 = arith.constant 80 : index
          %swap3A_498 = tpu.vector_load %arg15[%swap3A_496, %swap3A_497] {strides = array<i32>} : memref<256x128xf32, #tpu.memory_space<vmem>>, vector<16xf32>,
          tpu.vector_store %arg15[%swap3A_496, %swap3A_497], %mul3A_495 {strides = array<i32>} : memref<256x128xf32, #tpu.memory_space<vmem>>, vector<16xf32>,
          %get3A_499 = arith.index_cast %add3A_448 : i32 to index
          %get3A_500 = arith.constant 96 : index
          %get3A_501 = tpu.vector_load %arg15[%get3A_499, %get3A_500] {strides = array<i32>} : memref<256x128xf32, #tpu.memory_space<vmem>>, vector<16xf32>,
          %mul3A_502 = vector.broadcast %squeeze3A_450 : f32 to vector<16xf32>
          %mul3A_503 = arith.mulf %get3A_501, %mul3A_502 : vector<16xf32>
          %swap3A_504 = arith.index_cast %add3A_448 : i32 to index
          %swap3A_505 = arith.constant 96 : index
          %swap3A_506 = tpu.vector_load %arg15[%swap3A_504, %swap3A_505] {strides = array<i32>} : memref<256x128xf32, #tpu.memory_space<vmem>>, vector<16xf32>,
          tpu.vector_store %arg15[%swap3A_504, %swap3A_505], %mul3A_503 {strides = array<i32>} : memref<256x128xf32, #tpu.memory_space<vmem>>, vector<16xf32>,
          %get3A_507 = arith.index_cast %add3A_448 : i32 to index
          %get3A_508 = arith.constant 112 : index
          %get3A_509 = tpu.vector_load %arg15[%get3A_507, %get3A_508] {strides = array<i32>} : memref<256x128xf32, #tpu.memory_space<vmem>>, vector<16xf32>,
          %mul3A_510 = vector.broadcast %squeeze3A_450 : f32 to vector<16xf32>
          %mul3A_511 = arith.mulf %get3A_509, %mul3A_510 : vector<16xf32>
          %swap3A_512 = arith.index_cast %add3A_448 : i32 to index
          %swap3A_513 = arith.constant 112 : index
          %swap3A_514 = tpu.vector_load %arg15[%swap3A_512, %swap3A_513] {strides = array<i32>} : memref<256x128xf32, #tpu.memory_space<vmem>>, vector<16xf32>,
          tpu.vector_store %arg15[%swap3A_512, %swap3A_513], %mul3A_511 {strides = array<i32>} : memref<256x128xf32, #tpu.memory_space<vmem>>, vector<16xf32>,
          %mul3A_515 = arith.constant 16 : i32
          %mul3A_516 = arith.muli %scan3A_156, %mul3A_515 : i32
          %add3A_517 = arith.addi %mul3A_113, %mul3A_516 : i32
          %add3A_518 = arith.constant 5 : i32
          %add3A_519 = arith.addi %add3A_517, %add3A_518 : i32
          %slice3A_520 = vector.extract_strided_slice %get3A_162 {offsets = [5], sizes = [1], strides = [1]} : vector<16xf32> to vector<1xf32>
          %squeeze3A_521 = vector.extract %slice3A_520[0] : f32 from vector<1xf32>
          %get3A_522 = arith.index_cast %add3A_519 : i32 to index
          %get3A_523 = arith.constant 0 : index
          %get3A_524 = tpu.vector_load %arg15[%get3A_522, %get3A_523] {strides = array<i32>} : memref<256x128xf32, #tpu.memory_space<vmem>>, vector<16xf32>,
          %mul3A_525 = vector.broadcast %squeeze3A_521 : f32 to vector<16xf32>
          %mul3A_526 = arith.mulf %get3A_524, %mul3A_525 : vector<16xf32>
          %swap3A_527 = arith.index_cast %add3A_519 : i32 to index
          %swap3A_528 = arith.constant 0 : index
          %swap3A_529 = tpu.vector_load %arg15[%swap3A_527, %swap3A_528] {strides = array<i32>} : memref<256x128xf32, #tpu.memory_space<vmem>>, vector<16xf32>,
          tpu.vector_store %arg15[%swap3A_527, %swap3A_528], %mul3A_526 {strides = array<i32>} : memref<256x128xf32, #tpu.memory_space<vmem>>, vector<16xf32>,
          %get3A_530 = arith.index_cast %add3A_519 : i32 to index
          %get3A_531 = arith.constant 16 : index
          %get3A_532 = tpu.vector_load %arg15[%get3A_530, %get3A_531] {strides = array<i32>} : memref<256x128xf32, #tpu.memory_space<vmem>>, vector<16xf32>,
          %mul3A_533 = vector.broadcast %squeeze3A_521 : f32 to vector<16xf32>
          %mul3A_534 = arith.mulf %get3A_532, %mul3A_533 : vector<16xf32>
          %swap3A_535 = arith.index_cast %add3A_519 : i32 to index
          %swap3A_536 = arith.constant 16 : index
          %swap3A_537 = tpu.vector_load %arg15[%swap3A_535, %swap3A_536] {strides = array<i32>} : memref<256x128xf32, #tpu.memory_space<vmem>>, vector<16xf32>,
          tpu.vector_store %arg15[%swap3A_535, %swap3A_536], %mul3A_534 {strides = array<i32>} : memref<256x128xf32, #tpu.memory_space<vmem>>, vector<16xf32>,
          %get3A_538 = arith.index_cast %add3A_519 : i32 to index
          %get3A_539 = arith.constant 32 : index
          %get3A_540 = tpu.vector_load %arg15[%get3A_538, %get3A_539] {strides = array<i32>} : memref<256x128xf32, #tpu.memory_space<vmem>>, vector<16xf32>,
          %mul3A_541 = vector.broadcast %squeeze3A_521 : f32 to vector<16xf32>
          %mul3A_542 = arith.mulf %get3A_540, %mul3A_541 : vector<16xf32>
          %swap3A_543 = arith.index_cast %add3A_519 : i32 to index
          %swap3A_544 = arith.constant 32 : index
          %swap3A_545 = tpu.vector_load %arg15[%swap3A_543, %swap3A_544] {strides = array<i32>} : memref<256x128xf32, #tpu.memory_space<vmem>>, vector<16xf32>,
          tpu.vector_store %arg15[%swap3A_543, %swap3A_544], %mul3A_542 {strides = array<i32>} : memref<256x128xf32, #tpu.memory_space<vmem>>, vector<16xf32>,
          %get3A_546 = arith.index_cast %add3A_519 : i32 to index
          %get3A_547 = arith.constant 48 : index
          %get3A_548 = tpu.vector_load %arg15[%get3A_546, %get3A_547] {strides = array<i32>} : memref<256x128xf32, #tpu.memory_space<vmem>>, vector<16xf32>,
          %mul3A_549 = vector.broadcast %squeeze3A_521 : f32 to vector<16xf32>
          %mul3A_550 = arith.mulf %get3A_548, %mul3A_549 : vector<16xf32>
          %swap3A_551 = arith.index_cast %add3A_519 : i32 to index
          %swap3A_552 = arith.constant 48 : index
          %swap3A_553 = tpu.vector_load %arg15[%swap3A_551, %swap3A_552] {strides = array<i32>} : memref<256x128xf32, #tpu.memory_space<vmem>>, vector<16xf32>,
          tpu.vector_store %arg15[%swap3A_551, %swap3A_552], %mul3A_550 {strides = array<i32>} : memref<256x128xf32, #tpu.memory_space<vmem>>, vector<16xf32>,
          %get3A_554 = arith.index_cast %add3A_519 : i32 to index
          %get3A_555 = arith.constant 64 : index
          %get3A_556 = tpu.vector_load %arg15[%get3A_554, %get3A_555] {strides = array<i32>} : memref<256x128xf32, #tpu.memory_space<vmem>>, vector<16xf32>,
          %mul3A_557 = vector.broadcast %squeeze3A_521 : f32 to vector<16xf32>
          %mul3A_558 = arith.mulf %get3A_556, %mul3A_557 : vector<16xf32>
          %swap3A_559 = arith.index_cast %add3A_519 : i32 to index
          %swap3A_560 = arith.constant 64 : index
          %swap3A_561 = tpu.vector_load %arg15[%swap3A_559, %swap3A_560] {strides = array<i32>} : memref<256x128xf32, #tpu.memory_space<vmem>>, vector<16xf32>,
          tpu.vector_store %arg15[%swap3A_559, %swap3A_560], %mul3A_558 {strides = array<i32>} : memref<256x128xf32, #tpu.memory_space<vmem>>, vector<16xf32>,
          %get3A_562 = arith.index_cast %add3A_519 : i32 to index
          %get3A_563 = arith.constant 80 : index
          %get3A_564 = tpu.vector_load %arg15[%get3A_562, %get3A_563] {strides = array<i32>} : memref<256x128xf32, #tpu.memory_space<vmem>>, vector<16xf32>,
          %mul3A_565 = vector.broadcast %squeeze3A_521 : f32 to vector<16xf32>
          %mul3A_566 = arith.mulf %get3A_564, %mul3A_565 : vector<16xf32>
          %swap3A_567 = arith.index_cast %add3A_519 : i32 to index
          %swap3A_568 = arith.constant 80 : index
          %swap3A_569 = tpu.vector_load %arg15[%swap3A_567, %swap3A_568] {strides = array<i32>} : memref<256x128xf32, #tpu.memory_space<vmem>>, vector<16xf32>,
          tpu.vector_store %arg15[%swap3A_567, %swap3A_568], %mul3A_566 {strides = array<i32>} : memref<256x128xf32, #tpu.memory_space<vmem>>, vector<16xf32>,
          %get3A_570 = arith.index_cast %add3A_519 : i32 to index
          %get3A_571 = arith.constant 96 : index
          %get3A_572 = tpu.vector_load %arg15[%get3A_570, %get3A_571] {strides = array<i32>} : memref<256x128xf32, #tpu.memory_space<vmem>>, vector<16xf32>,
          %mul3A_573 = vector.broadcast %squeeze3A_521 : f32 to vector<16xf32>
          %mul3A_574 = arith.mulf %get3A_572, %mul3A_573 : vector<16xf32>
          %swap3A_575 = arith.index_cast %add3A_519 : i32 to index
          %swap3A_576 = arith.constant 96 : index
          %swap3A_577 = tpu.vector_load %arg15[%swap3A_575, %swap3A_576] {strides = array<i32>} : memref<256x128xf32, #tpu.memory_space<vmem>>, vector<16xf32>,
          tpu.vector_store %arg15[%swap3A_575, %swap3A_576], %mul3A_574 {strides = array<i32>} : memref<256x128xf32, #tpu.memory_space<vmem>>, vector<16xf32>,
          %get3A_578 = arith.index_cast %add3A_519 : i32 to index
          %get3A_579 = arith.constant 112 : index
          %get3A_580 = tpu.vector_load %arg15[%get3A_578, %get3A_579] {strides = array<i32>} : memref<256x128xf32, #tpu.memory_space<vmem>>, vector<16xf32>,
          %mul3A_581 = vector.broadcast %squeeze3A_521 : f32 to vector<16xf32>
          %mul3A_582 = arith.mulf %get3A_580, %mul3A_581 : vector<16xf32>
          %swap3A_583 = arith.index_cast %add3A_519 : i32 to index
          %swap3A_584 = arith.constant 112 : index
          %swap3A_585 = tpu.vector_load %arg15[%swap3A_583, %swap3A_584] {strides = array<i32>} : memref<256x128xf32, #tpu.memory_space<vmem>>, vector<16xf32>,
          tpu.vector_store %arg15[%swap3A_583, %swap3A_584], %mul3A_582 {strides = array<i32>} : memref<256x128xf32, #tpu.memory_space<vmem>>, vector<16xf32>,
          %mul3A_586 = arith.constant 16 : i32
          %mul3A_587 = arith.muli %scan3A_156, %mul3A_586 : i32
          %add3A_588 = arith.addi %mul3A_113, %mul3A_587 : i32
          %add3A_589 = arith.constant 6 : i32
          %add3A_590 = arith.addi %add3A_588, %add3A_589 : i32
          %slice3A_591 = vector.extract_strided_slice %get3A_162 {offsets = [6], sizes = [1], strides = [1]} : vector<16xf32> to vector<1xf32>
          %squeeze3A_592 = vector.extract %slice3A_591[0] : f32 from vector<1xf32>
          %get3A_593 = arith.index_cast %add3A_590 : i32 to index
          %get3A_594 = arith.constant 0 : index
          %get3A_595 = tpu.vector_load %arg15[%get3A_593, %get3A_594] {strides = array<i32>} : memref<256x128xf32, #tpu.memory_space<vmem>>, vector<16xf32>,
          %mul3A_596 = vector.broadcast %squeeze3A_592 : f32 to vector<16xf32>
          %mul3A_597 = arith.mulf %get3A_595, %mul3A_596 : vector<16xf32>
          %swap3A_598 = arith.index_cast %add3A_590 : i32 to index
          %swap3A_599 = arith.constant 0 : index
          %swap3A_600 = tpu.vector_load %arg15[%swap3A_598, %swap3A_599] {strides = array<i32>} : memref<256x128xf32, #tpu.memory_space<vmem>>, vector<16xf32>,
          tpu.vector_store %arg15[%swap3A_598, %swap3A_599], %mul3A_597 {strides = array<i32>} : memref<256x128xf32, #tpu.memory_space<vmem>>, vector<16xf32>,
          %get3A_601 = arith.index_cast %add3A_590 : i32 to index
          %get3A_602 = arith.constant 16 : index
          %get3A_603 = tpu.vector_load %arg15[%get3A_601, %get3A_602] {strides = array<i32>} : memref<256x128xf32, #tpu.memory_space<vmem>>, vector<16xf32>,
          %mul3A_604 = vector.broadcast %squeeze3A_592 : f32 to vector<16xf32>
          %mul3A_605 = arith.mulf %get3A_603, %mul3A_604 : vector<16xf32>
          %swap3A_606 = arith.index_cast %add3A_590 : i32 to index
          %swap3A_607 = arith.constant 16 : index
          %swap3A_608 = tpu.vector_load %arg15[%swap3A_606, %swap3A_607] {strides = array<i32>} : memref<256x128xf32, #tpu.memory_space<vmem>>, vector<16xf32>,
          tpu.vector_store %arg15[%swap3A_606, %swap3A_607], %mul3A_605 {strides = array<i32>} : memref<256x128xf32, #tpu.memory_space<vmem>>, vector<16xf32>,
          %get3A_609 = arith.index_cast %add3A_590 : i32 to index
          %get3A_610 = arith.constant 32 : index
          %get3A_611 = tpu.vector_load %arg15[%get3A_609, %get3A_610] {strides = array<i32>} : memref<256x128xf32, #tpu.memory_space<vmem>>, vector<16xf32>,
          %mul3A_612 = vector.broadcast %squeeze3A_592 : f32 to vector<16xf32>
          %mul3A_613 = arith.mulf %get3A_611, %mul3A_612 : vector<16xf32>
          %swap3A_614 = arith.index_cast %add3A_590 : i32 to index
          %swap3A_615 = arith.constant 32 : index
          %swap3A_616 = tpu.vector_load %arg15[%swap3A_614, %swap3A_615] {strides = array<i32>} : memref<256x128xf32, #tpu.memory_space<vmem>>, vector<16xf32>,
          tpu.vector_store %arg15[%swap3A_614, %swap3A_615], %mul3A_613 {strides = array<i32>} : memref<256x128xf32, #tpu.memory_space<vmem>>, vector<16xf32>,
          %get3A_617 = arith.index_cast %add3A_590 : i32 to index
          %get3A_618 = arith.constant 48 : index
          %get3A_619 = tpu.vector_load %arg15[%get3A_617, %get3A_618] {strides = array<i32>} : memref<256x128xf32, #tpu.memory_space<vmem>>, vector<16xf32>,
          %mul3A_620 = vector.broadcast %squeeze3A_592 : f32 to vector<16xf32>
          %mul3A_621 = arith.mulf %get3A_619, %mul3A_620 : vector<16xf32>
          %swap3A_622 = arith.index_cast %add3A_590 : i32 to index
          %swap3A_623 = arith.constant 48 : index
          %swap3A_624 = tpu.vector_load %arg15[%swap3A_622, %swap3A_623] {strides = array<i32>} : memref<256x128xf32, #tpu.memory_space<vmem>>, vector<16xf32>,
          tpu.vector_store %arg15[%swap3A_622, %swap3A_623], %mul3A_621 {strides = array<i32>} : memref<256x128xf32, #tpu.memory_space<vmem>>, vector<16xf32>,
          %get3A_625 = arith.index_cast %add3A_590 : i32 to index
          %get3A_626 = arith.constant 64 : index
          %get3A_627 = tpu.vector_load %arg15[%get3A_625, %get3A_626] {strides = array<i32>} : memref<256x128xf32, #tpu.memory_space<vmem>>, vector<16xf32>,
          %mul3A_628 = vector.broadcast %squeeze3A_592 : f32 to vector<16xf32>
          %mul3A_629 = arith.mulf %get3A_627, %mul3A_628 : vector<16xf32>
          %swap3A_630 = arith.index_cast %add3A_590 : i32 to index
          %swap3A_631 = arith.constant 64 : index
          %swap3A_632 = tpu.vector_load %arg15[%swap3A_630, %swap3A_631] {strides = array<i32>} : memref<256x128xf32, #tpu.memory_space<vmem>>, vector<16xf32>,
          tpu.vector_store %arg15[%swap3A_630, %swap3A_631], %mul3A_629 {strides = array<i32>} : memref<256x128xf32, #tpu.memory_space<vmem>>, vector<16xf32>,
          %get3A_633 = arith.index_cast %add3A_590 : i32 to index
          %get3A_634 = arith.constant 80 : index
          %get3A_635 = tpu.vector_load %arg15[%get3A_633, %get3A_634] {strides = array<i32>} : memref<256x128xf32, #tpu.memory_space<vmem>>, vector<16xf32>,
          %mul3A_636 = vector.broadcast %squeeze3A_592 : f32 to vector<16xf32>
          %mul3A_637 = arith.mulf %get3A_635, %mul3A_636 : vector<16xf32>
          %swap3A_638 = arith.index_cast %add3A_590 : i32 to index
          %swap3A_639 = arith.constant 80 : index
          %swap3A_640 = tpu.vector_load %arg15[%swap3A_638, %swap3A_639] {strides = array<i32>} : memref<256x128xf32, #tpu.memory_space<vmem>>, vector<16xf32>,
          tpu.vector_store %arg15[%swap3A_638, %swap3A_639], %mul3A_637 {strides = array<i32>} : memref<256x128xf32, #tpu.memory_space<vmem>>, vector<16xf32>,
          %get3A_641 = arith.index_cast %add3A_590 : i32 to index
          %get3A_642 = arith.constant 96 : index
          %get3A_643 = tpu.vector_load %arg15[%get3A_641, %get3A_642] {strides = array<i32>} : memref<256x128xf32, #tpu.memory_space<vmem>>, vector<16xf32>,
          %mul3A_644 = vector.broadcast %squeeze3A_592 : f32 to vector<16xf32>
          %mul3A_645 = arith.mulf %get3A_643, %mul3A_644 : vector<16xf32>
          %swap3A_646 = arith.index_cast %add3A_590 : i32 to index
          %swap3A_647 = arith.constant 96 : index
          %swap3A_648 = tpu.vector_load %arg15[%swap3A_646, %swap3A_647] {strides = array<i32>} : memref<256x128xf32, #tpu.memory_space<vmem>>, vector<16xf32>,
          tpu.vector_store %arg15[%swap3A_646, %swap3A_647], %mul3A_645 {strides = array<i32>} : memref<256x128xf32, #tpu.memory_space<vmem>>, vector<16xf32>,
          %get3A_649 = arith.index_cast %add3A_590 : i32 to index
          %get3A_650 = arith.constant 112 : index
          %get3A_651 = tpu.vector_load %arg15[%get3A_649, %get3A_650] {strides = array<i32>} : memref<256x128xf32, #tpu.memory_space<vmem>>, vector<16xf32>,
          %mul3A_652 = vector.broadcast %squeeze3A_592 : f32 to vector<16xf32>
          %mul3A_653 = arith.mulf %get3A_651, %mul3A_652 : vector<16xf32>
          %swap3A_654 = arith.index_cast %add3A_590 : i32 to index
          %swap3A_655 = arith.constant 112 : index
          %swap3A_656 = tpu.vector_load %arg15[%swap3A_654, %swap3A_655] {strides = array<i32>} : memref<256x128xf32, #tpu.memory_space<vmem>>, vector<16xf32>,
          tpu.vector_store %arg15[%swap3A_654, %swap3A_655], %mul3A_653 {strides = array<i32>} : memref<256x128xf32, #tpu.memory_space<vmem>>, vector<16xf32>,
          %mul3A_657 = arith.constant 16 : i32
          %mul3A_658 = arith.muli %scan3A_156, %mul3A_657 : i32
          %add3A_659 = arith.addi %mul3A_113, %mul3A_658 : i32
          %add3A_660 = arith.constant 7 : i32
          %add3A_661 = arith.addi %add3A_659, %add3A_660 : i32
          %slice3A_662 = vector.extract_strided_slice %get3A_162 {offsets = [7], sizes = [1], strides = [1]} : vector<16xf32> to vector<1xf32>
          %squeeze3A_663 = vector.extract %slice3A_662[0] : f32 from vector<1xf32>
          %get3A_664 = arith.index_cast %add3A_661 : i32 to index
          %get3A_665 = arith.constant 0 : index
          %get3A_666 = tpu.vector_load %arg15[%get3A_664, %get3A_665] {strides = array<i32>} : memref<256x128xf32, #tpu.memory_space<vmem>>, vector<16xf32>,
          %mul3A_667 = vector.broadcast %squeeze3A_663 : f32 to vector<16xf32>
          %mul3A_668 = arith.mulf %get3A_666, %mul3A_667 : vector<16xf32>
          %swap3A_669 = arith.index_cast %add3A_661 : i32 to index
          %swap3A_670 = arith.constant 0 : index
          %swap3A_671 = tpu.vector_load %arg15[%swap3A_669, %swap3A_670] {strides = array<i32>} : memref<256x128xf32, #tpu.memory_space<vmem>>, vector<16xf32>,
          tpu.vector_store %arg15[%swap3A_669, %swap3A_670], %mul3A_668 {strides = array<i32>} : memref<256x128xf32, #tpu.memory_space<vmem>>, vector<16xf32>,
          %get3A_672 = arith.index_cast %add3A_661 : i32 to index
          %get3A_673 = arith.constant 16 : index
          %get3A_674 = tpu.vector_load %arg15[%get3A_672, %get3A_673] {strides = array<i32>} : memref<256x128xf32, #tpu.memory_space<vmem>>, vector<16xf32>,
          %mul3A_675 = vector.broadcast %squeeze3A_663 : f32 to vector<16xf32>
          %mul3A_676 = arith.mulf %get3A_674, %mul3A_675 : vector<16xf32>
          %swap3A_677 = arith.index_cast %add3A_661 : i32 to index
          %swap3A_678 = arith.constant 16 : index
          %swap3A_679 = tpu.vector_load %arg15[%swap3A_677, %swap3A_678] {strides = array<i32>} : memref<256x128xf32, #tpu.memory_space<vmem>>, vector<16xf32>,
          tpu.vector_store %arg15[%swap3A_677, %swap3A_678], %mul3A_676 {strides = array<i32>} : memref<256x128xf32, #tpu.memory_space<vmem>>, vector<16xf32>,
          %get3A_680 = arith.index_cast %add3A_661 : i32 to index
          %get3A_681 = arith.constant 32 : index
          %get3A_682 = tpu.vector_load %arg15[%get3A_680, %get3A_681] {strides = array<i32>} : memref<256x128xf32, #tpu.memory_space<vmem>>, vector<16xf32>,
          %mul3A_683 = vector.broadcast %squeeze3A_663 : f32 to vector<16xf32>
          %mul3A_684 = arith.mulf %get3A_682, %mul3A_683 : vector<16xf32>
          %swap3A_685 = arith.index_cast %add3A_661 : i32 to index
          %swap3A_686 = arith.constant 32 : index
          %swap3A_687 = tpu.vector_load %arg15[%swap3A_685, %swap3A_686] {strides = array<i32>} : memref<256x128xf32, #tpu.memory_space<vmem>>, vector<16xf32>,
          tpu.vector_store %arg15[%swap3A_685, %swap3A_686], %mul3A_684 {strides = array<i32>} : memref<256x128xf32, #tpu.memory_space<vmem>>, vector<16xf32>,
          %get3A_688 = arith.index_cast %add3A_661 : i32 to index
          %get3A_689 = arith.constant 48 : index
          %get3A_690 = tpu.vector_load %arg15[%get3A_688, %get3A_689] {strides = array<i32>} : memref<256x128xf32, #tpu.memory_space<vmem>>, vector<16xf32>,
          %mul3A_691 = vector.broadcast %squeeze3A_663 : f32 to vector<16xf32>
          %mul3A_692 = arith.mulf %get3A_690, %mul3A_691 : vector<16xf32>
          %swap3A_693 = arith.index_cast %add3A_661 : i32 to index
          %swap3A_694 = arith.constant 48 : index
          %swap3A_695 = tpu.vector_load %arg15[%swap3A_693, %swap3A_694] {strides = array<i32>} : memref<256x128xf32, #tpu.memory_space<vmem>>, vector<16xf32>,
          tpu.vector_store %arg15[%swap3A_693, %swap3A_694], %mul3A_692 {strides = array<i32>} : memref<256x128xf32, #tpu.memory_space<vmem>>, vector<16xf32>,
          %get3A_696 = arith.index_cast %add3A_661 : i32 to index
          %get3A_697 = arith.constant 64 : index
          %get3A_698 = tpu.vector_load %arg15[%get3A_696, %get3A_697] {strides = array<i32>} : memref<256x128xf32, #tpu.memory_space<vmem>>, vector<16xf32>,
          %mul3A_699 = vector.broadcast %squeeze3A_663 : f32 to vector<16xf32>
          %mul3A_700 = arith.mulf %get3A_698, %mul3A_699 : vector<16xf32>
          %swap3A_701 = arith.index_cast %add3A_661 : i32 to index
          %swap3A_702 = arith.constant 64 : index
          %swap3A_703 = tpu.vector_load %arg15[%swap3A_701, %swap3A_702] {strides = array<i32>} : memref<256x128xf32, #tpu.memory_space<vmem>>, vector<16xf32>,
          tpu.vector_store %arg15[%swap3A_701, %swap3A_702], %mul3A_700 {strides = array<i32>} : memref<256x128xf32, #tpu.memory_space<vmem>>, vector<16xf32>,
          %get3A_704 = arith.index_cast %add3A_661 : i32 to index
          %get3A_705 = arith.constant 80 : index
          %get3A_706 = tpu.vector_load %arg15[%get3A_704, %get3A_705] {strides = array<i32>} : memref<256x128xf32, #tpu.memory_space<vmem>>, vector<16xf32>,
          %mul3A_707 = vector.broadcast %squeeze3A_663 : f32 to vector<16xf32>
          %mul3A_708 = arith.mulf %get3A_706, %mul3A_707 : vector<16xf32>
          %swap3A_709 = arith.index_cast %add3A_661 : i32 to index
          %swap3A_710 = arith.constant 80 : index
          %swap3A_711 = tpu.vector_load %arg15[%swap3A_709, %swap3A_710] {strides = array<i32>} : memref<256x128xf32, #tpu.memory_space<vmem>>, vector<16xf32>,
          tpu.vector_store %arg15[%swap3A_709, %swap3A_710], %mul3A_708 {strides = array<i32>} : memref<256x128xf32, #tpu.memory_space<vmem>>, vector<16xf32>,
          %get3A_712 = arith.index_cast %add3A_661 : i32 to index
          %get3A_713 = arith.constant 96 : index
          %get3A_714 = tpu.vector_load %arg15[%get3A_712, %get3A_713] {strides = array<i32>} : memref<256x128xf32, #tpu.memory_space<vmem>>, vector<16xf32>,
          %mul3A_715 = vector.broadcast %squeeze3A_663 : f32 to vector<16xf32>
          %mul3A_716 = arith.mulf %get3A_714, %mul3A_715 : vector<16xf32>
          %swap3A_717 = arith.index_cast %add3A_661 : i32 to index
          %swap3A_718 = arith.constant 96 : index
          %swap3A_719 = tpu.vector_load %arg15[%swap3A_717, %swap3A_718] {strides = array<i32>} : memref<256x128xf32, #tpu.memory_space<vmem>>, vector<16xf32>,
          tpu.vector_store %arg15[%swap3A_717, %swap3A_718], %mul3A_716 {strides = array<i32>} : memref<256x128xf32, #tpu.memory_space<vmem>>, vector<16xf32>,
          %get3A_720 = arith.index_cast %add3A_661 : i32 to index
          %get3A_721 = arith.constant 112 : index
          %get3A_722 = tpu.vector_load %arg15[%get3A_720, %get3A_721] {strides = array<i32>} : memref<256x128xf32, #tpu.memory_space<vmem>>, vector<16xf32>,
          %mul3A_723 = vector.broadcast %squeeze3A_663 : f32 to vector<16xf32>
          %mul3A_724 = arith.mulf %get3A_722, %mul3A_723 : vector<16xf32>
          %swap3A_725 = arith.index_cast %add3A_661 : i32 to index
          %swap3A_726 = arith.constant 112 : index
          %swap3A_727 = tpu.vector_load %arg15[%swap3A_725, %swap3A_726] {strides = array<i32>} : memref<256x128xf32, #tpu.memory_space<vmem>>, vector<16xf32>,
          tpu.vector_store %arg15[%swap3A_725, %swap3A_726], %mul3A_724 {strides = array<i32>} : memref<256x128xf32, #tpu.memory_space<vmem>>, vector<16xf32>,
          %mul3A_728 = arith.constant 16 : i32
          %mul3A_729 = arith.muli %scan3A_156, %mul3A_728 : i32
          %add3A_730 = arith.addi %mul3A_113, %mul3A_729 : i32
          %add3A_731 = arith.constant 8 : i32
          %add3A_732 = arith.addi %add3A_730, %add3A_731 : i32
          %slice3A_733 = vector.extract_strided_slice %get3A_162 {offsets = [8], sizes = [1], strides = [1]} : vector<16xf32> to vector<1xf32>
          %squeeze3A_734 = vector.extract %slice3A_733[0] : f32 from vector<1xf32>
          %get3A_735 = arith.index_cast %add3A_732 : i32 to index
          %get3A_736 = arith.constant 0 : index
          %get3A_737 = tpu.vector_load %arg15[%get3A_735, %get3A_736] {strides = array<i32>} : memref<256x128xf32, #tpu.memory_space<vmem>>, vector<16xf32>,
          %mul3A_738 = vector.broadcast %squeeze3A_734 : f32 to vector<16xf32>
          %mul3A_739 = arith.mulf %get3A_737, %mul3A_738 : vector<16xf32>
          %swap3A_740 = arith.index_cast %add3A_732 : i32 to index
          %swap3A_741 = arith.constant 0 : index
          %swap3A_742 = tpu.vector_load %arg15[%swap3A_740, %swap3A_741] {strides = array<i32>} : memref<256x128xf32, #tpu.memory_space<vmem>>, vector<16xf32>,
          tpu.vector_store %arg15[%swap3A_740, %swap3A_741], %mul3A_739 {strides = array<i32>} : memref<256x128xf32, #tpu.memory_space<vmem>>, vector<16xf32>,
          %get3A_743 = arith.index_cast %add3A_732 : i32 to index
          %get3A_744 = arith.constant 16 : index
          %get3A_745 = tpu.vector_load %arg15[%get3A_743, %get3A_744] {strides = array<i32>} : memref<256x128xf32, #tpu.memory_space<vmem>>, vector<16xf32>,
          %mul3A_746 = vector.broadcast %squeeze3A_734 : f32 to vector<16xf32>
          %mul3A_747 = arith.mulf %get3A_745, %mul3A_746 : vector<16xf32>
          %swap3A_748 = arith.index_cast %add3A_732 : i32 to index
          %swap3A_749 = arith.constant 16 : index
          %swap3A_750 = tpu.vector_load %arg15[%swap3A_748, %swap3A_749] {strides = array<i32>} : memref<256x128xf32, #tpu.memory_space<vmem>>, vector<16xf32>,
          tpu.vector_store %arg15[%swap3A_748, %swap3A_749], %mul3A_747 {strides = array<i32>} : memref<256x128xf32, #tpu.memory_space<vmem>>, vector<16xf32>,
          %get3A_751 = arith.index_cast %add3A_732 : i32 to index
          %get3A_752 = arith.constant 32 : index
          %get3A_753 = tpu.vector_load %arg15[%get3A_751, %get3A_752] {strides = array<i32>} : memref<256x128xf32, #tpu.memory_space<vmem>>, vector<16xf32>,
          %mul3A_754 = vector.broadcast %squeeze3A_734 : f32 to vector<16xf32>
          %mul3A_755 = arith.mulf %get3A_753, %mul3A_754 : vector<16xf32>
          %swap3A_756 = arith.index_cast %add3A_732 : i32 to index
          %swap3A_757 = arith.constant 32 : index
          %swap3A_758 = tpu.vector_load %arg15[%swap3A_756, %swap3A_757] {strides = array<i32>} : memref<256x128xf32, #tpu.memory_space<vmem>>, vector<16xf32>,
          tpu.vector_store %arg15[%swap3A_756, %swap3A_757], %mul3A_755 {strides = array<i32>} : memref<256x128xf32, #tpu.memory_space<vmem>>, vector<16xf32>,
          %get3A_759 = arith.index_cast %add3A_732 : i32 to index
          %get3A_760 = arith.constant 48 : index
          %get3A_761 = tpu.vector_load %arg15[%get3A_759, %get3A_760] {strides = array<i32>} : memref<256x128xf32, #tpu.memory_space<vmem>>, vector<16xf32>,
          %mul3A_762 = vector.broadcast %squeeze3A_734 : f32 to vector<16xf32>
          %mul3A_763 = arith.mulf %get3A_761, %mul3A_762 : vector<16xf32>
          %swap3A_764 = arith.index_cast %add3A_732 : i32 to index
          %swap3A_765 = arith.constant 48 : index
          %swap3A_766 = tpu.vector_load %arg15[%swap3A_764, %swap3A_765] {strides = array<i32>} : memref<256x128xf32, #tpu.memory_space<vmem>>, vector<16xf32>,
          tpu.vector_store %arg15[%swap3A_764, %swap3A_765], %mul3A_763 {strides = array<i32>} : memref<256x128xf32, #tpu.memory_space<vmem>>, vector<16xf32>,
          %get3A_767 = arith.index_cast %add3A_732 : i32 to index
          %get3A_768 = arith.constant 64 : index
          %get3A_769 = tpu.vector_load %arg15[%get3A_767, %get3A_768] {strides = array<i32>} : memref<256x128xf32, #tpu.memory_space<vmem>>, vector<16xf32>,
          %mul3A_770 = vector.broadcast %squeeze3A_734 : f32 to vector<16xf32>
          %mul3A_771 = arith.mulf %get3A_769, %mul3A_770 : vector<16xf32>
          %swap3A_772 = arith.index_cast %add3A_732 : i32 to index
          %swap3A_773 = arith.constant 64 : index
          %swap3A_774 = tpu.vector_load %arg15[%swap3A_772, %swap3A_773] {strides = array<i32>} : memref<256x128xf32, #tpu.memory_space<vmem>>, vector<16xf32>,
          tpu.vector_store %arg15[%swap3A_772, %swap3A_773], %mul3A_771 {strides = array<i32>} : memref<256x128xf32, #tpu.memory_space<vmem>>, vector<16xf32>,
          %get3A_775 = arith.index_cast %add3A_732 : i32 to index
          %get3A_776 = arith.constant 80 : index
          %get3A_777 = tpu.vector_load %arg15[%get3A_775, %get3A_776] {strides = array<i32>} : memref<256x128xf32, #tpu.memory_space<vmem>>, vector<16xf32>,
          %mul3A_778 = vector.broadcast %squeeze3A_734 : f32 to vector<16xf32>
          %mul3A_779 = arith.mulf %get3A_777, %mul3A_778 : vector<16xf32>
          %swap3A_780 = arith.index_cast %add3A_732 : i32 to index
          %swap3A_781 = arith.constant 80 : index
          %swap3A_782 = tpu.vector_load %arg15[%swap3A_780, %swap3A_781] {strides = array<i32>} : memref<256x128xf32, #tpu.memory_space<vmem>>, vector<16xf32>,
          tpu.vector_store %arg15[%swap3A_780, %swap3A_781], %mul3A_779 {strides = array<i32>} : memref<256x128xf32, #tpu.memory_space<vmem>>, vector<16xf32>,
          %get3A_783 = arith.index_cast %add3A_732 : i32 to index
          %get3A_784 = arith.constant 96 : index
          %get3A_785 = tpu.vector_load %arg15[%get3A_783, %get3A_784] {strides = array<i32>} : memref<256x128xf32, #tpu.memory_space<vmem>>, vector<16xf32>,
          %mul3A_786 = vector.broadcast %squeeze3A_734 : f32 to vector<16xf32>
          %mul3A_787 = arith.mulf %get3A_785, %mul3A_786 : vector<16xf32>
          %swap3A_788 = arith.index_cast %add3A_732 : i32 to index
          %swap3A_789 = arith.constant 96 : index
          %swap3A_790 = tpu.vector_load %arg15[%swap3A_788, %swap3A_789] {strides = array<i32>} : memref<256x128xf32, #tpu.memory_space<vmem>>, vector<16xf32>,
          tpu.vector_store %arg15[%swap3A_788, %swap3A_789], %mul3A_787 {strides = array<i32>} : memref<256x128xf32, #tpu.memory_space<vmem>>, vector<16xf32>,
          %get3A_791 = arith.index_cast %add3A_732 : i32 to index
          %get3A_792 = arith.constant 112 : index
          %get3A_793 = tpu.vector_load %arg15[%get3A_791, %get3A_792] {strides = array<i32>} : memref<256x128xf32, #tpu.memory_space<vmem>>, vector<16xf32>,
          %mul3A_794 = vector.broadcast %squeeze3A_734 : f32 to vector<16xf32>
          %mul3A_795 = arith.mulf %get3A_793, %mul3A_794 : vector<16xf32>
          %swap3A_796 = arith.index_cast %add3A_732 : i32 to index
          %swap3A_797 = arith.constant 112 : index
          %swap3A_798 = tpu.vector_load %arg15[%swap3A_796, %swap3A_797] {strides = array<i32>} : memref<256x128xf32, #tpu.memory_space<vmem>>, vector<16xf32>,
          tpu.vector_store %arg15[%swap3A_796, %swap3A_797], %mul3A_795 {strides = array<i32>} : memref<256x128xf32, #tpu.memory_space<vmem>>, vector<16xf32>,
          %mul3A_799 = arith.constant 16 : i32
          %mul3A_800 = arith.muli %scan3A_156, %mul3A_799 : i32
          %add3A_801 = arith.addi %mul3A_113, %mul3A_800 : i32
          %add3A_802 = arith.constant 9 : i32
          %add3A_803 = arith.addi %add3A_801, %add3A_802 : i32
          %slice3A_804 = vector.extract_strided_slice %get3A_162 {offsets = [9], sizes = [1], strides = [1]} : vector<16xf32> to vector<1xf32>
          %squeeze3A_805 = vector.extract %slice3A_804[0] : f32 from vector<1xf32>
          %get3A_806 = arith.index_cast %add3A_803 : i32 to index
          %get3A_807 = arith.constant 0 : index
          %get3A_808 = tpu.vector_load %arg15[%get3A_806, %get3A_807] {strides = array<i32>} : memref<256x128xf32, #tpu.memory_space<vmem>>, vector<16xf32>,
          %mul3A_809 = vector.broadcast %squeeze3A_805 : f32 to vector<16xf32>
          %mul3A_810 = arith.mulf %get3A_808, %mul3A_809 : vector<16xf32>
          %swap3A_811 = arith.index_cast %add3A_803 : i32 to index
          %swap3A_812 = arith.constant 0 : index
          %swap3A_813 = tpu.vector_load %arg15[%swap3A_811, %swap3A_812] {strides = array<i32>} : memref<256x128xf32, #tpu.memory_space<vmem>>, vector<16xf32>,
          tpu.vector_store %arg15[%swap3A_811, %swap3A_812], %mul3A_810 {strides = array<i32>} : memref<256x128xf32, #tpu.memory_space<vmem>>, vector<16xf32>,
          %get3A_814 = arith.index_cast %add3A_803 : i32 to index
          %get3A_815 = arith.constant 16 : index
          %get3A_816 = tpu.vector_load %arg15[%get3A_814, %get3A_815] {strides = array<i32>} : memref<256x128xf32, #tpu.memory_space<vmem>>, vector<16xf32>,
          %mul3A_817 = vector.broadcast %squeeze3A_805 : f32 to vector<16xf32>
          %mul3A_818 = arith.mulf %get3A_816, %mul3A_817 : vector<16xf32>
          %swap3A_819 = arith.index_cast %add3A_803 : i32 to index
          %swap3A_820 = arith.constant 16 : index
          %swap3A_821 = tpu.vector_load %arg15[%swap3A_819, %swap3A_820] {strides = array<i32>} : memref<256x128xf32, #tpu.memory_space<vmem>>, vector<16xf32>,
          tpu.vector_store %arg15[%swap3A_819, %swap3A_820], %mul3A_818 {strides = array<i32>} : memref<256x128xf32, #tpu.memory_space<vmem>>, vector<16xf32>,
          %get3A_822 = arith.index_cast %add3A_803 : i32 to index
          %get3A_823 = arith.constant 32 : index
          %get3A_824 = tpu.vector_load %arg15[%get3A_822, %get3A_823] {strides = array<i32>} : memref<256x128xf32, #tpu.memory_space<vmem>>, vector<16xf32>,
          %mul3A_825 = vector.broadcast %squeeze3A_805 : f32 to vector<16xf32>
          %mul3A_826 = arith.mulf %get3A_824, %mul3A_825 : vector<16xf32>
          %swap3A_827 = arith.index_cast %add3A_803 : i32 to index
          %swap3A_828 = arith.constant 32 : index
          %swap3A_829 = tpu.vector_load %arg15[%swap3A_827, %swap3A_828] {strides = array<i32>} : memref<256x128xf32, #tpu.memory_space<vmem>>, vector<16xf32>,
          tpu.vector_store %arg15[%swap3A_827, %swap3A_828], %mul3A_826 {strides = array<i32>} : memref<256x128xf32, #tpu.memory_space<vmem>>, vector<16xf32>,
          %get3A_830 = arith.index_cast %add3A_803 : i32 to index
          %get3A_831 = arith.constant 48 : index
          %get3A_832 = tpu.vector_load %arg15[%get3A_830, %get3A_831] {strides = array<i32>} : memref<256x128xf32, #tpu.memory_space<vmem>>, vector<16xf32>,
          %mul3A_833 = vector.broadcast %squeeze3A_805 : f32 to vector<16xf32>
          %mul3A_834 = arith.mulf %get3A_832, %mul3A_833 : vector<16xf32>
          %swap3A_835 = arith.index_cast %add3A_803 : i32 to index
          %swap3A_836 = arith.constant 48 : index
          %swap3A_837 = tpu.vector_load %arg15[%swap3A_835, %swap3A_836] {strides = array<i32>} : memref<256x128xf32, #tpu.memory_space<vmem>>, vector<16xf32>,
          tpu.vector_store %arg15[%swap3A_835, %swap3A_836], %mul3A_834 {strides = array<i32>} : memref<256x128xf32, #tpu.memory_space<vmem>>, vector<16xf32>,
          %get3A_838 = arith.index_cast %add3A_803 : i32 to index
          %get3A_839 = arith.constant 64 : index
          %get3A_840 = tpu.vector_load %arg15[%get3A_838, %get3A_839] {strides = array<i32>} : memref<256x128xf32, #tpu.memory_space<vmem>>, vector<16xf32>,
          %mul3A_841 = vector.broadcast %squeeze3A_805 : f32 to vector<16xf32>
          %mul3A_842 = arith.mulf %get3A_840, %mul3A_841 : vector<16xf32>
          %swap3A_843 = arith.index_cast %add3A_803 : i32 to index
          %swap3A_844 = arith.constant 64 : index
          %swap3A_845 = tpu.vector_load %arg15[%swap3A_843, %swap3A_844] {strides = array<i32>} : memref<256x128xf32, #tpu.memory_space<vmem>>, vector<16xf32>,
          tpu.vector_store %arg15[%swap3A_843, %swap3A_844], %mul3A_842 {strides = array<i32>} : memref<256x128xf32, #tpu.memory_space<vmem>>, vector<16xf32>,
          %get3A_846 = arith.index_cast %add3A_803 : i32 to index
          %get3A_847 = arith.constant 80 : index
          %get3A_848 = tpu.vector_load %arg15[%get3A_846, %get3A_847] {strides = array<i32>} : memref<256x128xf32, #tpu.memory_space<vmem>>, vector<16xf32>,
          %mul3A_849 = vector.broadcast %squeeze3A_805 : f32 to vector<16xf32>
          %mul3A_850 = arith.mulf %get3A_848, %mul3A_849 : vector<16xf32>
          %swap3A_851 = arith.index_cast %add3A_803 : i32 to index
          %swap3A_852 = arith.constant 80 : index
          %swap3A_853 = tpu.vector_load %arg15[%swap3A_851, %swap3A_852] {strides = array<i32>} : memref<256x128xf32, #tpu.memory_space<vmem>>, vector<16xf32>,
          tpu.vector_store %arg15[%swap3A_851, %swap3A_852], %mul3A_850 {strides = array<i32>} : memref<256x128xf32, #tpu.memory_space<vmem>>, vector<16xf32>,
          %get3A_854 = arith.index_cast %add3A_803 : i32 to index
          %get3A_855 = arith.constant 96 : index
          %get3A_856 = tpu.vector_load %arg15[%get3A_854, %get3A_855] {strides = array<i32>} : memref<256x128xf32, #tpu.memory_space<vmem>>, vector<16xf32>,
          %mul3A_857 = vector.broadcast %squeeze3A_805 : f32 to vector<16xf32>
          %mul3A_858 = arith.mulf %get3A_856, %mul3A_857 : vector<16xf32>
          %swap3A_859 = arith.index_cast %add3A_803 : i32 to index
          %swap3A_860 = arith.constant 96 : index
          %swap3A_861 = tpu.vector_load %arg15[%swap3A_859, %swap3A_860] {strides = array<i32>} : memref<256x128xf32, #tpu.memory_space<vmem>>, vector<16xf32>,
          tpu.vector_store %arg15[%swap3A_859, %swap3A_860], %mul3A_858 {strides = array<i32>} : memref<256x128xf32, #tpu.memory_space<vmem>>, vector<16xf32>,
          %get3A_862 = arith.index_cast %add3A_803 : i32 to index
          %get3A_863 = arith.constant 112 : index
          %get3A_864 = tpu.vector_load %arg15[%get3A_862, %get3A_863] {strides = array<i32>} : memref<256x128xf32, #tpu.memory_space<vmem>>, vector<16xf32>,
          %mul3A_865 = vector.broadcast %squeeze3A_805 : f32 to vector<16xf32>
          %mul3A_866 = arith.mulf %get3A_864, %mul3A_865 : vector<16xf32>
          %swap3A_867 = arith.index_cast %add3A_803 : i32 to index
          %swap3A_868 = arith.constant 112 : index
          %swap3A_869 = tpu.vector_load %arg15[%swap3A_867, %swap3A_868] {strides = array<i32>} : memref<256x128xf32, #tpu.memory_space<vmem>>, vector<16xf32>,
          tpu.vector_store %arg15[%swap3A_867, %swap3A_868], %mul3A_866 {strides = array<i32>} : memref<256x128xf32, #tpu.memory_space<vmem>>, vector<16xf32>,
          %mul3A_870 = arith.constant 16 : i32
          %mul3A_871 = arith.muli %scan3A_156, %mul3A_870 : i32
          %add3A_872 = arith.addi %mul3A_113, %mul3A_871 : i32
          %add3A_873 = arith.constant 10 : i32
          %add3A_874 = arith.addi %add3A_872, %add3A_873 : i32
          %slice3A_875 = vector.extract_strided_slice %get3A_162 {offsets = [10], sizes = [1], strides = [1]} : vector<16xf32> to vector<1xf32>
          %squeeze3A_876 = vector.extract %slice3A_875[0] : f32 from vector<1xf32>
          %get3A_877 = arith.index_cast %add3A_874 : i32 to index
          %get3A_878 = arith.constant 0 : index
          %get3A_879 = tpu.vector_load %arg15[%get3A_877, %get3A_878] {strides = array<i32>} : memref<256x128xf32, #tpu.memory_space<vmem>>, vector<16xf32>,
          %mul3A_880 = vector.broadcast %squeeze3A_876 : f32 to vector<16xf32>
          %mul3A_881 = arith.mulf %get3A_879, %mul3A_880 : vector<16xf32>
          %swap3A_882 = arith.index_cast %add3A_874 : i32 to index
          %swap3A_883 = arith.constant 0 : index
          %swap3A_884 = tpu.vector_load %arg15[%swap3A_882, %swap3A_883] {strides = array<i32>} : memref<256x128xf32, #tpu.memory_space<vmem>>, vector<16xf32>,
          tpu.vector_store %arg15[%swap3A_882, %swap3A_883], %mul3A_881 {strides = array<i32>} : memref<256x128xf32, #tpu.memory_space<vmem>>, vector<16xf32>,
          %get3A_885 = arith.index_cast %add3A_874 : i32 to index
          %get3A_886 = arith.constant 16 : index
          %get3A_887 = tpu.vector_load %arg15[%get3A_885, %get3A_886] {strides = array<i32>} : memref<256x128xf32, #tpu.memory_space<vmem>>, vector<16xf32>,
          %mul3A_888 = vector.broadcast %squeeze3A_876 : f32 to vector<16xf32>
          %mul3A_889 = arith.mulf %get3A_887, %mul3A_888 : vector<16xf32>
          %swap3A_890 = arith.index_cast %add3A_874 : i32 to index
          %swap3A_891 = arith.constant 16 : index
          %swap3A_892 = tpu.vector_load %arg15[%swap3A_890, %swap3A_891] {strides = array<i32>} : memref<256x128xf32, #tpu.memory_space<vmem>>, vector<16xf32>,
          tpu.vector_store %arg15[%swap3A_890, %swap3A_891], %mul3A_889 {strides = array<i32>} : memref<256x128xf32, #tpu.memory_space<vmem>>, vector<16xf32>,
          %get3A_893 = arith.index_cast %add3A_874 : i32 to index
          %get3A_894 = arith.constant 32 : index
          %get3A_895 = tpu.vector_load %arg15[%get3A_893, %get3A_894] {strides = array<i32>} : memref<256x128xf32, #tpu.memory_space<vmem>>, vector<16xf32>,
          %mul3A_896 = vector.broadcast %squeeze3A_876 : f32 to vector<16xf32>
          %mul3A_897 = arith.mulf %get3A_895, %mul3A_896 : vector<16xf32>
          %swap3A_898 = arith.index_cast %add3A_874 : i32 to index
          %swap3A_899 = arith.constant 32 : index
          %swap3A_900 = tpu.vector_load %arg15[%swap3A_898, %swap3A_899] {strides = array<i32>} : memref<256x128xf32, #tpu.memory_space<vmem>>, vector<16xf32>,
          tpu.vector_store %arg15[%swap3A_898, %swap3A_899], %mul3A_897 {strides = array<i32>} : memref<256x128xf32, #tpu.memory_space<vmem>>, vector<16xf32>,
          %get3A_901 = arith.index_cast %add3A_874 : i32 to index
          %get3A_902 = arith.constant 48 : index
          %get3A_903 = tpu.vector_load %arg15[%get3A_901, %get3A_902] {strides = array<i32>} : memref<256x128xf32, #tpu.memory_space<vmem>>, vector<16xf32>,
          %mul3A_904 = vector.broadcast %squeeze3A_876 : f32 to vector<16xf32>
          %mul3A_905 = arith.mulf %get3A_903, %mul3A_904 : vector<16xf32>
          %swap3A_906 = arith.index_cast %add3A_874 : i32 to index
          %swap3A_907 = arith.constant 48 : index
          %swap3A_908 = tpu.vector_load %arg15[%swap3A_906, %swap3A_907] {strides = array<i32>} : memref<256x128xf32, #tpu.memory_space<vmem>>, vector<16xf32>,
          tpu.vector_store %arg15[%swap3A_906, %swap3A_907], %mul3A_905 {strides = array<i32>} : memref<256x128xf32, #tpu.memory_space<vmem>>, vector<16xf32>,
          %get3A_909 = arith.index_cast %add3A_874 : i32 to index
          %get3A_910 = arith.constant 64 : index
          %get3A_911 = tpu.vector_load %arg15[%get3A_909, %get3A_910] {strides = array<i32>} : memref<256x128xf32, #tpu.memory_space<vmem>>, vector<16xf32>,
          %mul3A_912 = vector.broadcast %squeeze3A_876 : f32 to vector<16xf32>
          %mul3A_913 = arith.mulf %get3A_911, %mul3A_912 : vector<16xf32>
          %swap3A_914 = arith.index_cast %add3A_874 : i32 to index
          %swap3A_915 = arith.constant 64 : index
          %swap3A_916 = tpu.vector_load %arg15[%swap3A_914, %swap3A_915] {strides = array<i32>} : memref<256x128xf32, #tpu.memory_space<vmem>>, vector<16xf32>,
          tpu.vector_store %arg15[%swap3A_914, %swap3A_915], %mul3A_913 {strides = array<i32>} : memref<256x128xf32, #tpu.memory_space<vmem>>, vector<16xf32>,
          %get3A_917 = arith.index_cast %add3A_874 : i32 to index
          %get3A_918 = arith.constant 80 : index
          %get3A_919 = tpu.vector_load %arg15[%get3A_917, %get3A_918] {strides = array<i32>} : memref<256x128xf32, #tpu.memory_space<vmem>>, vector<16xf32>,
          %mul3A_920 = vector.broadcast %squeeze3A_876 : f32 to vector<16xf32>
          %mul3A_921 = arith.mulf %get3A_919, %mul3A_920 : vector<16xf32>
          %swap3A_922 = arith.index_cast %add3A_874 : i32 to index
          %swap3A_923 = arith.constant 80 : index
          %swap3A_924 = tpu.vector_load %arg15[%swap3A_922, %swap3A_923] {strides = array<i32>} : memref<256x128xf32, #tpu.memory_space<vmem>>, vector<16xf32>,
          tpu.vector_store %arg15[%swap3A_922, %swap3A_923], %mul3A_921 {strides = array<i32>} : memref<256x128xf32, #tpu.memory_space<vmem>>, vector<16xf32>,
          %get3A_925 = arith.index_cast %add3A_874 : i32 to index
          %get3A_926 = arith.constant 96 : index
          %get3A_927 = tpu.vector_load %arg15[%get3A_925, %get3A_926] {strides = array<i32>} : memref<256x128xf32, #tpu.memory_space<vmem>>, vector<16xf32>,
          %mul3A_928 = vector.broadcast %squeeze3A_876 : f32 to vector<16xf32>
          %mul3A_929 = arith.mulf %get3A_927, %mul3A_928 : vector<16xf32>
          %swap3A_930 = arith.index_cast %add3A_874 : i32 to index
          %swap3A_931 = arith.constant 96 : index
          %swap3A_932 = tpu.vector_load %arg15[%swap3A_930, %swap3A_931] {strides = array<i32>} : memref<256x128xf32, #tpu.memory_space<vmem>>, vector<16xf32>,
          tpu.vector_store %arg15[%swap3A_930, %swap3A_931], %mul3A_929 {strides = array<i32>} : memref<256x128xf32, #tpu.memory_space<vmem>>, vector<16xf32>,
          %get3A_933 = arith.index_cast %add3A_874 : i32 to index
          %get3A_934 = arith.constant 112 : index
          %get3A_935 = tpu.vector_load %arg15[%get3A_933, %get3A_934] {strides = array<i32>} : memref<256x128xf32, #tpu.memory_space<vmem>>, vector<16xf32>,
          %mul3A_936 = vector.broadcast %squeeze3A_876 : f32 to vector<16xf32>
          %mul3A_937 = arith.mulf %get3A_935, %mul3A_936 : vector<16xf32>
          %swap3A_938 = arith.index_cast %add3A_874 : i32 to index
          %swap3A_939 = arith.constant 112 : index
          %swap3A_940 = tpu.vector_load %arg15[%swap3A_938, %swap3A_939] {strides = array<i32>} : memref<256x128xf32, #tpu.memory_space<vmem>>, vector<16xf32>,
          tpu.vector_store %arg15[%swap3A_938, %swap3A_939], %mul3A_937 {strides = array<i32>} : memref<256x128xf32, #tpu.memory_space<vmem>>, vector<16xf32>,
          %mul3A_941 = arith.constant 16 : i32
          %mul3A_942 = arith.muli %scan3A_156, %mul3A_941 : i32
          %add3A_943 = arith.addi %mul3A_113, %mul3A_942 : i32
          %add3A_944 = arith.constant 11 : i32
          %add3A_945 = arith.addi %add3A_943, %add3A_944 : i32
          %slice3A_946 = vector.extract_strided_slice %get3A_162 {offsets = [11], sizes = [1], strides = [1]} : vector<16xf32> to vector<1xf32>
          %squeeze3A_947 = vector.extract %slice3A_946[0] : f32 from vector<1xf32>
          %get3A_948 = arith.index_cast %add3A_945 : i32 to index
          %get3A_949 = arith.constant 0 : index
          %get3A_950 = tpu.vector_load %arg15[%get3A_948, %get3A_949] {strides = array<i32>} : memref<256x128xf32, #tpu.memory_space<vmem>>, vector<16xf32>,
          %mul3A_951 = vector.broadcast %squeeze3A_947 : f32 to vector<16xf32>
          %mul3A_952 = arith.mulf %get3A_950, %mul3A_951 : vector<16xf32>
          %swap3A_953 = arith.index_cast %add3A_945 : i32 to index
          %swap3A_954 = arith.constant 0 : index
          %swap3A_955 = tpu.vector_load %arg15[%swap3A_953, %swap3A_954] {strides = array<i32>} : memref<256x128xf32, #tpu.memory_space<vmem>>, vector<16xf32>,
          tpu.vector_store %arg15[%swap3A_953, %swap3A_954], %mul3A_952 {strides = array<i32>} : memref<256x128xf32, #tpu.memory_space<vmem>>, vector<16xf32>,
          %get3A_956 = arith.index_cast %add3A_945 : i32 to index
          %get3A_957 = arith.constant 16 : index
          %get3A_958 = tpu.vector_load %arg15[%get3A_956, %get3A_957] {strides = array<i32>} : memref<256x128xf32, #tpu.memory_space<vmem>>, vector<16xf32>,
          %mul3A_959 = vector.broadcast %squeeze3A_947 : f32 to vector<16xf32>
          %mul3A_960 = arith.mulf %get3A_958, %mul3A_959 : vector<16xf32>
          %swap3A_961 = arith.index_cast %add3A_945 : i32 to index
          %swap3A_962 = arith.constant 16 : index
          %swap3A_963 = tpu.vector_load %arg15[%swap3A_961, %swap3A_962] {strides = array<i32>} : memref<256x128xf32, #tpu.memory_space<vmem>>, vector<16xf32>,
          tpu.vector_store %arg15[%swap3A_961, %swap3A_962], %mul3A_960 {strides = array<i32>} : memref<256x128xf32, #tpu.memory_space<vmem>>, vector<16xf32>,
          %get3A_964 = arith.index_cast %add3A_945 : i32 to index
          %get3A_965 = arith.constant 32 : index
          %get3A_966 = tpu.vector_load %arg15[%get3A_964, %get3A_965] {strides = array<i32>} : memref<256x128xf32, #tpu.memory_space<vmem>>, vector<16xf32>,
          %mul3A_967 = vector.broadcast %squeeze3A_947 : f32 to vector<16xf32>
          %mul3A_968 = arith.mulf %get3A_966, %mul3A_967 : vector<16xf32>
          %swap3A_969 = arith.index_cast %add3A_945 : i32 to index
          %swap3A_970 = arith.constant 32 : index
          %swap3A_971 = tpu.vector_load %arg15[%swap3A_969, %swap3A_970] {strides = array<i32>} : memref<256x128xf32, #tpu.memory_space<vmem>>, vector<16xf32>,
          tpu.vector_store %arg15[%swap3A_969, %swap3A_970], %mul3A_968 {strides = array<i32>} : memref<256x128xf32, #tpu.memory_space<vmem>>, vector<16xf32>,
          %get3A_972 = arith.index_cast %add3A_945 : i32 to index
          %get3A_973 = arith.constant 48 : index
          %get3A_974 = tpu.vector_load %arg15[%get3A_972, %get3A_973] {strides = array<i32>} : memref<256x128xf32, #tpu.memory_space<vmem>>, vector<16xf32>,
          %mul3A_975 = vector.broadcast %squeeze3A_947 : f32 to vector<16xf32>
          %mul3A_976 = arith.mulf %get3A_974, %mul3A_975 : vector<16xf32>
          %swap3A_977 = arith.index_cast %add3A_945 : i32 to index
          %swap3A_978 = arith.constant 48 : index
          %swap3A_979 = tpu.vector_load %arg15[%swap3A_977, %swap3A_978] {strides = array<i32>} : memref<256x128xf32, #tpu.memory_space<vmem>>, vector<16xf32>,
          tpu.vector_store %arg15[%swap3A_977, %swap3A_978], %mul3A_976 {strides = array<i32>} : memref<256x128xf32, #tpu.memory_space<vmem>>, vector<16xf32>,
          %get3A_980 = arith.index_cast %add3A_945 : i32 to index
          %get3A_981 = arith.constant 64 : index
          %get3A_982 = tpu.vector_load %arg15[%get3A_980, %get3A_981] {strides = array<i32>} : memref<256x128xf32, #tpu.memory_space<vmem>>, vector<16xf32>,
          %mul3A_983 = vector.broadcast %squeeze3A_947 : f32 to vector<16xf32>
          %mul3A_984 = arith.mulf %get3A_982, %mul3A_983 : vector<16xf32>
          %swap3A_985 = arith.index_cast %add3A_945 : i32 to index
          %swap3A_986 = arith.constant 64 : index
          %swap3A_987 = tpu.vector_load %arg15[%swap3A_985, %swap3A_986] {strides = array<i32>} : memref<256x128xf32, #tpu.memory_space<vmem>>, vector<16xf32>,
          tpu.vector_store %arg15[%swap3A_985, %swap3A_986], %mul3A_984 {strides = array<i32>} : memref<256x128xf32, #tpu.memory_space<vmem>>, vector<16xf32>,
          %get3A_988 = arith.index_cast %add3A_945 : i32 to index
          %get3A_989 = arith.constant 80 : index
          %get3A_990 = tpu.vector_load %arg15[%get3A_988, %get3A_989] {strides = array<i32>} : memref<256x128xf32, #tpu.memory_space<vmem>>, vector<16xf32>,
          %mul3A_991 = vector.broadcast %squeeze3A_947 : f32 to vector<16xf32>
          %mul3A_992 = arith.mulf %get3A_990, %mul3A_991 : vector<16xf32>
          %swap3A_993 = arith.index_cast %add3A_945 : i32 to index
          %swap3A_994 = arith.constant 80 : index
          %swap3A_995 = tpu.vector_load %arg15[%swap3A_993, %swap3A_994] {strides = array<i32>} : memref<256x128xf32, #tpu.memory_space<vmem>>, vector<16xf32>,
          tpu.vector_store %arg15[%swap3A_993, %swap3A_994], %mul3A_992 {strides = array<i32>} : memref<256x128xf32, #tpu.memory_space<vmem>>, vector<16xf32>,
          %get3A_996 = arith.index_cast %add3A_945 : i32 to index
          %get3A_997 = arith.constant 96 : index
          %get3A_998 = tpu.vector_load %arg15[%get3A_996, %get3A_997] {strides = array<i32>} : memref<256x128xf32, #tpu.memory_space<vmem>>, vector<16xf32>,
          %mul3A_999 = vector.broadcast %squeeze3A_947 : f32 to vector<16xf32>
          %mul3A_1000 = arith.mulf %get3A_998, %mul3A_999 : vector<16xf32>
          %swap3A_1001 = arith.index_cast %add3A_945 : i32 to index
          %swap3A_1002 = arith.constant 96 : index
          %swap3A_1003 = tpu.vector_load %arg15[%swap3A_1001, %swap3A_1002] {strides = array<i32>} : memref<256x128xf32, #tpu.memory_space<vmem>>, vector<16xf32>,
          tpu.vector_store %arg15[%swap3A_1001, %swap3A_1002], %mul3A_1000 {strides = array<i32>} : memref<256x128xf32, #tpu.memory_space<vmem>>, vector<16xf32>,
          %get3A_1004 = arith.index_cast %add3A_945 : i32 to index
          %get3A_1005 = arith.constant 112 : index
          %get3A_1006 = tpu.vector_load %arg15[%get3A_1004, %get3A_1005] {strides = array<i32>} : memref<256x128xf32, #tpu.memory_space<vmem>>, vector<16xf32>,
          %mul3A_1007 = vector.broadcast %squeeze3A_947 : f32 to vector<16xf32>
          %mul3A_1008 = arith.mulf %get3A_1006, %mul3A_1007 : vector<16xf32>
          %swap3A_1009 = arith.index_cast %add3A_945 : i32 to index
          %swap3A_1010 = arith.constant 112 : index
          %swap3A_1011 = tpu.vector_load %arg15[%swap3A_1009, %swap3A_1010] {strides = array<i32>} : memref<256x128xf32, #tpu.memory_space<vmem>>, vector<16xf32>,
          tpu.vector_store %arg15[%swap3A_1009, %swap3A_1010], %mul3A_1008 {strides = array<i32>} : memref<256x128xf32, #tpu.memory_space<vmem>>, vector<16xf32>,
          %mul3A_1012 = arith.constant 16 : i32
          %mul3A_1013 = arith.muli %scan3A_156, %mul3A_1012 : i32
          %add3A_1014 = arith.addi %mul3A_113, %mul3A_1013 : i32
          %add3A_1015 = arith.constant 12 : i32
          %add3A_1016 = arith.addi %add3A_1014, %add3A_1015 : i32
          %slice3A_1017 = vector.extract_strided_slice %get3A_162 {offsets = [12], sizes = [1], strides = [1]} : vector<16xf32> to vector<1xf32>
          %squeeze3A_1018 = vector.extract %slice3A_1017[0] : f32 from vector<1xf32>
          %get3A_1019 = arith.index_cast %add3A_1016 : i32 to index
          %get3A_1020 = arith.constant 0 : index
          %get3A_1021 = tpu.vector_load %arg15[%get3A_1019, %get3A_1020] {strides = array<i32>} : memref<256x128xf32, #tpu.memory_space<vmem>>, vector<16xf32>,
          %mul3A_1022 = vector.broadcast %squeeze3A_1018 : f32 to vector<16xf32>
          %mul3A_1023 = arith.mulf %get3A_1021, %mul3A_1022 : vector<16xf32>
          %swap3A_1024 = arith.index_cast %add3A_1016 : i32 to index
          %swap3A_1025 = arith.constant 0 : index
          %swap3A_1026 = tpu.vector_load %arg15[%swap3A_1024, %swap3A_1025] {strides = array<i32>} : memref<256x128xf32, #tpu.memory_space<vmem>>, vector<16xf32>,
          tpu.vector_store %arg15[%swap3A_1024, %swap3A_1025], %mul3A_1023 {strides = array<i32>} : memref<256x128xf32, #tpu.memory_space<vmem>>, vector<16xf32>,
          %get3A_1027 = arith.index_cast %add3A_1016 : i32 to index
          %get3A_1028 = arith.constant 16 : index
          %get3A_1029 = tpu.vector_load %arg15[%get3A_1027, %get3A_1028] {strides = array<i32>} : memref<256x128xf32, #tpu.memory_space<vmem>>, vector<16xf32>,
          %mul3A_1030 = vector.broadcast %squeeze3A_1018 : f32 to vector<16xf32>
          %mul3A_1031 = arith.mulf %get3A_1029, %mul3A_1030 : vector<16xf32>
          %swap3A_1032 = arith.index_cast %add3A_1016 : i32 to index
          %swap3A_1033 = arith.constant 16 : index
          %swap3A_1034 = tpu.vector_load %arg15[%swap3A_1032, %swap3A_1033] {strides = array<i32>} : memref<256x128xf32, #tpu.memory_space<vmem>>, vector<16xf32>,
          tpu.vector_store %arg15[%swap3A_1032, %swap3A_1033], %mul3A_1031 {strides = array<i32>} : memref<256x128xf32, #tpu.memory_space<vmem>>, vector<16xf32>,
          %get3A_1035 = arith.index_cast %add3A_1016 : i32 to index
          %get3A_1036 = arith.constant 32 : index
          %get3A_1037 = tpu.vector_load %arg15[%get3A_1035, %get3A_1036] {strides = array<i32>} : memref<256x128xf32, #tpu.memory_space<vmem>>, vector<16xf32>,
          %mul3A_1038 = vector.broadcast %squeeze3A_1018 : f32 to vector<16xf32>
          %mul3A_1039 = arith.mulf %get3A_1037, %mul3A_1038 : vector<16xf32>
          %swap3A_1040 = arith.index_cast %add3A_1016 : i32 to index
          %swap3A_1041 = arith.constant 32 : index
          %swap3A_1042 = tpu.vector_load %arg15[%swap3A_1040, %swap3A_1041] {strides = array<i32>} : memref<256x128xf32, #tpu.memory_space<vmem>>, vector<16xf32>,
          tpu.vector_store %arg15[%swap3A_1040, %swap3A_1041], %mul3A_1039 {strides = array<i32>} : memref<256x128xf32, #tpu.memory_space<vmem>>, vector<16xf32>,
          %get3A_1043 = arith.index_cast %add3A_1016 : i32 to index
          %get3A_1044 = arith.constant 48 : index
          %get3A_1045 = tpu.vector_load %arg15[%get3A_1043, %get3A_1044] {strides = array<i32>} : memref<256x128xf32, #tpu.memory_space<vmem>>, vector<16xf32>,
          %mul3A_1046 = vector.broadcast %squeeze3A_1018 : f32 to vector<16xf32>
          %mul3A_1047 = arith.mulf %get3A_1045, %mul3A_1046 : vector<16xf32>
          %swap3A_1048 = arith.index_cast %add3A_1016 : i32 to index
          %swap3A_1049 = arith.constant 48 : index
          %swap3A_1050 = tpu.vector_load %arg15[%swap3A_1048, %swap3A_1049] {strides = array<i32>} : memref<256x128xf32, #tpu.memory_space<vmem>>, vector<16xf32>,
          tpu.vector_store %arg15[%swap3A_1048, %swap3A_1049], %mul3A_1047 {strides = array<i32>} : memref<256x128xf32, #tpu.memory_space<vmem>>, vector<16xf32>,
          %get3A_1051 = arith.index_cast %add3A_1016 : i32 to index
          %get3A_1052 = arith.constant 64 : index
          %get3A_1053 = tpu.vector_load %arg15[%get3A_1051, %get3A_1052] {strides = array<i32>} : memref<256x128xf32, #tpu.memory_space<vmem>>, vector<16xf32>,
          %mul3A_1054 = vector.broadcast %squeeze3A_1018 : f32 to vector<16xf32>
          %mul3A_1055 = arith.mulf %get3A_1053, %mul3A_1054 : vector<16xf32>
          %swap3A_1056 = arith.index_cast %add3A_1016 : i32 to index
          %swap3A_1057 = arith.constant 64 : index
          %swap3A_1058 = tpu.vector_load %arg15[%swap3A_1056, %swap3A_1057] {strides = array<i32>} : memref<256x128xf32, #tpu.memory_space<vmem>>, vector<16xf32>,
          tpu.vector_store %arg15[%swap3A_1056, %swap3A_1057], %mul3A_1055 {strides = array<i32>} : memref<256x128xf32, #tpu.memory_space<vmem>>, vector<16xf32>,
          %get3A_1059 = arith.index_cast %add3A_1016 : i32 to index
          %get3A_1060 = arith.constant 80 : index
          %get3A_1061 = tpu.vector_load %arg15[%get3A_1059, %get3A_1060] {strides = array<i32>} : memref<256x128xf32, #tpu.memory_space<vmem>>, vector<16xf32>,
          %mul3A_1062 = vector.broadcast %squeeze3A_1018 : f32 to vector<16xf32>
          %mul3A_1063 = arith.mulf %get3A_1061, %mul3A_1062 : vector<16xf32>
          %swap3A_1064 = arith.index_cast %add3A_1016 : i32 to index
          %swap3A_1065 = arith.constant 80 : index
          %swap3A_1066 = tpu.vector_load %arg15[%swap3A_1064, %swap3A_1065] {strides = array<i32>} : memref<256x128xf32, #tpu.memory_space<vmem>>, vector<16xf32>,
          tpu.vector_store %arg15[%swap3A_1064, %swap3A_1065], %mul3A_1063 {strides = array<i32>} : memref<256x128xf32, #tpu.memory_space<vmem>>, vector<16xf32>,
          %get3A_1067 = arith.index_cast %add3A_1016 : i32 to index
          %get3A_1068 = arith.constant 96 : index
          %get3A_1069 = tpu.vector_load %arg15[%get3A_1067, %get3A_1068] {strides = array<i32>} : memref<256x128xf32, #tpu.memory_space<vmem>>, vector<16xf32>,
          %mul3A_1070 = vector.broadcast %squeeze3A_1018 : f32 to vector<16xf32>
          %mul3A_1071 = arith.mulf %get3A_1069, %mul3A_1070 : vector<16xf32>
          %swap3A_1072 = arith.index_cast %add3A_1016 : i32 to index
          %swap3A_1073 = arith.constant 96 : index
          %swap3A_1074 = tpu.vector_load %arg15[%swap3A_1072, %swap3A_1073] {strides = array<i32>} : memref<256x128xf32, #tpu.memory_space<vmem>>, vector<16xf32>,
          tpu.vector_store %arg15[%swap3A_1072, %swap3A_1073], %mul3A_1071 {strides = array<i32>} : memref<256x128xf32, #tpu.memory_space<vmem>>, vector<16xf32>,
          %get3A_1075 = arith.index_cast %add3A_1016 : i32 to index
          %get3A_1076 = arith.constant 112 : index
          %get3A_1077 = tpu.vector_load %arg15[%get3A_1075, %get3A_1076] {strides = array<i32>} : memref<256x128xf32, #tpu.memory_space<vmem>>, vector<16xf32>,
          %mul3A_1078 = vector.broadcast %squeeze3A_1018 : f32 to vector<16xf32>
          %mul3A_1079 = arith.mulf %get3A_1077, %mul3A_1078 : vector<16xf32>
          %swap3A_1080 = arith.index_cast %add3A_1016 : i32 to index
          %swap3A_1081 = arith.constant 112 : index
          %swap3A_1082 = tpu.vector_load %arg15[%swap3A_1080, %swap3A_1081] {strides = array<i32>} : memref<256x128xf32, #tpu.memory_space<vmem>>, vector<16xf32>,
          tpu.vector_store %arg15[%swap3A_1080, %swap3A_1081], %mul3A_1079 {strides = array<i32>} : memref<256x128xf32, #tpu.memory_space<vmem>>, vector<16xf32>,
          %mul3A_1083 = arith.constant 16 : i32
          %mul3A_1084 = arith.muli %scan3A_156, %mul3A_1083 : i32
          %add3A_1085 = arith.addi %mul3A_113, %mul3A_1084 : i32
          %add3A_1086 = arith.constant 13 : i32
          %add3A_1087 = arith.addi %add3A_1085, %add3A_1086 : i32
          %slice3A_1088 = vector.extract_strided_slice %get3A_162 {offsets = [13], sizes = [1], strides = [1]} : vector<16xf32> to vector<1xf32>
          %squeeze3A_1089 = vector.extract %slice3A_1088[0] : f32 from vector<1xf32>
          %get3A_1090 = arith.index_cast %add3A_1087 : i32 to index
          %get3A_1091 = arith.constant 0 : index
          %get3A_1092 = tpu.vector_load %arg15[%get3A_1090, %get3A_1091] {strides = array<i32>} : memref<256x128xf32, #tpu.memory_space<vmem>>, vector<16xf32>,
          %mul3A_1093 = vector.broadcast %squeeze3A_1089 : f32 to vector<16xf32>
          %mul3A_1094 = arith.mulf %get3A_1092, %mul3A_1093 : vector<16xf32>
          %swap3A_1095 = arith.index_cast %add3A_1087 : i32 to index
          %swap3A_1096 = arith.constant 0 : index
          %swap3A_1097 = tpu.vector_load %arg15[%swap3A_1095, %swap3A_1096] {strides = array<i32>} : memref<256x128xf32, #tpu.memory_space<vmem>>, vector<16xf32>,
          tpu.vector_store %arg15[%swap3A_1095, %swap3A_1096], %mul3A_1094 {strides = array<i32>} : memref<256x128xf32, #tpu.memory_space<vmem>>, vector<16xf32>,
          %get3A_1098 = arith.index_cast %add3A_1087 : i32 to index
          %get3A_1099 = arith.constant 16 : index
          %get3A_1100 = tpu.vector_load %arg15[%get3A_1098, %get3A_1099] {strides = array<i32>} : memref<256x128xf32, #tpu.memory_space<vmem>>, vector<16xf32>,
          %mul3A_1101 = vector.broadcast %squeeze3A_1089 : f32 to vector<16xf32>
          %mul3A_1102 = arith.mulf %get3A_1100, %mul3A_1101 : vector<16xf32>
          %swap3A_1103 = arith.index_cast %add3A_1087 : i32 to index
          %swap3A_1104 = arith.constant 16 : index
          %swap3A_1105 = tpu.vector_load %arg15[%swap3A_1103, %swap3A_1104] {strides = array<i32>} : memref<256x128xf32, #tpu.memory_space<vmem>>, vector<16xf32>,
          tpu.vector_store %arg15[%swap3A_1103, %swap3A_1104], %mul3A_1102 {strides = array<i32>} : memref<256x128xf32, #tpu.memory_space<vmem>>, vector<16xf32>,
          %get3A_1106 = arith.index_cast %add3A_1087 : i32 to index
          %get3A_1107 = arith.constant 32 : index
          %get3A_1108 = tpu.vector_load %arg15[%get3A_1106, %get3A_1107] {strides = array<i32>} : memref<256x128xf32, #tpu.memory_space<vmem>>, vector<16xf32>,
          %mul3A_1109 = vector.broadcast %squeeze3A_1089 : f32 to vector<16xf32>
          %mul3A_1110 = arith.mulf %get3A_1108, %mul3A_1109 : vector<16xf32>
          %swap3A_1111 = arith.index_cast %add3A_1087 : i32 to index
          %swap3A_1112 = arith.constant 32 : index
          %swap3A_1113 = tpu.vector_load %arg15[%swap3A_1111, %swap3A_1112] {strides = array<i32>} : memref<256x128xf32, #tpu.memory_space<vmem>>, vector<16xf32>,
          tpu.vector_store %arg15[%swap3A_1111, %swap3A_1112], %mul3A_1110 {strides = array<i32>} : memref<256x128xf32, #tpu.memory_space<vmem>>, vector<16xf32>,
          %get3A_1114 = arith.index_cast %add3A_1087 : i32 to index
          %get3A_1115 = arith.constant 48 : index
          %get3A_1116 = tpu.vector_load %arg15[%get3A_1114, %get3A_1115] {strides = array<i32>} : memref<256x128xf32, #tpu.memory_space<vmem>>, vector<16xf32>,
          %mul3A_1117 = vector.broadcast %squeeze3A_1089 : f32 to vector<16xf32>
          %mul3A_1118 = arith.mulf %get3A_1116, %mul3A_1117 : vector<16xf32>
          %swap3A_1119 = arith.index_cast %add3A_1087 : i32 to index
          %swap3A_1120 = arith.constant 48 : index
          %swap3A_1121 = tpu.vector_load %arg15[%swap3A_1119, %swap3A_1120] {strides = array<i32>} : memref<256x128xf32, #tpu.memory_space<vmem>>, vector<16xf32>,
          tpu.vector_store %arg15[%swap3A_1119, %swap3A_1120], %mul3A_1118 {strides = array<i32>} : memref<256x128xf32, #tpu.memory_space<vmem>>, vector<16xf32>,
          %get3A_1122 = arith.index_cast %add3A_1087 : i32 to index
          %get3A_1123 = arith.constant 64 : index
          %get3A_1124 = tpu.vector_load %arg15[%get3A_1122, %get3A_1123] {strides = array<i32>} : memref<256x128xf32, #tpu.memory_space<vmem>>, vector<16xf32>,
          %mul3A_1125 = vector.broadcast %squeeze3A_1089 : f32 to vector<16xf32>
          %mul3A_1126 = arith.mulf %get3A_1124, %mul3A_1125 : vector<16xf32>
          %swap3A_1127 = arith.index_cast %add3A_1087 : i32 to index
          %swap3A_1128 = arith.constant 64 : index
          %swap3A_1129 = tpu.vector_load %arg15[%swap3A_1127, %swap3A_1128] {strides = array<i32>} : memref<256x128xf32, #tpu.memory_space<vmem>>, vector<16xf32>,
          tpu.vector_store %arg15[%swap3A_1127, %swap3A_1128], %mul3A_1126 {strides = array<i32>} : memref<256x128xf32, #tpu.memory_space<vmem>>, vector<16xf32>,
          %get3A_1130 = arith.index_cast %add3A_1087 : i32 to index
          %get3A_1131 = arith.constant 80 : index
          %get3A_1132 = tpu.vector_load %arg15[%get3A_1130, %get3A_1131] {strides = array<i32>} : memref<256x128xf32, #tpu.memory_space<vmem>>, vector<16xf32>,
          %mul3A_1133 = vector.broadcast %squeeze3A_1089 : f32 to vector<16xf32>
          %mul3A_1134 = arith.mulf %get3A_1132, %mul3A_1133 : vector<16xf32>
          %swap3A_1135 = arith.index_cast %add3A_1087 : i32 to index
          %swap3A_1136 = arith.constant 80 : index
          %swap3A_1137 = tpu.vector_load %arg15[%swap3A_1135, %swap3A_1136] {strides = array<i32>} : memref<256x128xf32, #tpu.memory_space<vmem>>, vector<16xf32>,
          tpu.vector_store %arg15[%swap3A_1135, %swap3A_1136], %mul3A_1134 {strides = array<i32>} : memref<256x128xf32, #tpu.memory_space<vmem>>, vector<16xf32>,
          %get3A_1138 = arith.index_cast %add3A_1087 : i32 to index
          %get3A_1139 = arith.constant 96 : index
          %get3A_1140 = tpu.vector_load %arg15[%get3A_1138, %get3A_1139] {strides = array<i32>} : memref<256x128xf32, #tpu.memory_space<vmem>>, vector<16xf32>,
          %mul3A_1141 = vector.broadcast %squeeze3A_1089 : f32 to vector<16xf32>
          %mul3A_1142 = arith.mulf %get3A_1140, %mul3A_1141 : vector<16xf32>
          %swap3A_1143 = arith.index_cast %add3A_1087 : i32 to index
          %swap3A_1144 = arith.constant 96 : index
          %swap3A_1145 = tpu.vector_load %arg15[%swap3A_1143, %swap3A_1144] {strides = array<i32>} : memref<256x128xf32, #tpu.memory_space<vmem>>, vector<16xf32>,
          tpu.vector_store %arg15[%swap3A_1143, %swap3A_1144], %mul3A_1142 {strides = array<i32>} : memref<256x128xf32, #tpu.memory_space<vmem>>, vector<16xf32>,
          %get3A_1146 = arith.index_cast %add3A_1087 : i32 to index
          %get3A_1147 = arith.constant 112 : index
          %get3A_1148 = tpu.vector_load %arg15[%get3A_1146, %get3A_1147] {strides = array<i32>} : memref<256x128xf32, #tpu.memory_space<vmem>>, vector<16xf32>,
          %mul3A_1149 = vector.broadcast %squeeze3A_1089 : f32 to vector<16xf32>
          %mul3A_1150 = arith.mulf %get3A_1148, %mul3A_1149 : vector<16xf32>
          %swap3A_1151 = arith.index_cast %add3A_1087 : i32 to index
          %swap3A_1152 = arith.constant 112 : index
          %swap3A_1153 = tpu.vector_load %arg15[%swap3A_1151, %swap3A_1152] {strides = array<i32>} : memref<256x128xf32, #tpu.memory_space<vmem>>, vector<16xf32>,
          tpu.vector_store %arg15[%swap3A_1151, %swap3A_1152], %mul3A_1150 {strides = array<i32>} : memref<256x128xf32, #tpu.memory_space<vmem>>, vector<16xf32>,
          %mul3A_1154 = arith.constant 16 : i32
          %mul3A_1155 = arith.muli %scan3A_156, %mul3A_1154 : i32
          %add3A_1156 = arith.addi %mul3A_113, %mul3A_1155 : i32
          %add3A_1157 = arith.constant 14 : i32
          %add3A_1158 = arith.addi %add3A_1156, %add3A_1157 : i32
          %slice3A_1159 = vector.extract_strided_slice %get3A_162 {offsets = [14], sizes = [1], strides = [1]} : vector<16xf32> to vector<1xf32>
          %squeeze3A_1160 = vector.extract %slice3A_1159[0] : f32 from vector<1xf32>
          %get3A_1161 = arith.index_cast %add3A_1158 : i32 to index
          %get3A_1162 = arith.constant 0 : index
          %get3A_1163 = tpu.vector_load %arg15[%get3A_1161, %get3A_1162] {strides = array<i32>} : memref<256x128xf32, #tpu.memory_space<vmem>>, vector<16xf32>,
          %mul3A_1164 = vector.broadcast %squeeze3A_1160 : f32 to vector<16xf32>
          %mul3A_1165 = arith.mulf %get3A_1163, %mul3A_1164 : vector<16xf32>
          %swap3A_1166 = arith.index_cast %add3A_1158 : i32 to index
          %swap3A_1167 = arith.constant 0 : index
          %swap3A_1168 = tpu.vector_load %arg15[%swap3A_1166, %swap3A_1167] {strides = array<i32>} : memref<256x128xf32, #tpu.memory_space<vmem>>, vector<16xf32>,
          tpu.vector_store %arg15[%swap3A_1166, %swap3A_1167], %mul3A_1165 {strides = array<i32>} : memref<256x128xf32, #tpu.memory_space<vmem>>, vector<16xf32>,
          %get3A_1169 = arith.index_cast %add3A_1158 : i32 to index
          %get3A_1170 = arith.constant 16 : index
          %get3A_1171 = tpu.vector_load %arg15[%get3A_1169, %get3A_1170] {strides = array<i32>} : memref<256x128xf32, #tpu.memory_space<vmem>>, vector<16xf32>,
          %mul3A_1172 = vector.broadcast %squeeze3A_1160 : f32 to vector<16xf32>
          %mul3A_1173 = arith.mulf %get3A_1171, %mul3A_1172 : vector<16xf32>
          %swap3A_1174 = arith.index_cast %add3A_1158 : i32 to index
          %swap3A_1175 = arith.constant 16 : index
          %swap3A_1176 = tpu.vector_load %arg15[%swap3A_1174, %swap3A_1175] {strides = array<i32>} : memref<256x128xf32, #tpu.memory_space<vmem>>, vector<16xf32>,
          tpu.vector_store %arg15[%swap3A_1174, %swap3A_1175], %mul3A_1173 {strides = array<i32>} : memref<256x128xf32, #tpu.memory_space<vmem>>, vector<16xf32>,
          %get3A_1177 = arith.index_cast %add3A_1158 : i32 to index
          %get3A_1178 = arith.constant 32 : index
          %get3A_1179 = tpu.vector_load %arg15[%get3A_1177, %get3A_1178] {strides = array<i32>} : memref<256x128xf32, #tpu.memory_space<vmem>>, vector<16xf32>,
          %mul3A_1180 = vector.broadcast %squeeze3A_1160 : f32 to vector<16xf32>
          %mul3A_1181 = arith.mulf %get3A_1179, %mul3A_1180 : vector<16xf32>
          %swap3A_1182 = arith.index_cast %add3A_1158 : i32 to index
          %swap3A_1183 = arith.constant 32 : index
          %swap3A_1184 = tpu.vector_load %arg15[%swap3A_1182, %swap3A_1183] {strides = array<i32>} : memref<256x128xf32, #tpu.memory_space<vmem>>, vector<16xf32>,
          tpu.vector_store %arg15[%swap3A_1182, %swap3A_1183], %mul3A_1181 {strides = array<i32>} : memref<256x128xf32, #tpu.memory_space<vmem>>, vector<16xf32>,
          %get3A_1185 = arith.index_cast %add3A_1158 : i32 to index
          %get3A_1186 = arith.constant 48 : index
          %get3A_1187 = tpu.vector_load %arg15[%get3A_1185, %get3A_1186] {strides = array<i32>} : memref<256x128xf32, #tpu.memory_space<vmem>>, vector<16xf32>,
          %mul3A_1188 = vector.broadcast %squeeze3A_1160 : f32 to vector<16xf32>
          %mul3A_1189 = arith.mulf %get3A_1187, %mul3A_1188 : vector<16xf32>
          %swap3A_1190 = arith.index_cast %add3A_1158 : i32 to index
          %swap3A_1191 = arith.constant 48 : index
          %swap3A_1192 = tpu.vector_load %arg15[%swap3A_1190, %swap3A_1191] {strides = array<i32>} : memref<256x128xf32, #tpu.memory_space<vmem>>, vector<16xf32>,
          tpu.vector_store %arg15[%swap3A_1190, %swap3A_1191], %mul3A_1189 {strides = array<i32>} : memref<256x128xf32, #tpu.memory_space<vmem>>, vector<16xf32>,
          %get3A_1193 = arith.index_cast %add3A_1158 : i32 to index
          %get3A_1194 = arith.constant 64 : index
          %get3A_1195 = tpu.vector_load %arg15[%get3A_1193, %get3A_1194] {strides = array<i32>} : memref<256x128xf32, #tpu.memory_space<vmem>>, vector<16xf32>,
          %mul3A_1196 = vector.broadcast %squeeze3A_1160 : f32 to vector<16xf32>
          %mul3A_1197 = arith.mulf %get3A_1195, %mul3A_1196 : vector<16xf32>
          %swap3A_1198 = arith.index_cast %add3A_1158 : i32 to index
          %swap3A_1199 = arith.constant 64 : index
          %swap3A_1200 = tpu.vector_load %arg15[%swap3A_1198, %swap3A_1199] {strides = array<i32>} : memref<256x128xf32, #tpu.memory_space<vmem>>, vector<16xf32>,
          tpu.vector_store %arg15[%swap3A_1198, %swap3A_1199], %mul3A_1197 {strides = array<i32>} : memref<256x128xf32, #tpu.memory_space<vmem>>, vector<16xf32>,
          %get3A_1201 = arith.index_cast %add3A_1158 : i32 to index
          %get3A_1202 = arith.constant 80 : index
          %get3A_1203 = tpu.vector_load %arg15[%get3A_1201, %get3A_1202] {strides = array<i32>} : memref<256x128xf32, #tpu.memory_space<vmem>>, vector<16xf32>,
          %mul3A_1204 = vector.broadcast %squeeze3A_1160 : f32 to vector<16xf32>
          %mul3A_1205 = arith.mulf %get3A_1203, %mul3A_1204 : vector<16xf32>
          %swap3A_1206 = arith.index_cast %add3A_1158 : i32 to index
          %swap3A_1207 = arith.constant 80 : index
          %swap3A_1208 = tpu.vector_load %arg15[%swap3A_1206, %swap3A_1207] {strides = array<i32>} : memref<256x128xf32, #tpu.memory_space<vmem>>, vector<16xf32>,
          tpu.vector_store %arg15[%swap3A_1206, %swap3A_1207], %mul3A_1205 {strides = array<i32>} : memref<256x128xf32, #tpu.memory_space<vmem>>, vector<16xf32>,
          %get3A_1209 = arith.index_cast %add3A_1158 : i32 to index
          %get3A_1210 = arith.constant 96 : index
          %get3A_1211 = tpu.vector_load %arg15[%get3A_1209, %get3A_1210] {strides = array<i32>} : memref<256x128xf32, #tpu.memory_space<vmem>>, vector<16xf32>,
          %mul3A_1212 = vector.broadcast %squeeze3A_1160 : f32 to vector<16xf32>
          %mul3A_1213 = arith.mulf %get3A_1211, %mul3A_1212 : vector<16xf32>
          %swap3A_1214 = arith.index_cast %add3A_1158 : i32 to index
          %swap3A_1215 = arith.constant 96 : index
          %swap3A_1216 = tpu.vector_load %arg15[%swap3A_1214, %swap3A_1215] {strides = array<i32>} : memref<256x128xf32, #tpu.memory_space<vmem>>, vector<16xf32>,
          tpu.vector_store %arg15[%swap3A_1214, %swap3A_1215], %mul3A_1213 {strides = array<i32>} : memref<256x128xf32, #tpu.memory_space<vmem>>, vector<16xf32>,
          %get3A_1217 = arith.index_cast %add3A_1158 : i32 to index
          %get3A_1218 = arith.constant 112 : index
          %get3A_1219 = tpu.vector_load %arg15[%get3A_1217, %get3A_1218] {strides = array<i32>} : memref<256x128xf32, #tpu.memory_space<vmem>>, vector<16xf32>,
          %mul3A_1220 = vector.broadcast %squeeze3A_1160 : f32 to vector<16xf32>
          %mul3A_1221 = arith.mulf %get3A_1219, %mul3A_1220 : vector<16xf32>
          %swap3A_1222 = arith.index_cast %add3A_1158 : i32 to index
          %swap3A_1223 = arith.constant 112 : index
          %swap3A_1224 = tpu.vector_load %arg15[%swap3A_1222, %swap3A_1223] {strides = array<i32>} : memref<256x128xf32, #tpu.memory_space<vmem>>, vector<16xf32>,
          tpu.vector_store %arg15[%swap3A_1222, %swap3A_1223], %mul3A_1221 {strides = array<i32>} : memref<256x128xf32, #tpu.memory_space<vmem>>, vector<16xf32>,
          %mul3A_1225 = arith.constant 16 : i32
          %mul3A_1226 = arith.muli %scan3A_156, %mul3A_1225 : i32
          %add3A_1227 = arith.addi %mul3A_113, %mul3A_1226 : i32
          %add3A_1228 = arith.constant 15 : i32
          %add3A_1229 = arith.addi %add3A_1227, %add3A_1228 : i32
          %slice3A_1230 = vector.extract_strided_slice %get3A_162 {offsets = [15], sizes = [1], strides = [1]} : vector<16xf32> to vector<1xf32>
          %squeeze3A_1231 = vector.extract %slice3A_1230[0] : f32 from vector<1xf32>
          %get3A_1232 = arith.index_cast %add3A_1229 : i32 to index
          %get3A_1233 = arith.constant 0 : index
          %get3A_1234 = tpu.vector_load %arg15[%get3A_1232, %get3A_1233] {strides = array<i32>} : memref<256x128xf32, #tpu.memory_space<vmem>>, vector<16xf32>,
          %mul3A_1235 = vector.broadcast %squeeze3A_1231 : f32 to vector<16xf32>
          %mul3A_1236 = arith.mulf %get3A_1234, %mul3A_1235 : vector<16xf32>
          %swap3A_1237 = arith.index_cast %add3A_1229 : i32 to index
          %swap3A_1238 = arith.constant 0 : index
          %swap3A_1239 = tpu.vector_load %arg15[%swap3A_1237, %swap3A_1238] {strides = array<i32>} : memref<256x128xf32, #tpu.memory_space<vmem>>, vector<16xf32>,
          tpu.vector_store %arg15[%swap3A_1237, %swap3A_1238], %mul3A_1236 {strides = array<i32>} : memref<256x128xf32, #tpu.memory_space<vmem>>, vector<16xf32>,
          %get3A_1240 = arith.index_cast %add3A_1229 : i32 to index
          %get3A_1241 = arith.constant 16 : index
          %get3A_1242 = tpu.vector_load %arg15[%get3A_1240, %get3A_1241] {strides = array<i32>} : memref<256x128xf32, #tpu.memory_space<vmem>>, vector<16xf32>,
          %mul3A_1243 = vector.broadcast %squeeze3A_1231 : f32 to vector<16xf32>
          %mul3A_1244 = arith.mulf %get3A_1242, %mul3A_1243 : vector<16xf32>
          %swap3A_1245 = arith.index_cast %add3A_1229 : i32 to index
          %swap3A_1246 = arith.constant 16 : index
          %swap3A_1247 = tpu.vector_load %arg15[%swap3A_1245, %swap3A_1246] {strides = array<i32>} : memref<256x128xf32, #tpu.memory_space<vmem>>, vector<16xf32>,
          tpu.vector_store %arg15[%swap3A_1245, %swap3A_1246], %mul3A_1244 {strides = array<i32>} : memref<256x128xf32, #tpu.memory_space<vmem>>, vector<16xf32>,
          %get3A_1248 = arith.index_cast %add3A_1229 : i32 to index
          %get3A_1249 = arith.constant 32 : index
          %get3A_1250 = tpu.vector_load %arg15[%get3A_1248, %get3A_1249] {strides = array<i32>} : memref<256x128xf32, #tpu.memory_space<vmem>>, vector<16xf32>,
          %mul3A_1251 = vector.broadcast %squeeze3A_1231 : f32 to vector<16xf32>
          %mul3A_1252 = arith.mulf %get3A_1250, %mul3A_1251 : vector<16xf32>
          %swap3A_1253 = arith.index_cast %add3A_1229 : i32 to index
          %swap3A_1254 = arith.constant 32 : index
          %swap3A_1255 = tpu.vector_load %arg15[%swap3A_1253, %swap3A_1254] {strides = array<i32>} : memref<256x128xf32, #tpu.memory_space<vmem>>, vector<16xf32>,
          tpu.vector_store %arg15[%swap3A_1253, %swap3A_1254], %mul3A_1252 {strides = array<i32>} : memref<256x128xf32, #tpu.memory_space<vmem>>, vector<16xf32>,
          %get3A_1256 = arith.index_cast %add3A_1229 : i32 to index
          %get3A_1257 = arith.constant 48 : index
          %get3A_1258 = tpu.vector_load %arg15[%get3A_1256, %get3A_1257] {strides = array<i32>} : memref<256x128xf32, #tpu.memory_space<vmem>>, vector<16xf32>,
          %mul3A_1259 = vector.broadcast %squeeze3A_1231 : f32 to vector<16xf32>
          %mul3A_1260 = arith.mulf %get3A_1258, %mul3A_1259 : vector<16xf32>
          %swap3A_1261 = arith.index_cast %add3A_1229 : i32 to index
          %swap3A_1262 = arith.constant 48 : index
          %swap3A_1263 = tpu.vector_load %arg15[%swap3A_1261, %swap3A_1262] {strides = array<i32>} : memref<256x128xf32, #tpu.memory_space<vmem>>, vector<16xf32>,
          tpu.vector_store %arg15[%swap3A_1261, %swap3A_1262], %mul3A_1260 {strides = array<i32>} : memref<256x128xf32, #tpu.memory_space<vmem>>, vector<16xf32>,
          %get3A_1264 = arith.index_cast %add3A_1229 : i32 to index
          %get3A_1265 = arith.constant 64 : index
          %get3A_1266 = tpu.vector_load %arg15[%get3A_1264, %get3A_1265] {strides = array<i32>} : memref<256x128xf32, #tpu.memory_space<vmem>>, vector<16xf32>,
          %mul3A_1267 = vector.broadcast %squeeze3A_1231 : f32 to vector<16xf32>
          %mul3A_1268 = arith.mulf %get3A_1266, %mul3A_1267 : vector<16xf32>
          %swap3A_1269 = arith.index_cast %add3A_1229 : i32 to index
          %swap3A_1270 = arith.constant 64 : index
          %swap3A_1271 = tpu.vector_load %arg15[%swap3A_1269, %swap3A_1270] {strides = array<i32>} : memref<256x128xf32, #tpu.memory_space<vmem>>, vector<16xf32>,
          tpu.vector_store %arg15[%swap3A_1269, %swap3A_1270], %mul3A_1268 {strides = array<i32>} : memref<256x128xf32, #tpu.memory_space<vmem>>, vector<16xf32>,
          %get3A_1272 = arith.index_cast %add3A_1229 : i32 to index
          %get3A_1273 = arith.constant 80 : index
          %get3A_1274 = tpu.vector_load %arg15[%get3A_1272, %get3A_1273] {strides = array<i32>} : memref<256x128xf32, #tpu.memory_space<vmem>>, vector<16xf32>,
          %mul3A_1275 = vector.broadcast %squeeze3A_1231 : f32 to vector<16xf32>
          %mul3A_1276 = arith.mulf %get3A_1274, %mul3A_1275 : vector<16xf32>
          %swap3A_1277 = arith.index_cast %add3A_1229 : i32 to index
          %swap3A_1278 = arith.constant 80 : index
          %swap3A_1279 = tpu.vector_load %arg15[%swap3A_1277, %swap3A_1278] {strides = array<i32>} : memref<256x128xf32, #tpu.memory_space<vmem>>, vector<16xf32>,
          tpu.vector_store %arg15[%swap3A_1277, %swap3A_1278], %mul3A_1276 {strides = array<i32>} : memref<256x128xf32, #tpu.memory_space<vmem>>, vector<16xf32>,
          %get3A_1280 = arith.index_cast %add3A_1229 : i32 to index
          %get3A_1281 = arith.constant 96 : index
          %get3A_1282 = tpu.vector_load %arg15[%get3A_1280, %get3A_1281] {strides = array<i32>} : memref<256x128xf32, #tpu.memory_space<vmem>>, vector<16xf32>,
          %mul3A_1283 = vector.broadcast %squeeze3A_1231 : f32 to vector<16xf32>
          %mul3A_1284 = arith.mulf %get3A_1282, %mul3A_1283 : vector<16xf32>
          %swap3A_1285 = arith.index_cast %add3A_1229 : i32 to index
          %swap3A_1286 = arith.constant 96 : index
          %swap3A_1287 = tpu.vector_load %arg15[%swap3A_1285, %swap3A_1286] {strides = array<i32>} : memref<256x128xf32, #tpu.memory_space<vmem>>, vector<16xf32>,
          tpu.vector_store %arg15[%swap3A_1285, %swap3A_1286], %mul3A_1284 {strides = array<i32>} : memref<256x128xf32, #tpu.memory_space<vmem>>, vector<16xf32>,
          %get3A_1288 = arith.index_cast %add3A_1229 : i32 to index
          %get3A_1289 = arith.constant 112 : index
          %get3A_1290 = tpu.vector_load %arg15[%get3A_1288, %get3A_1289] {strides = array<i32>} : memref<256x128xf32, #tpu.memory_space<vmem>>, vector<16xf32>,
          %mul3A_1291 = vector.broadcast %squeeze3A_1231 : f32 to vector<16xf32>
          %mul3A_1292 = arith.mulf %get3A_1290, %mul3A_1291 : vector<16xf32>
          %swap3A_1293 = arith.index_cast %add3A_1229 : i32 to index
          %swap3A_1294 = arith.constant 112 : index
          %swap3A_1295 = tpu.vector_load %arg15[%swap3A_1293, %swap3A_1294] {strides = array<i32>} : memref<256x128xf32, #tpu.memory_space<vmem>>, vector<16xf32>,
          tpu.vector_store %arg15[%swap3A_1293, %swap3A_1294], %mul3A_1292 {strides = array<i32>} : memref<256x128xf32, #tpu.memory_space<vmem>>, vector<16xf32>,
        }
        %scan3A_155 = arith.constant 8 : i32
        "tpu.trace_stop"() : () -> ()
        "tpu.trace_start"() <{level = 10 : i32, message = "e_scat"}> : () -> ()
        "tpu.region"() ({
          %run_scoped3A = tpu.sem_alloc : memref<!tpu.dma_semaphore, #tpu.memory_space<semaphore_mem>>
          %dma_start3A_156 = arith.constant 0 : i32
          %dma_start3A_157 = tpu.memref_slice %arg15[%mul3A_113, %dma_start3A_156] : memref<256x128xf32, #tpu.memory_space<vmem>> -> memref<128x128xf32, #tpu.memory_space<vmem>>
          %dma_start3A_158 = arith.constant 0 : i32
          %dma_start3A_159 = tpu.memref_slice %arg12[%scan3A_101, %dma_start3A_158] : memref<8x128xi32, #tpu.memory_space<vmem>> -> memref<1x128xi32, #tpu.memory_space<vmem>>
          %dma_start3A_160 = tpu.memref_squeeze %dma_start3A_159 : memref<1x128xi32, #tpu.memory_space<vmem>> -> memref<128xi32, #tpu.memory_space<vmem>>
          %dma_start3A_161 = arith.constant 0 : i32
          %dma_start3A_162 = arith.constant 0 : i32
          %dma_start3A_163 = tpu.memref_slice %arg8[%dma_start3A_161, %dma_start3A_162] : memref<10240x128xf32, #tpu.memory_space<vmem_shared>> -> memref<10240x128xf32, #tpu.memory_space<vmem_shared>>
          tpu.enqueue_indirect_dma source(%dma_start3A_157 : memref<128x128xf32, #tpu.memory_space<vmem>>) target(%dma_start3A_163 : memref<10240x128xf32, #tpu.memory_space<vmem_shared>>) offsets(%dma_start3A_160 : memref<128xi32, #tpu.memory_space<vmem>>) semaphore(%run_scoped3A : memref<!tpu.dma_semaphore, #tpu.memory_space<semaphore_mem>>) {add = true}
          %dma_wait3A_164 = arith.constant 0 : i32
          %dma_wait3A_165 = tpu.memref_slice %arg15[%mul3A_113, %dma_wait3A_164] : memref<256x128xf32, #tpu.memory_space<vmem>> -> memref<128x128xf32, #tpu.memory_space<vmem>>
          %dma_wait3A_166 = arith.constant 0 : i32
          %dma_wait3A_167 = tpu.memref_slice %arg12[%scan3A_101, %dma_wait3A_166] : memref<8x128xi32, #tpu.memory_space<vmem>> -> memref<1x128xi32, #tpu.memory_space<vmem>>
          %dma_wait3A_168 = tpu.memref_squeeze %dma_wait3A_167 : memref<1x128xi32, #tpu.memory_space<vmem>> -> memref<128xi32, #tpu.memory_space<vmem>>
          %dma_wait3A_169 = arith.constant 0 : i32
          %dma_wait3A_170 = arith.constant 0 : i32
          %dma_wait3A_171 = tpu.memref_slice %arg8[%dma_wait3A_169, %dma_wait3A_170] : memref<10240x128xf32, #tpu.memory_space<vmem_shared>> -> memref<10240x128xf32, #tpu.memory_space<vmem_shared>>
          tpu.wait_indirect_dma semaphore(%run_scoped3A : memref<!tpu.dma_semaphore, #tpu.memory_space<semaphore_mem>>) src(%dma_wait3A_165 : memref<128x128xf32, #tpu.memory_space<vmem>>) dst(%dma_wait3A_171 : memref<10240x128xf32, #tpu.memory_space<vmem_shared>>)
          tpu.yield
        }) : () -> ()
        "tpu.trace_stop"() : () -> ()
      }
      %scan3A_100 = arith.constant 8 : i32
    }
    %scan3A_42 = arith.constant 10 : i32
    %barrier3A_43 = arith.constant 0 : index
    tpu.barrier barrier_id(%barrier3A_43)
    %mul3A_44 = arith.constant 640 : i32
    %mul3A_45 = arith.muli %arg1, %mul3A_44 : i32
    %mul3A_46 = arith.constant 640 : i32
    %mul3A_47 = arith.muli %arg1, %mul3A_46 : i32
    "tpu.region"() ({
      %run_scoped3A = tpu.sem_alloc : memref<!tpu.dma_semaphore, #tpu.memory_space<semaphore_mem>>
      %dma_start3A = arith.constant 0 : i32
      %dma_start3A_48 = arith.constant 0 : i32
      %dma_start3A_49 = tpu.memref_slice %arg6[%arg0, %dma_start3A, %dma_start3A_48] : memref<2x10240x128xf32, #tpu.memory_space<hbm>> -> memref<1x10240x128xf32, #tpu.memory_space<hbm>>
      %dma_start3A_50 = tpu.memref_squeeze %dma_start3A_49 : memref<1x10240x128xf32, #tpu.memory_space<hbm>> -> memref<10240x128xf32, #tpu.memory_space<hbm>>
      %dma_start3A_51 = arith.constant 0 : i32
      %dma_start3A_52 = tpu.memref_slice %dma_start3A_50[%mul3A_47, %dma_start3A_51] : memref<10240x128xf32, #tpu.memory_space<hbm>> -> memref<640x128xf32, #tpu.memory_space<hbm>>
      %dma_start3A_53 = arith.constant 0 : i32
      %dma_start3A_54 = tpu.memref_slice %arg8[%mul3A_45, %dma_start3A_53] : memref<10240x128xf32, #tpu.memory_space<vmem_shared>> -> memref<640x128xf32, #tpu.memory_space<vmem_shared>>
      tpu.enqueue_dma source(%dma_start3A_54 : memref<640x128xf32, #tpu.memory_space<vmem_shared>>) target(%dma_start3A_52 : memref<640x128xf32, #tpu.memory_space<hbm>>) target_semaphore(%run_scoped3A : memref<!tpu.dma_semaphore, #tpu.memory_space<semaphore_mem>>)
      %dma_wait3A = arith.constant 0 : i32
      %dma_wait3A_55 = arith.constant 0 : i32
      %dma_wait3A_56 = tpu.memref_slice %arg6[%arg0, %dma_wait3A, %dma_wait3A_55] : memref<2x10240x128xf32, #tpu.memory_space<hbm>> -> memref<1x10240x128xf32, #tpu.memory_space<hbm>>
      %dma_wait3A_57 = tpu.memref_squeeze %dma_wait3A_56 : memref<1x10240x128xf32, #tpu.memory_space<hbm>> -> memref<10240x128xf32, #tpu.memory_space<hbm>>
      %dma_wait3A_58 = arith.constant 0 : i32
      %dma_wait3A_59 = tpu.memref_slice %dma_wait3A_57[%mul3A_47, %dma_wait3A_58] : memref<10240x128xf32, #tpu.memory_space<hbm>> -> memref<640x128xf32, #tpu.memory_space<hbm>>
      %dma_wait3A_60 = arith.constant 0 : i32
      %dma_wait3A_61 = tpu.memref_slice %arg8[%mul3A_45, %dma_wait3A_60] : memref<10240x128xf32, #tpu.memory_space<vmem_shared>> -> memref<640x128xf32, #tpu.memory_space<vmem_shared>>
      tpu.wait_dma2 semaphore(%run_scoped3A : memref<!tpu.dma_semaphore, #tpu.memory_space<semaphore_mem>>) src(%dma_wait3A_61 : memref<640x128xf32, #tpu.memory_space<vmem_shared>>) dst(%dma_wait3A_59 : memref<640x128xf32, #tpu.memory_space<hbm>>)
      tpu.yield
    }) : () -> ()
    return
  }
}

module attributes {stable_mosaic.version = 14 : i64} {
  func.func @_evolve_body(%arg0: memref<128x128xf32, #tpu.memory_space<vmem>>, %arg1: memref<128x384xf32, #tpu.memory_space<vmem>>, %arg2: memref<128x384xf32, #tpu.memory_space<vmem>>, %arg3: memref<1x384xf32, #tpu.memory_space<vmem>>, %arg4: memref<1x384xf32, #tpu.memory_space<vmem>>, %arg5: memref<128x128xf32, #tpu.memory_space<vmem>>) attributes {dimension_semantics = [], scalar_prefetch = 0 : i64, scratch_operands = 0 : i64, tpu.core_type = #tpu.core_type<tc>} {
    %get3A = arith.constant 0 : index
    %get3A_0 = arith.constant 0 : index
    %get3A_1 = vector.load %arg0[%get3A, %get3A_0] : memref<128x128xf32, #tpu.memory_space<vmem>>, vector<128x128xf32>
    %get3A_2 = arith.constant 0 : index
    %get3A_3 = arith.constant 0 : index
    %get3A_4 = vector.load %arg1[%get3A_2, %get3A_3] : memref<128x384xf32, #tpu.memory_space<vmem>>, vector<128x384xf32>
    %dot_general3A = arith.constant dense<0.000000e+00> : vector<128x384xf32>
    %dot_general3A_5 = tpu.matmul %get3A_1, %get3A_4, %dot_general3A {dimension_numbers = #tpu.dot_dimension_numbers<[1], [0], [0], [1], [0, 0, 1, 1], [], []>, transpose_lhs_hint = false} : vector<128x128xf32>, vector<128x384xf32>, vector<128x384xf32> -> vector<128x384xf32>
    %get3A_6 = arith.constant 0 : index
    %get3A_7 = arith.constant 0 : index
    %get3A_8 = vector.load %arg3[%get3A_6, %get3A_7] : memref<1x384xf32, #tpu.memory_space<vmem>>, vector<1x384xf32>
    %add3A = vector.broadcast %get3A_8 : vector<1x384xf32> to vector<128x384xf32>
    %add3A_9 = arith.addf %dot_general3A_5, %add3A : vector<128x384xf32>
    %get3A_10 = arith.constant 0 : index
    %get3A_11 = arith.constant 0 : index
    %get3A_12 = vector.load %arg2[%get3A_10, %get3A_11] : memref<128x384xf32, #tpu.memory_space<vmem>>, vector<128x384xf32>
    %dot_general3A_13 = arith.constant dense<0.000000e+00> : vector<128x384xf32>
    %dot_general3A_14 = tpu.matmul %get3A_1, %get3A_12, %dot_general3A_13 {dimension_numbers = #tpu.dot_dimension_numbers<[1], [0], [0], [1], [0, 0, 1, 1], [], []>, transpose_lhs_hint = false} : vector<128x128xf32>, vector<128x384xf32>, vector<128x384xf32> -> vector<128x384xf32>
    %get3A_15 = arith.constant 0 : index
    %get3A_16 = arith.constant 0 : index
    %get3A_17 = vector.load %arg4[%get3A_15, %get3A_16] : memref<1x384xf32, #tpu.memory_space<vmem>>, vector<1x384xf32>
    %add3A_18 = vector.broadcast %get3A_17 : vector<1x384xf32> to vector<128x384xf32>
    %add3A_19 = arith.addf %dot_general3A_14, %add3A_18 : vector<128x384xf32>
    %slice3A = vector.extract_strided_slice %add3A_9 {offsets = [0, 0], sizes = [128, 128], strides = [1, 1]} : vector<128x384xf32> to vector<128x128xf32>
    %slice3A_20 = vector.extract_strided_slice %add3A_19 {offsets = [0, 0], sizes = [128, 128], strides = [1, 1]} : vector<128x384xf32> to vector<128x128xf32>
    %add3A_21 = arith.addf %slice3A, %slice3A_20 : vector<128x128xf32>
    %logistic3A = arith.negf %add3A_21 : vector<128x128xf32>
    %logistic3A_22 = math.exp %logistic3A : vector<128x128xf32>
    %logistic3A_23 = arith.constant 1.000000e+00 : f32
    %logistic3A_24 = vector.broadcast %logistic3A_23 : f32 to vector<128x128xf32>
    %logistic3A_25 = arith.addf %logistic3A_24, %logistic3A_22 : vector<128x128xf32>
    %logistic3A_26 = arith.divf %logistic3A_24, %logistic3A_25 : vector<128x128xf32>
    %slice3A_27 = vector.extract_strided_slice %add3A_9 {offsets = [0, 128], sizes = [128, 128], strides = [1, 1]} : vector<128x384xf32> to vector<128x128xf32>
    %slice3A_28 = vector.extract_strided_slice %add3A_19 {offsets = [0, 128], sizes = [128, 128], strides = [1, 1]} : vector<128x384xf32> to vector<128x128xf32>
    %add3A_29 = arith.addf %slice3A_27, %slice3A_28 : vector<128x128xf32>
    %logistic3A_30 = arith.negf %add3A_29 : vector<128x128xf32>
    %logistic3A_31 = math.exp %logistic3A_30 : vector<128x128xf32>
    %logistic3A_32 = arith.constant 1.000000e+00 : f32
    %logistic3A_33 = vector.broadcast %logistic3A_32 : f32 to vector<128x128xf32>
    %logistic3A_34 = arith.addf %logistic3A_33, %logistic3A_31 : vector<128x128xf32>
    %logistic3A_35 = arith.divf %logistic3A_33, %logistic3A_34 : vector<128x128xf32>
    %slice3A_36 = vector.extract_strided_slice %add3A_9 {offsets = [0, 256], sizes = [128, 128], strides = [1, 1]} : vector<128x384xf32> to vector<128x128xf32>
    %slice3A_37 = vector.extract_strided_slice %add3A_19 {offsets = [0, 256], sizes = [128, 128], strides = [1, 1]} : vector<128x384xf32> to vector<128x128xf32>
    %mul3A = arith.mulf %logistic3A_26, %slice3A_37 : vector<128x128xf32>
    %add3A_38 = arith.addf %slice3A_36, %mul3A : vector<128x128xf32>
    %tanh3A = math.tanh %add3A_38 : vector<128x128xf32>
    %sub3A = arith.constant 1.000000e+00 : f32
    %sub3A_39 = vector.broadcast %sub3A : f32 to vector<128x128xf32>
    %sub3A_40 = arith.subf %sub3A_39, %logistic3A_35 : vector<128x128xf32>
    %mul3A_41 = arith.mulf %sub3A_40, %tanh3A : vector<128x128xf32>
    %mul3A_42 = arith.mulf %logistic3A_35, %get3A_1 : vector<128x128xf32>
    %add3A_43 = arith.addf %mul3A_41, %mul3A_42 : vector<128x128xf32>
    %swap3A = arith.constant 0 : index
    %swap3A_44 = arith.constant 0 : index
    %swap3A_45 = vector.load %arg5[%swap3A, %swap3A_44] : memref<128x128xf32, #tpu.memory_space<vmem>>, vector<128x128xf32>
    tpu.vector_store %arg5[%swap3A, %swap3A_44], %add3A_43 {strides = array<i32>} : memref<128x128xf32, #tpu.memory_space<vmem>>, vector<128x128xf32>,
    return
  }
}

module attributes {stable_mosaic.version = 14 : i64} {
  func.func @_xw_body(%arg0: i32, %arg1: memref<5000x128xf32, #tpu.memory_space<vmem>>, %arg2: memref<128x128xf32, #tpu.memory_space<vmem>>, %arg3: memref<5000x128xf32, #tpu.memory_space<vmem>>) attributes {dimension_semantics = [#tpu.dimension_semantics<arbitrary>], iteration_bounds = array<i64: 2>, scalar_prefetch = 0 : i64, scratch_operands = 0 : i64, tpu.core_type = #tpu.core_type<tc>, window_params = [{transform_indices = @transform_0, window_bounds = array<i64: 5000, 128>}, {pipeline_mode = #tpu.pipeline_mode<synchronous>, transform_indices = @transform_1, window_bounds = array<i64: 128, 128>}, {transform_indices = @transform_2, window_bounds = array<i64: 5000, 128>}]} {
    %get3A = arith.constant 0 : index
    %get3A_0 = arith.constant 0 : index
    %get3A_1 = vector.load %arg1[%get3A, %get3A_0] : memref<5000x128xf32, #tpu.memory_space<vmem>>, vector<5000x128xf32>
    %get3A_2 = arith.constant 0 : index
    %get3A_3 = arith.constant 0 : index
    %get3A_4 = vector.load %arg2[%get3A_2, %get3A_3] : memref<128x128xf32, #tpu.memory_space<vmem>>, vector<128x128xf32>
    %dot_general3A = arith.constant dense<0.000000e+00> : vector<5000x128xf32>
    %dot_general3A_5 = tpu.matmul %get3A_1, %get3A_4, %dot_general3A {dimension_numbers = #tpu.dot_dimension_numbers<[1], [0], [0], [1], [0, 0, 1, 1], [], []>, transpose_lhs_hint = false} : vector<5000x128xf32>, vector<128x128xf32>, vector<5000x128xf32> -> vector<5000x128xf32>
    %swap3A = arith.constant 0 : index
    %swap3A_6 = arith.constant 0 : index
    %swap3A_7 = vector.load %arg3[%swap3A, %swap3A_6] : memref<5000x128xf32, #tpu.memory_space<vmem>>, vector<5000x128xf32>
    tpu.vector_store %arg3[%swap3A, %swap3A_6], %dot_general3A_5 {strides = array<i32>} : memref<5000x128xf32, #tpu.memory_space<vmem>>, vector<5000x128xf32>,
    return
  }
  func.func @transform_0(%arg0: i32) -> (i32, i32) {
    %c0_i32 = arith.constant 0 : i32
    %c0_i32_0 = arith.constant 0 : i32
    return %arg0, %c0_i32 : i32, i32
  }
  func.func @transform_1(%arg0: i32) -> (i32, i32) {
    %c0_i32 = arith.constant 0 : i32
    %c0_i32_0 = arith.constant 0 : i32
    %c0_i32_1 = arith.constant 0 : i32
    return %c0_i32, %c0_i32_0 : i32, i32
  }
  func.func @transform_2(%arg0: i32) -> (i32, i32) {
    %c0_i32 = arith.constant 0 : i32
    %c0_i32_0 = arith.constant 0 : i32
    return %arg0, %c0_i32 : i32, i32
  }
}

module attributes {stable_mosaic.version = 14 : i64} {
  func.func @_post_body(%arg0: i32, %arg1: memref<5000x128xf32, #tpu.memory_space<vmem>>, %arg2: memref<5000x128xf32, #tpu.memory_space<vmem>>, %arg3: memref<5000x128xf32, #tpu.memory_space<vmem>>, %arg4: memref<5000x1xf32, #tpu.memory_space<vmem>>, %arg5: memref<128x64xf32, #tpu.memory_space<vmem>>, %arg6: memref<1x64xf32, #tpu.memory_space<vmem>>, %arg7: memref<5000x64xf32, #tpu.memory_space<vmem>>) attributes {dimension_semantics = [#tpu.dimension_semantics<arbitrary>], iteration_bounds = array<i64: 2>, scalar_prefetch = 0 : i64, scratch_operands = 0 : i64, tpu.core_type = #tpu.core_type<tc>, window_params = [{transform_indices = @transform_0, window_bounds = array<i64: 5000, 128>}, {transform_indices = @transform_1, window_bounds = array<i64: 5000, 128>}, {transform_indices = @transform_2, window_bounds = array<i64: 5000, 128>}, {transform_indices = @transform_3, window_bounds = array<i64: 5000, 1>}, {pipeline_mode = #tpu.pipeline_mode<synchronous>, transform_indices = @transform_4, window_bounds = array<i64: 128, 64>}, {pipeline_mode = #tpu.pipeline_mode<synchronous>, transform_indices = @transform_5, window_bounds = array<i64: 1, 64>}, {transform_indices = @transform_6, window_bounds = array<i64: 5000, 64>}]} {
    %get3A = arith.constant 0 : index
    %get3A_0 = arith.constant 0 : index
    %get3A_1 = vector.load %arg4[%get3A, %get3A_0] : memref<5000x1xf32, #tpu.memory_space<vmem>>, vector<5000x1xf32>
    %mul3A = arith.mulf %get3A_1, %get3A_1 : vector<5000x1xf32>
    %get3A_2 = arith.constant 0 : index
    %get3A_3 = arith.constant 0 : index
    %get3A_4 = vector.load %arg1[%get3A_2, %get3A_3] : memref<5000x128xf32, #tpu.memory_space<vmem>>, vector<5000x128xf32>
    %get3A_5 = arith.constant 0 : index
    %get3A_6 = arith.constant 0 : index
    %get3A_7 = vector.load %arg2[%get3A_5, %get3A_6] : memref<5000x128xf32, #tpu.memory_space<vmem>>, vector<5000x128xf32>
    %add3A = arith.addf %get3A_4, %get3A_7 : vector<5000x128xf32>
    %get3A_8 = arith.constant 0 : index
    %get3A_9 = arith.constant 0 : index
    %get3A_10 = vector.load %arg3[%get3A_8, %get3A_9] : memref<5000x128xf32, #tpu.memory_space<vmem>>, vector<5000x128xf32>
    %mul3A_11 = vector.broadcast %mul3A : vector<5000x1xf32> to vector<5000x128xf32>
    %mul3A_12 = arith.mulf %mul3A_11, %get3A_10 : vector<5000x128xf32>
    %add3A_13 = arith.addf %add3A, %mul3A_12 : vector<5000x128xf32>
    %max3A = arith.constant 0.000000e+00 : f32
    %max3A_14 = vector.broadcast %max3A : f32 to vector<5000x128xf32>
    %max3A_15 = arith.maximumf %add3A_13, %max3A_14 : vector<5000x128xf32>
    %get3A_16 = arith.constant 0 : index
    %get3A_17 = arith.constant 0 : index
    %get3A_18 = vector.load %arg5[%get3A_16, %get3A_17] : memref<128x64xf32, #tpu.memory_space<vmem>>, vector<128x64xf32>
    %dot_general3A = arith.constant dense<0.000000e+00> : vector<5000x64xf32>
    %dot_general3A_19 = tpu.matmul %max3A_15, %get3A_18, %dot_general3A {dimension_numbers = #tpu.dot_dimension_numbers<[1], [0], [0], [1], [0, 0, 1, 1], [], []>, transpose_lhs_hint = false} : vector<5000x128xf32>, vector<128x64xf32>, vector<5000x64xf32> -> vector<5000x64xf32>
    %get3A_20 = arith.constant 0 : index
    %get3A_21 = arith.constant 0 : index
    %get3A_22 = vector.load %arg6[%get3A_20, %get3A_21] : memref<1x64xf32, #tpu.memory_space<vmem>>, vector<1x64xf32>
    %add3A_23 = vector.broadcast %get3A_22 : vector<1x64xf32> to vector<5000x64xf32>
    %add3A_24 = arith.addf %dot_general3A_19, %add3A_23 : vector<5000x64xf32>
    %swap3A = arith.constant 0 : index
    %swap3A_25 = arith.constant 0 : index
    %swap3A_26 = vector.load %arg7[%swap3A, %swap3A_25] : memref<5000x64xf32, #tpu.memory_space<vmem>>, vector<5000x64xf32>
    tpu.vector_store %arg7[%swap3A, %swap3A_25], %add3A_24 {strides = array<i32>} : memref<5000x64xf32, #tpu.memory_space<vmem>>, vector<5000x64xf32>,
    return
  }
  func.func @transform_0(%arg0: i32) -> (i32, i32) {
    %c0_i32 = arith.constant 0 : i32
    %c0_i32_0 = arith.constant 0 : i32
    return %arg0, %c0_i32 : i32, i32
  }
  func.func @transform_1(%arg0: i32) -> (i32, i32) {
    %c0_i32 = arith.constant 0 : i32
    %c0_i32_0 = arith.constant 0 : i32
    return %arg0, %c0_i32 : i32, i32
  }
  func.func @transform_2(%arg0: i32) -> (i32, i32) {
    %c0_i32 = arith.constant 0 : i32
    %c0_i32_0 = arith.constant 0 : i32
    return %arg0, %c0_i32 : i32, i32
  }
  func.func @transform_3(%arg0: i32) -> (i32, i32) {
    %c0_i32 = arith.constant 0 : i32
    %c0_i32_0 = arith.constant 0 : i32
    return %arg0, %c0_i32 : i32, i32
  }
  func.func @transform_4(%arg0: i32) -> (i32, i32) {
    %c0_i32 = arith.constant 0 : i32
    %c0_i32_0 = arith.constant 0 : i32
    %c0_i32_1 = arith.constant 0 : i32
    return %c0_i32, %c0_i32_0 : i32, i32
  }
  func.func @transform_5(%arg0: i32) -> (i32, i32) {
    %c0_i32 = arith.constant 0 : i32
    %c0_i32_0 = arith.constant 0 : i32
    %c0_i32_1 = arith.constant 0 : i32
    return %c0_i32, %c0_i32_0 : i32, i32
  }
  func.func @transform_6(%arg0: i32) -> (i32, i32) {
    %c0_i32 = arith.constant 0 : i32
    %c0_i32_0 = arith.constant 0 : i32
    return %arg0, %c0_i32 : i32, i32
  }
}

</mosaic_0001>

<sc_bundles>
// kernel: _run.6.cloned.1.call-start
scs
__scs_entry_jumppad:
0x0: {  	(pc) =	sbr.rel $0x88, $3  }
0x1: {  	(tag) =	ssettag $0x0;
	lr =	simm.s32 $0x1  }
0x2: {  	[smem:$0x3F97] =	sst lr;
	_ =	strace $0xD0000000  }
0x3: {  	_ = 	snop  }
0x4: {  	_ = 	snop  }
0x5: {  	_ = 	snop  }
0x6: {  	_ = 	snop  }
0x7: {  	_ = 	snop  }
__scs_overlays_trampoline_lowered:
0x8: {  	[smem:$0x3FA6] =	sst s0  }
0x9: {  	[smem:$0x3FA7] =	sst s1  }
0xa: {  	[smem:$0x3FA8] =	sst s2  }
0xb: {  	[smem:$0x3FA9] =	sst s3  }
0xc: {  	[smem:$0x3FAA] =	sst s4  }
0xd: {  	[smem:$0x3FAB] =	sst s5  }
0xe: {  	[smem:$0x3FAC] =	sst s6  }
0xf: {  	[smem:$0x3FAD] =	sst s7  }
0x10: {  	[smem:$0x3FAE] =	sst s8  }
0x11: {  	[smem:$0x3FAF] =	sst s9;
	s0 =	simm.s32 @!p0 $0x0  }
0x12: {  	s1 =	sld [smem:$0x3F95];
	s0 =	simm.s32 @p0 $0x1  }
0x13: {  	[smem:$0x3FB0] =	sst s0;
	s0 =	simm.s32 @!p1 $0x0  }
0x14: {  	s2 =	sld [smem:$0x3F94];
	s0 =	simm.s32 @p1 $0x1  }
0x15: {  	[smem:$0x3FB1] =	sst s0;
	s0 =	simm.s32 @!p2 $0x0  }
0x16: {  	s3 =	sld [smem:$0x3FDB];
	s0 =	simm.s32 @p2 $0x1  }
0x17: {  	s4 =	simm.s32 $0x1BF5;
	[smem:$0x3FB3] =	sst s0  }
0x18: {  	s0 =	sld [smem:$0x3F96];
	_ =	swait.ge [sflag:s4], $0x0  }
0x19: {  	s7 =	sld [smem:$0x3F97]  }
0x1a: {  	s8 =	sadd.s32 $0xFFFFE003, lr  }
0x1b: {  	s9 =	sadd.s32 $0xFFFFFEF7, lr;
	s5 =	simm.s32 $0xFFFFFFFF;
	p2 =	slt.u32 s8, $0xFFFFF086  }
0x1c: {  	p1 =	slt.u32 s9, $0xF7A;
	s5 =	simm.s32 @!p2 $0x0  }
0x1d: {  	s5 =	simm.s32 @p1 $0x1;
	p0 =	seq.s32 s7, s2  }
0x1e: {  	s7 =	smul.u32 @!p0 $0xF7A, s2;
	p2 =	seq.s32 @!p0 s5, $0x0  }
0x1f: {  	s9 =	smul.u32 $0xF7A, s1;
	s8 =	simm.s32 @!p0 $0x1BF5;
	p2 =	por !p2, p0  }
0x20: {  	[sflag:s8] =	ssyncset.s32 @!p0 $0xFFFFF086;
	s6 =	sadd.s32 @!p0 s3, s7;
	s7 =	simm.s32 @!p0 $0x108  }
0x21: {  	s3 =	sadd.s32 s3, s9;
	s6 =	sadd.s32 @!p0 $0x88, s6;
	s7 =	simm.s32 @p2 $0x1082  }
0x22: {  	[simem:s7], [sflag:s8] =	dma.local @!p0 [hbm:s6], $0xF7A  }
0x23: {  	s9 =	sor.u32 $0xD0000000, s2;
	s6 =	simm.s32 $0x108;
	_ =	swait.ge @!p0 [sflag:s8], $0x0  }
0x24: {  	s3 =	sadd.s32 $0x88, s3;
	s6 =	simm.s32 @!p1 $0x1082;
	[sflag:s4] =	ssyncset.s32 $0xFFFFF086  }
0x25: {  	[simem:s6], [sflag:s4] =	dma.local [hbm:s3], $0xF7A  }
0x26: {  	[smem:$0x3F97] =	sst s1;
	(tag) =	ssettag s2;
	_ =	strace s9  }
0x27: {  	s1 =	sld [smem:$0x3FA7]  }
0x28: {  	s2 =	sld [smem:$0x3FA8]  }
0x29: {  	s4 =	sld [smem:$0x3FAA]  }
0x2a: {  	p0 =	seq.s32 s5, $0x0;
	s5 =	sld [smem:$0x3FAB]  }
0x2b: {  	s6 =	sld [smem:$0x3FAC]  }
0x2c: {  	s7 =	sld [smem:$0x3FAD]  }
0x2d: {  	s3 =	simm.s32 $0x108;
	s8 =	sld [smem:$0x3FAE]  }
0x2e: {  	s3 =	simm.s32 @!p0 $0x1082;
	s9 =	sld [smem:$0x3FAF]  }
0x2f: {  	lr =	sadd.s32 s0, s3;
	s0 =	sld [smem:$0x3FA6]  }
0x30: {  	s3 =	sld [smem:$0x3FA9]  }
0x31: {  	[smem:$0x3FB2] =	sst s10  }
0x32: {  	s10 =	sld [smem:$0x3FB0];
	_ =	sdelay $0x3  }
0x33: {  	p0 =	seq.s32 s10, $0x1;
	s10 =	sld [smem:$0x3FB2];
	_ =	sdelay $0x3  }
0x34: {  	[smem:$0x3FB2] =	sst s10  }
0x35: {  	s10 =	sld [smem:$0x3FB1];
	_ =	sdelay $0x3  }
0x36: {  	p1 =	seq.s32 s10, $0x1;
	s10 =	sld [smem:$0x3FB2];
	_ =	sdelay $0x3  }
0x37: {  	[smem:$0x3FB2] =	sst s10  }
0x38: {  	s10 =	sld [smem:$0x3FB3]  }
0x39: {  	_ = 	snop;
	(pc) =	sbr.ind lr, $3  }
0x3a: {  	_ = 	snop  }
0x3b: {  	_ = 	snop  }
0x3c: {  	p2 =	seq.s32 s10, $0x1;
	s10 =	sld [smem:$0x3FB2]  }
0x3d: {  	_ =	shalt  }
0x3e: {  	_ =	shalt  }
0x3f: {  	_ =	shalt  }
0x40: {  	_ =	shalt  }
0x41: {  	_ =	shalt  }
0x42: {  	_ =	shalt  }
0x43: {  	_ =	shalt  }
0x44: {  	_ =	shalt  }
0x45: {  	_ =	shalt  }
0x46: {  	_ =	shalt  }
0x47: {  	_ =	shalt  }
0x48: {  	_ =	shalt  }
0x49: {  	_ =	shalt  }
0x4a: {  	_ =	shalt  }
0x4b: {  	_ =	shalt  }
0x4c: {  	_ =	shalt  }
0x4d: {  	_ =	shalt  }
0x4e: {  	_ =	shalt  }
0x4f: {  	_ =	shalt  }
0x50: {  	_ =	shalt  }
0x51: {  	_ =	shalt  }
0x52: {  	_ =	shalt  }
0x53: {  	_ =	shalt  }
0x54: {  	_ =	shalt  }
0x55: {  	_ =	shalt  }
0x56: {  	_ =	shalt  }
0x57: {  	_ =	shalt  }
0x58: {  	_ =	shalt  }
0x59: {  	_ =	shalt  }
0x5a: {  	_ =	shalt  }
0x5b: {  	_ =	shalt  }
0x5c: {  	_ =	shalt  }
0x5d: {  	_ =	shalt  }
0x5e: {  	_ =	shalt  }
0x5f: {  	_ =	shalt  }
0x60: {  	_ =	shalt  }
0x61: {  	_ =	shalt  }
0x62: {  	_ =	shalt  }
0x63: {  	_ =	shalt  }
0x64: {  	_ =	shalt  }
0x65: {  	_ =	shalt  }
0x66: {  	_ =	shalt  }
0x67: {  	_ =	shalt  }
0x68: {  	_ =	shalt  }
0x69: {  	_ =	shalt  }
0x6a: {  	_ =	shalt  }
0x6b: {  	_ =	shalt  }
0x6c: {  	_ =	shalt  }
0x6d: {  	_ =	shalt  }
0x6e: {  	_ =	shalt  }
0x6f: {  	_ =	shalt  }
0x70: {  	_ =	shalt  }
0x71: {  	_ =	shalt  }
0x72: {  	_ =	shalt  }
0x73: {  	_ =	shalt  }
0x74: {  	_ =	shalt  }
0x75: {  	_ =	shalt  }
0x76: {  	_ =	shalt  }
0x77: {  	_ =	shalt  }
0x78: {  	_ =	shalt  }
0x79: {  	_ =	shalt  }
0x7a: {  	_ =	shalt  }
0x7b: {  	_ =	shalt  }
0x7c: {  	_ =	shalt  }
0x7d: {  	_ =	shalt  }
0x7e: {  	_ =	shalt  }
0x7f: {  	_ =	shalt  }
0x80: {  	_ =	shalt  }
0x81: {  	_ =	shalt  }
0x82: {  	_ =	shalt  }
0x83: {  	_ =	shalt  }
0x84: {  	_ =	shalt  }
0x85: {  	_ =	shalt  }
0x86: {  	_ =	shalt  }
0x87: {  	_ =	shalt  }
.Lfunc_end0:
.L_simem_size_0:
called_computation_lowered:
.L_overlay_start_0:
0x88: {  	s2 =	sld [smem:$0x3FD9]  }
0x89: {  	s3 =	sld [smem:$0x3FFE];
	_ =	sdelay $0x1  }
0x8a: {  	s1 =	srdreg.scid  }
0x8b: {  	s0 =	sand.u32 $0x1, s1  }
0x8c: {  	s17 =	sshll.u32 s0, $0xA;
	s2 =	sadd.s32 s3, s2  }
0x8d: {  	s2 =	sadd.s32 s2, s17  }
0x8e: {  	[smem:$0x3FBE] =	sst s2  }
0x8f: {  	_ = 	snop  }
0x90: {  	s2 =	sld [smem:$0x3FD0];
	(tm) =	ssettm $0x1  }
0x91: {  	s18 =	sld [smem:$0x3FFB];
	_ =	sdelay $0x3  }
0x92: {  	_ =	strace s18  }
0x93: {  	s3 =	sld [smem:$0x3FFC];
	_ =	sdelay $0x3  }
0x94: {  	_ =	strace s3  }
0x95: {  	s3 =	sld [smem:$0x3FFD];
	_ =	sdelay $0x3  }
0x96: {  	_ =	strace s3  }
0x97: {  	_ =	strace $0x8FFFFFFF  }
0x98: {  	s19 =	sld [smem:$0x3FDB];
	_ =	sdelay $0x1  }
0x99: {  	s4 =	simm.s32 $_scs_section_size  }
0x9a: {  	s5 =	simm.s32 $_size__tile_overlayer_lowered;
	s6 =	simm.s32 $_tile_overlayer_lowered  }
0x9b: {  	s22 =	simm.s32 $0x1BFF;
	s21 =	sshll.u32 s6, $0x1;
	s3 =	sadd.s32 s4, s19  }
0x9c: {  	s7 =	simm.s32 $0x0;
	s20 =	sshll.u32 s5, $0x1;
	s5 =	sadd.s32 s21, s3  }
0x9d: {  	[timem:s7], [sflag:s22] =	dma.local [hbm:s5], s20  }
0x9e: {  	_ =	swait.ge [sflag:s22], s20  }
0x9f: {  	s4 =	ssub.s32 $0x0, s20;
	[sflag:s22] =	ssyncset.done $0x0  }
0xa0: {  	[sflag:s22] =	ssyncadd.s32 s4;
	_ =	sdelay $0x1  }
0xa1: {  	s23 =	simm.s32 $0x1B8B  }
0xa2: {  	_ =	swait.ge [sflag:s23], $0x1  }
0xa3: {  	[sflag:s23] =	ssyncset.done $0x0  }
0xa4: {  	s25 =	simm.s32 $0x1B8E;
	s24 =	sld [smem:$0x3FFE];
	[sflag:s23] =	ssyncadd.s32 $0xFFFFFFFF  }
0xa5: {  	s26 =	simm.s32 $execute0_lowered;
	[smem:$0x3FD2] =	sst s25  }
0xa6: {  	s5 =	sshll.u32 s26, $0x1;
	_ =	strace $0x80000046;
	[dreg:$0x1] =	wrdreg $0xFFFFFFFF  }
0xa7: {  	s28 =	simm.s32 $_size_execute0_lowered;
	s3 =	sadd.s32 s3, s5;
	[dreg:$0x0] =	wrdreg $0x0  }
0xa8: {  	s5 =	sshll.u32 s28, $0x1;
	[dreg:$0x2] =	wrdreg s3  }
0xa9: {  	[dreg:$0x3] =	wrdreg s5  }
0xaa: {  	[dreg:$0x4] =	wrdreg $0xC0  }
0xab: {  	_ =	task [dreg:s7], $0x5FFFF  }
0xac: {  	[dreg:$0x1] =	wrdreg $0xFFFFFFFF  }
0xad: {  	[dreg:$0x0] =	wrdreg $0x60  }
0xae: {  	[dreg:$0x2] =	wrdreg s24  }
0xaf: {  	[dreg:$0x3] =	wrdreg s2  }
0xb0: {  	[dreg:$0x4] =	wrdreg $0x0  }
0xb1: {  	[dreg:$0x5] =	wrdreg $0x140000  }
0xb2: {  	[dreg:$0x6] =	wrdreg $0x9  }
0xb3: {  	_ =	task.clear_ibuf [dreg:s7], $0x7FFFF;
	_ =	strace $0x90000046  }
0xb4: {  	s29 =	simm.s32 $0x9;
	_ =	strace $0x80000052  }
0xb5: {  	_ =	swait.ge [sflag:s29], $0x1  }
0xb6: {  	[sflag:s29] =	ssyncadd.s32 $0xFFFFFFFF  }
0xb7: {  	_ =	strace $0x90000052  }
0xb8: {  	_ =	sfence  }
0xb9: {  	s30 =	sld [smem:$0x0];
	_ =	sdelay $0x2  }
0xba: {  	s31 =	sshll.u32 s1, $0xD;
	s1 =	sshrl.u32 s1, $0x2  }
0xbb: {  	s3 =	sand.u32 $0x4000, s31;
	s1 =	sadd.s32 s1, s30  }
0xbc: {  	s0 =	sor.u32 s3, s0;
	s1 =	sshll.u32 s1, $0x11  }
0xbd: {  	s0 =	sor.u32 s1, s0  }
0xbe: {  	s0 =	sadd.s32 $0x8F2B, s0  }
0xbf: {  	[sflag:s0] =	ssyncadd.remote.s32 $0x1  }
0xc0: {  	_ =	sfence.sel $0xFFFF  }
0xc1: {  	[dreg:$0x0] =	wrdreg $0xFFFFFFFF;
	(pc) =	sbr.abs _section_cstart, $3  }
0xc2: {  	[dreg:$0x1] =	wrdreg $0xFFFFFFFF  }
0xc3: {  	_ =	task.clear_ibuf [dreg:s7], $0x2FFFF;
	_ =	strace $0x9FFFFFFF  }
0xc4: {  	(tm) =	ssettm $0x7FFFFFFF  }
0xc5: {  	_ =	shalt  }
tec
execute0_lowered:
.L_overlay_start_1:
0x0: {  	(tag) =	ssettag $0x1  }
0x1: {  	s0 =	rddreg [dreg:$0x0]  }
0x2: {  	s2 =	rddreg [dreg:$0x1]  }
0x3: {  	s11 =	rddreg [dreg:$0x2]  }
0x4: {  	s3 =	rddreg [dreg:$0x3];
	s4 =	simm.s32 $0x0;
	s12 =	stileid.u32  }
0x5: {  	s1 =	srdreg.scid;
	s28 =	simm.s32 $0x16F00;
	s6 =	smul.u32 $0x280, s12  }
0x6: {  	s30 =	simm.s32 $0x16F80;
	s31 =	simm.s32 $0x17380;
	s15 =	smul.u32 $0x50000, s12  }
0x7: {  	s14 =	simm.s32 $0x17180;
	[smem:$0x7FF] =	sst s4;
	s19 =	smul.u32 $0xA, s12  }
0x8: {  	s1 =	sand.u32 $0x1, s1;
	s7 =	sadd.s32 $0x32A00, s0;
	s23 =	smul.u32 $0xA00, s12  }
0x9: {  	s13 =	sadd.s32 $0x1800, s0;
	s8 =	sadd.s32 $0xB800, s0;
	s24 =	smul.u32 $0x2800, s12  }
0xa: {  	s29 =	smov.u32 s11;
	s12 =	simm.s32 $0x17100;
	s5 =	smul.u32 $0x28000, s1  }
0xb: {  	_ =	strace $0x80000047;
	[dreg:$0x5] =	wrdreg s7;
	s16 =	ssub.s32 $0x2, s1  }
0xc: {  	s17 =	smul.u32 $0xA0, s1;
	[dreg:$0x6] =	wrdreg s13;
	p0 =	sne.s32 s1, $0x0  }
0xd: {  	s9 =	sshrl.u32 s6, $0x3;
	s7 =	sshrl.u32 s15, $0x2;
	s10 =	sshrl.u32 s16, $0x1  }
0xe: {  	s20 =	sadd.s32 s6, s3;
	s21 =	sadd.s32 $0x14280, s6;
	s5 =	sadd.s32 s5, s0  }
0xf: {  	s0 =	sadd.s32 s9, s0;
	s15 =	sadd.s32 s7, s11;
	[dreg:$0xa] =	wrdreg s20  }
0x10: {  	s9 =	ssub.s32 s16, s10;
	[dreg:$0xc] =	wrdreg s21;
	s22 =	sadd.s32 s19, s17  }
0x11: {  	s17 =	sadd.s32 s23, s13;
	s20 =	simm.s32 $0x2;
	s21 =	simm.s32 $0x14280  }
0x12: {  	s10 =	simm.s32 $0x17080;
	s13 =	simm.s32 $0x17500;
	[dreg:$0xd] =	wrdreg s22  }
0x13: {  	s16 =	simm.s32 $0x17580;
	s18 =	sadd.s32 $0x8000, s15;
	[dreg:$0x7] =	wrdreg s15  }
0x14: {  	s11 =	sadd.s32 $0x10000, s15;
	s0 =	sadd.s32 $0x8CA00, s0;
	[dreg:$0x8] =	wrdreg s18  }
0x15: {  	s5 =	sadd.s32 $0x3CA00, s5;
	s25 =	smax.u32 s9, $0x1;
	[dreg:$0x9] =	wrdreg s11  }
0x16: {  	s22 =	simm.s32 $0x16E80;
	s9 =	simm.s32 $0x17600;
	[dreg:$0xb] =	wrdreg s0  }
0x17: {  	[dreg:$0xe] =	wrdreg s25;
	s18 =	sadd.s32 s23, s2;
	s23 =	simm.s32 $0x17280  }
0x18: {  	s26 =	sadd.s32 s24, s5;
	s25 =	simm.s32 $0x1;
	s0 =	simm.s32 $0x17000  }
0x19: {  	s5 =	simm.s32 $0x17400;
	s11 =	simm.s32 $0x17480;
	s24 =	simm.s32 $0x17200  }
0x1a: {  	v0 =	vimm.f32 $0.0e+00;
	s2 =	simm.s32 $0x0;
	[dreg:$0xf] =	wrdreg s26;
	s26 =	simm.s32 $0x80  }
.LBB2_1:
0x1b: {  	_ =	strace $0x80000048;
	s1 =	simm.s32 $0x0;
	s6 =	simm.s32 $0x200  }
.LBB2_2:
0x1c: {  	p1 =	sne.s32 s6, $0x1FE00;
	[tilespmem:s1+$0x17AF0] =	vst v0  }
0x1d: {  	[tilespmem:s1+$0x17A80] =	vst v0  }
0x1e: {  	[tilespmem:s1+$0x17A90] =	vst v0  }
.Ltmp0:
0x1f: {  	[tilespmem:s1+$0x17AA0] =	vst v0;
	(pc) =	sbr.rel @p1 .LBB2_2-.Ltmp0, $4  }
0x20: {  	[tilespmem:s1+$0x17AB0] =	vst v0  }
0x21: {  	[tilespmem:s1+$0x17AC0] =	vst v0  }
0x22: {  	[tilespmem:s1+$0x17AD0] =	vst v0  }
0x23: {  	[tilespmem:s1+$0x17AE0] =	vst v0;
	s1 =	sshra.s32 s6, $0x2;
	s6 =	sadd.s32 $0x200, s6  }
0x24: {  	[tilespmem:s1+$0x17AF0] =	vst v0  }
0x25: {  	[tilespmem:s1+$0x17A80] =	vst v0  }
0x26: {  	[tilespmem:s1+$0x17A90] =	vst v0  }
0x27: {  	[tilespmem:s1+$0x17AA0] =	vst v0  }
0x28: {  	[tilespmem:s1+$0x17AB0] =	vst v0  }
0x29: {  	[tilespmem:s1+$0x17AC0] =	vst v0  }
0x2a: {  	[tilespmem:s1+$0x17AD0] =	vst v0  }
0x2b: {  	[dreg:$0x10] =	wrdreg s2;
	[tilespmem:s1+$0x17AE0] =	vst v0;
	s1 =	simm.s32 $0x40;
	s6 =	simm.s32 $0x0  }
.LBB2_4:
0x2c: {  	p1 =	sne.s32 s1, $0x9FC0;
	[tilespmem:s6+$0x14280] =	vst v0;
	s6 =	smov.u32 s1;
	s1 =	sadd.s32 $0x40, s1  }
.Ltmp1:
0x2d: {  	(pc) =	sbr.rel @p1 .LBB2_4-.Ltmp1, $2  }
0x2e: {  	_ =	sdelay $0x2  }
0x2f: {  	s6 =	sshra.s32 s6, $0x2  }
0x30: {  	[tilespmem:s6+$0x14280] =	vst v0;
	s2 =	simm.s32 $0x17A80  }
0x31: {  	[spmem:s15] =	stream.linear.scatter [tilespmem:s2], [sflag:$0x2], $0x8000, $0x200038;
	[tilespmem:$0x1FA80] =	vst v63  }
0x32: {  	_ =	swait.ge [sflag:s20], $0x8000  }
0x33: {  	[sflag:s20] =	ssyncset.done $0x0  }
0x34: {  	s1 =	rddreg [dreg:$0x8];
	[sflag:s20] =	ssyncadd.s32 $0xFFFF8000  }
0x35: {  	[spmem:s1] =	stream.linear.scatter [tilespmem:s2], [sflag:$0x2], $0x8000, $0x200038;
	[tilespmem:$0x1FA80] =	vst v63  }
0x36: {  	_ =	swait.ge [sflag:s20], $0x8000  }
0x37: {  	[sflag:s20] =	ssyncset.done $0x0  }
0x38: {  	s6 =	rddreg [dreg:$0x9];
	[sflag:s20] =	ssyncadd.s32 $0xFFFF8000  }
0x39: {  	[spmem:s6] =	stream.linear.scatter [tilespmem:s2], [sflag:$0x2], $0x4000, $0x200038;
	[tilespmem:$0x1FA80] =	vst v63  }
0x3a: {  	_ =	swait.ge [sflag:s20], $0x4000  }
0x3b: {  	[sflag:s20] =	ssyncset.done $0x0  }
0x3c: {  	s7 =	rddreg [dreg:$0xa];
	[sflag:s20] =	ssyncadd.s32 $0xFFFFC000  }
0x3d: {  	[spmem:s7] =	stream.linear.scatter [tilespmem:s21], [sflag:$0x2], $0x280, $0x200038;
	[tilespmem:$0x1FA80] =	vst v63  }
0x3e: {  	_ =	swait.ge [sflag:s20], $0x280  }
0x3f: {  	[sflag:s20] =	ssyncset.done $0x0  }
0x40: {  	[sflag:s20] =	ssyncadd.s32 $0xFFFFFD80  }
0x41: {  	[bflag:$0x0] =	sbarrier.arrive $0xFFFF  }
0x42: {  	_ =	strace $0x90000048  }
0x43: {  	s15 =	sadd.s32 $0x0, s18;
	_ =	strace $0x80000049  }
0x44: {  	[tilespmem:s22], [sflag:$0x1] =	stream.linear.gather [hbm4b:s15+s4], $0x400, $0x200038;
	[tilespmem:$0x1FA80] =	vst v63  }
0x45: {  	s19 =	sadd.s32 $0x0, s17  }
0x46: {  	[tilespmem:s23], [sflag:$0x1] =	stream.linear.gather [hbm4b:s19+s4], $0x400, $0x200038;
	[tilespmem:$0x1FA80] =	vst v63  }
0x47: {  	_ =	swait.ge [sflag:s25], $0x400  }
0x48: {  	[sflag:s25] =	ssyncset.done $0x0  }
0x49: {  	[sflag:s25] =	ssyncadd.s32 $0xFFFFFC00  }
0x4a: {  	_ =	swait.ge [sflag:s25], $0x400  }
0x4b: {  	[sflag:s25] =	ssyncset.done $0x0  }
0x4c: {  	[sflag:s25] =	ssyncadd.s32 $0xFFFFFC00  }
0x4d: {  	[spmem:s3] =	stream.indirect.scatter.add.f32 [tilespmem:s23], [sflag:$0x2], $0x1, s22, s26, $0x2000b8;
	[tilespmem:$0x1FA80] =	vst v63  }
0x4e: {  	_ =	swait.ge [sflag:s20], $0x80  }
0x4f: {  	[sflag:s20] =	ssyncset.done $0x0  }
0x50: {  	s2 =	simm.s32 $0x17300;
	[sflag:s20] =	ssyncadd.s32 $0xFFFFFF80  }
0x51: {  	[spmem:s3] =	stream.indirect.scatter.add.f32 [tilespmem:s2], [sflag:$0x2], $0x1, s28, s26, $0x2000b8;
	[tilespmem:$0x1FA80] =	vst v63  }
0x52: {  	_ =	swait.ge [sflag:s20], $0x80  }
0x53: {  	[sflag:s20] =	ssyncset.done $0x0  }
0x54: {  	[sflag:s20] =	ssyncadd.s32 $0xFFFFFF80  }
0x55: {  	[spmem:s3] =	stream.indirect.scatter.add.f32 [tilespmem:s31], [sflag:$0x2], $0x1, s30, s26, $0x2000b8;
	[tilespmem:$0x1FA80] =	vst v63  }
0x56: {  	_ =	swait.ge [sflag:s20], $0x80  }
0x57: {  	[sflag:s20] =	ssyncset.done $0x0  }
0x58: {  	[sflag:s20] =	ssyncadd.s32 $0xFFFFFF80  }
0x59: {  	[spmem:s3] =	stream.indirect.scatter.add.f32 [tilespmem:s5], [sflag:$0x2], $0x1, s0, s26, $0x2000b8;
	[tilespmem:$0x1FA80] =	vst v63  }
0x5a: {  	_ =	swait.ge [sflag:s20], $0x80  }
0x5b: {  	[sflag:s20] =	ssyncset.done $0x0  }
0x5c: {  	[sflag:s20] =	ssyncadd.s32 $0xFFFFFF80  }
0x5d: {  	[spmem:s3] =	stream.indirect.scatter.add.f32 [tilespmem:s11], [sflag:$0x2], $0x1, s10, s26, $0x2000b8;
	[tilespmem:$0x1FA80] =	vst v63  }
0x5e: {  	_ =	swait.ge [sflag:s20], $0x80  }
0x5f: {  	[sflag:s20] =	ssyncset.done $0x0  }
0x60: {  	[sflag:s20] =	ssyncadd.s32 $0xFFFFFF80  }
0x61: {  	[spmem:s3] =	stream.indirect.scatter.add.f32 [tilespmem:s13], [sflag:$0x2], $0x1, s12, s26, $0x2000b8;
	[tilespmem:$0x1FA80] =	vst v63  }
0x62: {  	_ =	swait.ge [sflag:s20], $0x80  }
0x63: {  	[sflag:s20] =	ssyncset.done $0x0  }
0x64: {  	[sflag:s20] =	ssyncadd.s32 $0xFFFFFF80  }
0x65: {  	[spmem:s3] =	stream.indirect.scatter.add.f32 [tilespmem:s16], [sflag:$0x2], $0x1, s14, s26, $0x2000b8;
	[tilespmem:$0x1FA80] =	vst v63  }
0x66: {  	_ =	swait.ge [sflag:s20], $0x80  }
0x67: {  	[sflag:s20] =	ssyncset.done $0x0  }
0x68: {  	[sflag:s20] =	ssyncadd.s32 $0xFFFFFF80  }
0x69: {  	[spmem:s3] =	stream.indirect.scatter.add.f32 [tilespmem:s9], [sflag:$0x2], $0x1, s24, s26, $0x2000b8;
	[tilespmem:$0x1FA80] =	vst v63  }
0x6a: {  	_ =	swait.ge [sflag:s20], $0x80  }
0x6b: {  	s1 =	simm.s32 $0x80;
	s7 =	simm.s32 $0x100;
	[sflag:s20] =	ssyncset.done $0x0  }
.LBB2_6:
0x6c: {  	s15 =	sadd.s32 s1, s18  }
0x6d: {  	[sflag:s20] =	ssyncadd.s32 $0xFFFFFF80;
	s19 =	smov.u32 s7;
	s6 =	sadd.s32 $0x80, s7  }
0x6e: {  	[tilespmem:s22], [sflag:$0x1] =	stream.linear.gather [hbm4b:s15+s4], $0x400, $0x200038;
	[tilespmem:$0x1FA80] =	vst v63  }
0x6f: {  	p1 =	sne.s32 s7, $0x980;
	s7 =	sadd.s32 s1, s17;
	s1 =	smov.u32 s19  }
0x70: {  	[tilespmem:s23], [sflag:$0x1] =	stream.linear.gather [hbm4b:s7+s4], $0x400, $0x200038;
	[tilespmem:$0x1FA80] =	vst v63  }
0x71: {  	_ =	swait.ge [sflag:s25], $0x400  }
0x72: {  	[sflag:s25] =	ssyncset.done $0x0  }
0x73: {  	[sflag:s25] =	ssyncadd.s32 $0xFFFFFC00  }
0x74: {  	_ =	swait.ge [sflag:s25], $0x400  }
0x75: {  	[sflag:s25] =	ssyncset.done $0x0  }
0x76: {  	[sflag:s25] =	ssyncadd.s32 $0xFFFFFC00  }
0x77: {  	[spmem:s3] =	stream.indirect.scatter.add.f32 [tilespmem:s23], [sflag:$0x2], $0x1, s22, s26, $0x2000b8;
	[tilespmem:$0x1FA80] =	vst v63  }
0x78: {  	_ =	swait.ge [sflag:s20], $0x80  }
0x79: {  	[sflag:s20] =	ssyncset.done $0x0  }
0x7a: {  	[sflag:s20] =	ssyncadd.s32 $0xFFFFFF80  }
0x7b: {  	[spmem:s3] =	stream.indirect.scatter.add.f32 [tilespmem:s2], [sflag:$0x2], $0x1, s28, s26, $0x2000b8;
	[tilespmem:$0x1FA80] =	vst v63  }
0x7c: {  	_ =	swait.ge [sflag:s20], $0x80  }
0x7d: {  	[sflag:s20] =	ssyncset.done $0x0  }
0x7e: {  	[sflag:s20] =	ssyncadd.s32 $0xFFFFFF80  }
0x7f: {  	[spmem:s3] =	stream.indirect.scatter.add.f32 [tilespmem:s31], [sflag:$0x2], $0x1, s30, s26, $0x2000b8;
	[tilespmem:$0x1FA80] =	vst v63  }
0x80: {  	_ =	swait.ge [sflag:s20], $0x80  }
0x81: {  	[sflag:s20] =	ssyncset.done $0x0  }
0x82: {  	[sflag:s20] =	ssyncadd.s32 $0xFFFFFF80  }
0x83: {  	[spmem:s3] =	stream.indirect.scatter.add.f32 [tilespmem:s5], [sflag:$0x2], $0x1, s0, s26, $0x2000b8;
	[tilespmem:$0x1FA80] =	vst v63  }
0x84: {  	_ =	swait.ge [sflag:s20], $0x80  }
0x85: {  	[sflag:s20] =	ssyncset.done $0x0  }
0x86: {  	[sflag:s20] =	ssyncadd.s32 $0xFFFFFF80  }
0x87: {  	[spmem:s3] =	stream.indirect.scatter.add.f32 [tilespmem:s11], [sflag:$0x2], $0x1, s10, s26, $0x2000b8;
	[tilespmem:$0x1FA80] =	vst v63  }
0x88: {  	_ =	swait.ge [sflag:s20], $0x80  }
0x89: {  	[sflag:s20] =	ssyncset.done $0x0  }
0x8a: {  	[sflag:s20] =	ssyncadd.s32 $0xFFFFFF80  }
0x8b: {  	[spmem:s3] =	stream.indirect.scatter.add.f32 [tilespmem:s13], [sflag:$0x2], $0x1, s12, s26, $0x2000b8;
	[tilespmem:$0x1FA80] =	vst v63  }
0x8c: {  	_ =	swait.ge [sflag:s20], $0x80  }
0x8d: {  	[sflag:s20] =	ssyncset.done $0x0  }
0x8e: {  	[sflag:s20] =	ssyncadd.s32 $0xFFFFFF80  }
0x8f: {  	[spmem:s3] =	stream.indirect.scatter.add.f32 [tilespmem:s16], [sflag:$0x2], $0x1, s14, s26, $0x2000b8;
	[tilespmem:$0x1FA80] =	vst v63  }
0x90: {  	_ =	swait.ge [sflag:s20], $0x80  }
.Ltmp2:
0x91: {  	[sflag:s20] =	ssyncset.done $0x0;
	(pc) =	sbr.rel @p1 .LBB2_6-.Ltmp2, $4  }
0x92: {  	[sflag:s20] =	ssyncadd.s32 $0xFFFFFF80  }
0x93: {  	[spmem:s3] =	stream.indirect.scatter.add.f32 [tilespmem:s9], [sflag:$0x2], $0x1, s24, s26, $0x2000b8;
	[tilespmem:$0x1FA80] =	vst v63  }
0x94: {  	_ =	swait.ge [sflag:s20], $0x80  }
0x95: {  	s7 =	smov.u32 s6;
	[sflag:s20] =	ssyncset.done $0x0  }
0x96: {  	s6 =	sadd.s32 s1, s18;
	[sflag:s20] =	ssyncadd.s32 $0xFFFFFF80  }
0x97: {  	[tilespmem:s22], [sflag:$0x1] =	stream.linear.gather [hbm4b:s6+s4], $0x400, $0x200038;
	[tilespmem:$0x1FA80] =	vst v63  }
0x98: {  	s19 =	sadd.s32 s1, s17  }
0x99: {  	[tilespmem:s23], [sflag:$0x1] =	stream.linear.gather [hbm4b:s19+s4], $0x400, $0x200038;
	[tilespmem:$0x1FA80] =	vst v63  }
0x9a: {  	_ =	swait.ge [sflag:s25], $0x400  }
0x9b: {  	[sflag:s25] =	ssyncset.done $0x0  }
0x9c: {  	[sflag:s25] =	ssyncadd.s32 $0xFFFFFC00  }
0x9d: {  	_ =	swait.ge [sflag:s25], $0x400  }
0x9e: {  	[sflag:s25] =	ssyncset.done $0x0  }
0x9f: {  	[sflag:s25] =	ssyncadd.s32 $0xFFFFFC00  }
0xa0: {  	[spmem:s3] =	stream.indirect.scatter.add.f32 [tilespmem:s23], [sflag:$0x2], $0x1, s22, s26, $0x2000b8;
	[tilespmem:$0x1FA80] =	vst v63  }
0xa1: {  	_ =	swait.ge [sflag:s20], $0x80  }
0xa2: {  	[sflag:s20] =	ssyncset.done $0x0  }
0xa3: {  	[sflag:s20] =	ssyncadd.s32 $0xFFFFFF80  }
0xa4: {  	[spmem:s3] =	stream.indirect.scatter.add.f32 [tilespmem:s2], [sflag:$0x2], $0x1, s28, s26, $0x2000b8;
	[tilespmem:$0x1FA80] =	vst v63  }
0xa5: {  	_ =	swait.ge [sflag:s20], $0x80  }
0xa6: {  	[sflag:s20] =	ssyncset.done $0x0  }
0xa7: {  	[sflag:s20] =	ssyncadd.s32 $0xFFFFFF80  }
0xa8: {  	[spmem:s3] =	stream.indirect.scatter.add.f32 [tilespmem:s31], [sflag:$0x2], $0x1, s30, s26, $0x2000b8;
	[tilespmem:$0x1FA80] =	vst v63  }
0xa9: {  	_ =	swait.ge [sflag:s20], $0x80  }
0xaa: {  	[sflag:s20] =	ssyncset.done $0x0  }
0xab: {  	[sflag:s20] =	ssyncadd.s32 $0xFFFFFF80  }
0xac: {  	[spmem:s3] =	stream.indirect.scatter.add.f32 [tilespmem:s5], [sflag:$0x2], $0x1, s0, s26, $0x2000b8;
	[tilespmem:$0x1FA80] =	vst v63  }
0xad: {  	_ =	swait.ge [sflag:s20], $0x80  }
0xae: {  	[sflag:s20] =	ssyncset.done $0x0  }
0xaf: {  	[sflag:s20] =	ssyncadd.s32 $0xFFFFFF80  }
0xb0: {  	[spmem:s3] =	stream.indirect.scatter.add.f32 [tilespmem:s11], [sflag:$0x2], $0x1, s10, s26, $0x2000b8;
	[tilespmem:$0x1FA80] =	vst v63  }
0xb1: {  	_ =	swait.ge [sflag:s20], $0x80  }
0xb2: {  	[sflag:s20] =	ssyncset.done $0x0  }
0xb3: {  	[sflag:s20] =	ssyncadd.s32 $0xFFFFFF80  }
0xb4: {  	[spmem:s3] =	stream.indirect.scatter.add.f32 [tilespmem:s13], [sflag:$0x2], $0x1, s12, s26, $0x2000b8;
	[tilespmem:$0x1FA80] =	vst v63  }
0xb5: {  	_ =	swait.ge [sflag:s20], $0x80  }
0xb6: {  	[sflag:s20] =	ssyncset.done $0x0  }
0xb7: {  	[sflag:s20] =	ssyncadd.s32 $0xFFFFFF80  }
0xb8: {  	[spmem:s3] =	stream.indirect.scatter.add.f32 [tilespmem:s16], [sflag:$0x2], $0x1, s14, s26, $0x2000b8;
	[tilespmem:$0x1FA80] =	vst v63  }
0xb9: {  	_ =	swait.ge [sflag:s20], $0x80  }
0xba: {  	[sflag:s20] =	ssyncset.done $0x0  }
0xbb: {  	[sflag:s20] =	ssyncadd.s32 $0xFFFFFF80  }
0xbc: {  	[spmem:s3] =	stream.indirect.scatter.add.f32 [tilespmem:s9], [sflag:$0x2], $0x1, s24, s26, $0x2000b8;
	[tilespmem:$0x1FA80] =	vst v63  }
0xbd: {  	_ =	swait.ge [sflag:s20], $0x80  }
0xbe: {  	[sflag:s20] =	ssyncset.done $0x0  }
0xbf: {  	[sflag:s20] =	ssyncadd.s32 $0xFFFFFF80  }
0xc0: {  	[bflag:$0x0] =	sbarrier.arrive $0xFFFF  }
0xc1: {  	_ =	strace $0x90000049  }
0xc2: {  	s1 =	simm.s32 $0x0;
	_ =	strace $0x8000004A  }
.LBB2_8:
0xc3: {  	s6 =	sshll.u32 s1, $0xA  }
0xc4: {  	s15 =	simm.s32 $0x17680;
	s7 =	sadd.s32 s6, s3  }
0xc5: {  	[tilespmem:s15], [sflag:$0x2] =	stream.linear.gather [spmem:s7], $0x400, $0x200038;
	[tilespmem:$0x1FA80] =	vst v63  }
0xc6: {  	_ =	swait.ge [sflag:s20], $0x400  }
0xc7: {  	[sflag:s20] =	ssyncset.done $0x0  }
0xc8: {  	[sflag:s20] =	ssyncadd.s32 $0xFFFFFC00  }
0xc9: {  	s19 =	simm.s32 $0x10;
	s6 =	sadd.s32 $0x14280, s6;
	s7 =	simm.s32 $0x0;
	v1 =	vld [tilespmem:s15+$0x0]  }
.LBB2_9:
0xca: {  	p1 =	sne.s32 s19, $0x3F0;
	_ =	sdelay $0x3  }
0xcb: {  	v1 =	vadd.f32 $1.000000000e+00, v1;
	_ =	sdelay $0x1  }
0xcc: {  	v2 =	vshra.s32 v1, $0x1;
	v1 =	vmul.f32 $5.000000000e-01, v1  }
0xcd: {  	v2 =	vsub.s32 $0x5F3759DF, v2  }
0xce: {  	v3 =	vmul.f32 v2, v1;
	_ =	sdelay $0x1  }
0xcf: {  	v3 =	vmul.f32 v2, v3;
	_ =	sdelay $0x1  }
0xd0: {  	v3 =	vsub.f32 $1.500000000e+00, v3;
	_ =	sdelay $0x1  }
0xd1: {  	v2 =	vmul.f32 v2, v3;
	_ =	sdelay $0x1  }
0xd2: {  	v3 =	vmul.f32 v2, v1;
	_ =	sdelay $0x1  }
0xd3: {  	v3 =	vmul.f32 v3, v2;
	_ =	sdelay $0x1  }
0xd4: {  	v3 =	vsub.f32 $1.500000000e+00, v3;
	_ =	sdelay $0x1  }
0xd5: {  	v2 =	vmul.f32 v3, v2;
	_ =	sdelay $0x1  }
0xd6: {  	v1 =	vmul.f32 v2, v1;
	_ =	sdelay $0x1  }
0xd7: {  	v1 =	vmul.f32 v1, v2;
	_ =	sdelay $0x1  }
0xd8: {  	v1 =	vsub.f32 $1.500000000e+00, v1  }
.Ltmp3:
0xd9: {  	s2 =	sand.u32 $0x380, s7;
	(pc) =	sbr.rel @p1 .LBB2_9-.Ltmp3, $4  }
0xda: {  	s28 =	sand.u32 $0x70, s7;
	s7 =	smov.u32 s19;
	s2 =	sadd.s32 s2, s6;
	v1 =	vmul.f32 v1, v2  }
0xdb: {  	s2 =	sadd.s32 s28, s2  }
0xdc: {  	s15 =	sadd.s32 $0x10, s15;
	[tilespmem:s2+$0x0] =	vst v1  }
0xdd: {  	s19 =	sadd.s32 $0x10, s19;
	v1 =	vld [tilespmem:s15+$0x0]  }
0xde: {  	_ =	sdelay $0x3  }
0xdf: {  	v1 =	vadd.f32 $1.000000000e+00, v1;
	_ =	sdelay $0x1  }
0xe0: {  	v2 =	vshra.s32 v1, $0x1;
	v1 =	vmul.f32 $5.000000000e-01, v1  }
0xe1: {  	v2 =	vsub.s32 $0x5F3759DF, v2  }
0xe2: {  	v3 =	vmul.f32 v2, v1;
	_ =	sdelay $0x1  }
0xe3: {  	v3 =	vmul.f32 v2, v3;
	_ =	sdelay $0x1  }
0xe4: {  	v3 =	vsub.f32 $1.500000000e+00, v3;
	_ =	sdelay $0x1  }
0xe5: {  	v2 =	vmul.f32 v2, v3;
	_ =	sdelay $0x1  }
0xe6: {  	v3 =	vmul.f32 v2, v1;
	_ =	sdelay $0x1  }
0xe7: {  	v3 =	vmul.f32 v3, v2;
	_ =	sdelay $0x1  }
0xe8: {  	v3 =	vsub.f32 $1.500000000e+00, v3;
	_ =	sdelay $0x1  }
0xe9: {  	v2 =	vmul.f32 v3, v2;
	_ =	sdelay $0x1  }
0xea: {  	v1 =	vmul.f32 v2, v1;
	_ =	sdelay $0x1  }
0xeb: {  	s1 =	sadd.s32 $0x1, s1;
	v1 =	vmul.f32 v1, v2  }
0xec: {  	p1 =	sne.s32 s1, $0xA  }
.Ltmp4:
0xed: {  	v1 =	vsub.f32 $1.500000000e+00, v1;
	(pc) =	sbr.rel @p1 .LBB2_8-.Ltmp4, $4  }
0xee: {  	s2 =	sand.u32 $0x380, s7  }
0xef: {  	s28 =	sand.u32 $0x70, s7;
	s2 =	sadd.s32 s2, s6;
	v1 =	vmul.f32 v1, v2  }
0xf0: {  	s2 =	sadd.s32 s28, s2  }
0xf1: {  	[tilespmem:s2+$0x0] =	vst v1  }
0xf2: {  	s2 =	rddreg [dreg:$0xb]  }
0xf3: {  	s1 =	simm.s32 @!p0 $0x0;
	s6 =	rddreg [dreg:$0xc]  }
0xf4: {  	[hbm4b:s2+s1] =	stream.linear.scatter @!p0 [tilespmem:s6], [sflag:$0x2], $0x280, $0x200038;
	[tilespmem:$0x1FA80] =	vst v63  }
0xf5: {  	s1 =	simm.s32 @!p0 $0x2  }
0xf6: {  	_ =	swait.ge @!p0 [sflag:s1], $0x280  }
0xf7: {  	[sflag:s1] =	ssyncset.done @!p0 $0x0  }
0xf8: {  	[sflag:s1] =	ssyncadd.s32 @!p0 $0xFFFFFD80  }
0xf9: {  	s2 =	simm.s32 $0x0;
	_ =	strace $0x9000004A  }
.LBB2_12:
0xfa: {  	s1 =	rddreg [dreg:$0xd]  }
0xfb: {  	s28 =	smov.u32 s2;
	_ =	strace $0x8000004B;
	s1 =	sadd.s32 s2, s1  }
0xfc: {  	s6 =	simm.s32 $0x16A80;
	s15 =	rddreg [dreg:$0x5];
	s1 =	sshll.u32 s1, $0x7  }
0xfd: {  	s7 =	simm.s32 $0x0;
	s19 =	rddreg [dreg:$0x1];
	s2 =	sadd.s32 s15, s1  }
0xfe: {  	[tilespmem:s6], [sflag:$0x1] =	stream.linear.gather [hbm4b:s2+s7], $0x400, $0x200038;
	[tilespmem:$0x1FA80] =	vst v63  }
0xff: {  	s15 =	rddreg [dreg:$0x6];
	s2 =	sadd.s32 s19, s1  }
0x100: {  	[tilespmem:s22], [sflag:$0x1] =	stream.linear.gather [hbm4b:s2+s7], $0x400, $0x200038;
	[tilespmem:$0x1FA80] =	vst v63  }
0x101: {  	s1 =	sadd.s32 s15, s1  }
0x102: {  	[tilespmem:s23], [sflag:$0x1] =	stream.linear.gather [hbm4b:s1+s7], $0x400, $0x200038;
	[tilespmem:$0x1FA80] =	vst v63  }
0x103: {  	_ =	swait.ge [sflag:s25], $0x400  }
0x104: {  	[sflag:s25] =	ssyncset.done $0x0  }
0x105: {  	[sflag:s25] =	ssyncadd.s32 $0xFFFFFC00  }
0x106: {  	_ =	swait.ge [sflag:s25], $0x400  }
0x107: {  	[sflag:s25] =	ssyncset.done $0x0  }
0x108: {  	[sflag:s25] =	ssyncadd.s32 $0xFFFFFC00  }
0x109: {  	_ =	swait.ge [sflag:s25], $0x400  }
0x10a: {  	[sflag:s25] =	ssyncset.done $0x0  }
0x10b: {  	[sflag:s25] =	ssyncadd.s32 $0xFFFFFC00  }
0x10c: {  	_ =	strace $0x9000004B  }
0x10d: {  	s19 =	simm.s32 $0x17A80;
	_ =	strace $0x8000004C  }
0x10e: {  	[tilespmem:s19], [sflag:$0x1] =	stream.indirect.gather [hbm4b:s8+s26], $0x80, s6, s26, $0x2000b8;
	[tilespmem:$0x1FA80] =	vst v63  }
0x10f: {  	_ =	strace $0x9000004C  }
0x110: {  	s1 =	simm.s32 $0x0;
	_ =	strace $0x8000004D  }
0x111: {  	v1 =	vld [tilespmem:s1+$0x16A80];
	_ =	sdelay $0x1  }
0x112: {  	v2 =	vld [tilespmem:s1+$0x16E80];
	_ =	sdelay $0x4  }
0x113: {  	v3 =	vld [tilespmem:s1+$0x17280]  }
0x114: {  	v1 =	vld.idx.msk [tilespmem:v1+s21+$0x0], $0xffff  }
0x115: {  	v4 =	vld [tilespmem:s1+$0x16A90]  }
0x116: {  	v2 =	vld.idx.msk [tilespmem:v2+s21+$0x0], $0xffff  }
0x117: {  	v5 =	vld [tilespmem:s1+$0x16E90];
	_ =	sdelay $0x1  }
0x118: {  	v1 =	vmul.f32 v1, v3;
	_ =	sdelay $0x1  }
0x119: {  	v1 =	vmul.f32 v2, v1;
	_ =	sdelay $0x1  }
0x11a: {  	v2 =	vld [tilespmem:s1+$0x17290];
	[tilespmem:s1+$0x17680] =	vst v1  }
0x11b: {  	v1 =	vld.idx.msk [tilespmem:v4+s21+$0x0], $0xffff  }
0x11c: {  	v3 =	vld.idx.msk [tilespmem:v5+s21+$0x0], $0xffff  }
0x11d: {  	v4 =	vld [tilespmem:s1+$0x16AA0]  }
0x11e: {  	v5 =	vld [tilespmem:s1+$0x16EA0];
	_ =	sdelay $0x1  }
0x11f: {  	v1 =	vmul.f32 v1, v2;
	_ =	sdelay $0x1  }
0x120: {  	v1 =	vmul.f32 v3, v1;
	_ =	sdelay $0x1  }
0x121: {  	v2 =	vld [tilespmem:s1+$0x172A0];
	[tilespmem:s1+$0x17690] =	vst v1  }
0x122: {  	v1 =	vld.idx.msk [tilespmem:v4+s21+$0x0], $0xffff  }
0x123: {  	v3 =	vld.idx.msk [tilespmem:v5+s21+$0x0], $0xffff  }
0x124: {  	v4 =	vld [tilespmem:s1+$0x16AB0]  }
0x125: {  	v5 =	vld [tilespmem:s1+$0x16EB0];
	_ =	sdelay $0x1  }
0x126: {  	v1 =	vmul.f32 v1, v2;
	_ =	sdelay $0x1  }
0x127: {  	v1 =	vmul.f32 v3, v1;
	_ =	sdelay $0x1  }
0x128: {  	v2 =	vld [tilespmem:s1+$0x172B0];
	[tilespmem:s1+$0x176A0] =	vst v1  }
0x129: {  	v1 =	vld.idx.msk [tilespmem:v4+s21+$0x0], $0xffff  }
0x12a: {  	v3 =	vld.idx.msk [tilespmem:v5+s21+$0x0], $0xffff  }
0x12b: {  	v4 =	vld [tilespmem:s1+$0x16AC0]  }
0x12c: {  	v5 =	vld [tilespmem:s1+$0x16EC0];
	_ =	sdelay $0x1  }
0x12d: {  	v1 =	vmul.f32 v1, v2;
	_ =	sdelay $0x1  }
0x12e: {  	v1 =	vmul.f32 v3, v1;
	_ =	sdelay $0x1  }
0x12f: {  	v2 =	vld [tilespmem:s1+$0x172C0];
	[tilespmem:s1+$0x176B0] =	vst v1  }
0x130: {  	v1 =	vld.idx.msk [tilespmem:v4+s21+$0x0], $0xffff  }
0x131: {  	v3 =	vld.idx.msk [tilespmem:v5+s21+$0x0], $0xffff  }
0x132: {  	v4 =	vld [tilespmem:s1+$0x16AD0]  }
0x133: {  	v5 =	vld [tilespmem:s1+$0x16ED0];
	_ =	sdelay $0x1  }
0x134: {  	v1 =	vmul.f32 v1, v2;
	_ =	sdelay $0x1  }
0x135: {  	v1 =	vmul.f32 v3, v1;
	_ =	sdelay $0x1  }
0x136: {  	[tilespmem:s1+$0x176C0] =	vst v1;
	v1 =	vld [tilespmem:s1+$0x172D0]  }
0x137: {  	v2 =	vld.idx.msk [tilespmem:v4+s21+$0x0], $0xffff  }
0x138: {  	v3 =	vld.idx.msk [tilespmem:v5+s21+$0x0], $0xffff  }
0x139: {  	v4 =	vld [tilespmem:s1+$0x16AE0]  }
0x13a: {  	v5 =	vld [tilespmem:s1+$0x16EE0];
	_ =	sdelay $0x1  }
0x13b: {  	v1 =	vmul.f32 v2, v1;
	_ =	sdelay $0x1  }
0x13c: {  	v1 =	vmul.f32 v3, v1;
	_ =	sdelay $0x1  }
0x13d: {  	[tilespmem:s1+$0x176D0] =	vst v1;
	v1 =	vld [tilespmem:s1+$0x172E0]  }
0x13e: {  	v2 =	vld.idx.msk [tilespmem:v4+s21+$0x0], $0xffff  }
0x13f: {  	v3 =	vld.idx.msk [tilespmem:v5+s21+$0x0], $0xffff  }
0x140: {  	v4 =	vld [tilespmem:s1+$0x16AF0];
	_ =	sdelay $0x2  }
0x141: {  	v1 =	vmul.f32 v2, v1  }
0x142: {  	v5 =	vld [tilespmem:s1+$0x16EF0]  }
0x143: {  	v1 =	vmul.f32 v3, v1;
	_ =	sdelay $0x1  }
0x144: {  	[tilespmem:s1+$0x176E0] =	vst v1;
	v1 =	vld [tilespmem:s1+$0x172F0]  }
0x145: {  	v2 =	vld.idx.msk [tilespmem:v4+s21+$0x0], $0xffff;
	_ =	sdelay $0x3  }
0x146: {  	s15 =	simm.s32 $0x80;
	v3 =	vld.idx.msk [tilespmem:v5+s21+$0x0], $0xffff  }
0x147: {  	v4 =	vmul.f32 v2, v1;
	v2 =	vld [tilespmem:s15+$0x16A80];
	_ =	sdelay $0x1  }
0x148: {  	v1 =	vld [tilespmem:s15+$0x16E80];
	_ =	sdelay $0x2  }
0x149: {  	s6 =	simm.s32 $0x400;
	v3 =	vmul.f32 v3, v4  }
.LBB2_13:
0x14a: {  	_ = 	snop  }
0x14b: {  	p1 =	sne.s32 s6, $0xE00;
	s7 =	smov.u32 s6;
	s6 =	sadd.s32 $0x200, s6;
	[tilespmem:s1+$0x176F0] =	vst v3  }
0x14c: {  	s1 =	smov.u32 s15;
	v2 =	vld.idx.msk [tilespmem:v2+s21+$0x0], $0xffff  }
0x14d: {  	v3 =	vld [tilespmem:s1+$0x17280]  }
0x14e: {  	v1 =	vld.idx.msk [tilespmem:v1+s21+$0x0], $0xffff  }
0x14f: {  	v4 =	vld [tilespmem:s1+$0x16A90];
	_ =	sdelay $0x1  }
0x150: {  	v5 =	vld [tilespmem:s1+$0x16E90]  }
0x151: {  	v2 =	vmul.f32 v2, v3;
	_ =	sdelay $0x1  }
0x152: {  	v1 =	vmul.f32 v1, v2;
	_ =	sdelay $0x1  }
0x153: {  	[tilespmem:s1+$0x17680] =	vst v1  }
0x154: {  	v1 =	vld.idx.msk [tilespmem:v4+s21+$0x0], $0xffff  }
0x155: {  	v2 =	vld [tilespmem:s1+$0x17290]  }
0x156: {  	v3 =	vld.idx.msk [tilespmem:v5+s21+$0x0], $0xffff  }
0x157: {  	v4 =	vld [tilespmem:s1+$0x16AA0];
	_ =	sdelay $0x1  }
0x158: {  	v5 =	vld [tilespmem:s1+$0x16EA0]  }
0x159: {  	v1 =	vmul.f32 v1, v2;
	_ =	sdelay $0x1  }
0x15a: {  	v1 =	vmul.f32 v3, v1;
	_ =	sdelay $0x1  }
0x15b: {  	[tilespmem:s1+$0x17690] =	vst v1  }
0x15c: {  	v1 =	vld.idx.msk [tilespmem:v4+s21+$0x0], $0xffff  }
0x15d: {  	v2 =	vld [tilespmem:s1+$0x172A0]  }
0x15e: {  	v3 =	vld.idx.msk [tilespmem:v5+s21+$0x0], $0xffff  }
0x15f: {  	v4 =	vld [tilespmem:s1+$0x16AB0];
	_ =	sdelay $0x1  }
0x160: {  	v5 =	vld [tilespmem:s1+$0x16EB0]  }
0x161: {  	v1 =	vmul.f32 v1, v2;
	_ =	sdelay $0x1  }
0x162: {  	v1 =	vmul.f32 v3, v1;
	_ =	sdelay $0x1  }
0x163: {  	[tilespmem:s1+$0x176A0] =	vst v1  }
0x164: {  	v1 =	vld.idx.msk [tilespmem:v4+s21+$0x0], $0xffff  }
0x165: {  	v2 =	vld [tilespmem:s1+$0x172B0]  }
0x166: {  	v3 =	vld.idx.msk [tilespmem:v5+s21+$0x0], $0xffff  }
0x167: {  	v4 =	vld [tilespmem:s1+$0x16AC0];
	_ =	sdelay $0x1  }
0x168: {  	v5 =	vld [tilespmem:s1+$0x16EC0]  }
0x169: {  	v1 =	vmul.f32 v1, v2;
	_ =	sdelay $0x1  }
0x16a: {  	v1 =	vmul.f32 v3, v1;
	_ =	sdelay $0x1  }
0x16b: {  	[tilespmem:s1+$0x176B0] =	vst v1  }
0x16c: {  	v1 =	vld.idx.msk [tilespmem:v4+s21+$0x0], $0xffff  }
0x16d: {  	v2 =	vld [tilespmem:s1+$0x172C0]  }
0x16e: {  	v3 =	vld.idx.msk [tilespmem:v5+s21+$0x0], $0xffff  }
0x16f: {  	v4 =	vld [tilespmem:s1+$0x16AD0]  }
0x170: {  	v5 =	vld [tilespmem:s1+$0x16ED0];
	_ =	sdelay $0x1  }
0x171: {  	v1 =	vmul.f32 v1, v2;
	_ =	sdelay $0x1  }
0x172: {  	v1 =	vmul.f32 v3, v1;
	_ =	sdelay $0x1  }
0x173: {  	[tilespmem:s1+$0x176C0] =	vst v1;
	v1 =	vld [tilespmem:s1+$0x172D0]  }
0x174: {  	v2 =	vld.idx.msk [tilespmem:v4+s21+$0x0], $0xffff  }
0x175: {  	v3 =	vld.idx.msk [tilespmem:v5+s21+$0x0], $0xffff;
	_ =	sdelay $0x1  }
0x176: {  	v4 =	vld [tilespmem:s1+$0x16AE0]  }
0x177: {  	v5 =	vld [tilespmem:s1+$0x16EE0];
	_ =	sdelay $0x1  }
0x178: {  	v1 =	vmul.f32 v2, v1;
	_ =	sdelay $0x1  }
0x179: {  	v1 =	vmul.f32 v3, v1;
	_ =	sdelay $0x1  }
0x17a: {  	[tilespmem:s1+$0x176D0] =	vst v1;
	v1 =	vld [tilespmem:s1+$0x172E0]  }
0x17b: {  	v2 =	vld.idx.msk [tilespmem:v4+s21+$0x0], $0xffff  }
0x17c: {  	v3 =	vld.idx.msk [tilespmem:v5+s21+$0x0], $0xffff;
	_ =	sdelay $0x1  }
0x17d: {  	v4 =	vld [tilespmem:s1+$0x16AF0]  }
0x17e: {  	v5 =	vld [tilespmem:s1+$0x16EF0];
	_ =	sdelay $0x1  }
0x17f: {  	v1 =	vmul.f32 v2, v1;
	_ =	sdelay $0x1  }
0x180: {  	v1 =	vmul.f32 v3, v1;
	_ =	sdelay $0x1  }
0x181: {  	[tilespmem:s1+$0x176E0] =	vst v1;
	v3 =	vld [tilespmem:s1+$0x172F0]  }
0x182: {  	v4 =	vld.idx.msk [tilespmem:v4+s21+$0x0], $0xffff  }
0x183: {  	v5 =	vld.idx.msk [tilespmem:v5+s21+$0x0], $0xffff  }
0x184: {  	s15 =	sshra.s32 s7, $0x2  }
0x185: {  	v2 =	vld [tilespmem:s15+$0x16A80]  }
.Ltmp5:
0x186: {  	v1 =	vld [tilespmem:s15+$0x16E80];
	(pc) =	sbr.rel @p1 .LBB2_13-.Ltmp5, $3  }
0x187: {  	_ = 	snop  }
0x188: {  	v3 =	vmul.f32 v4, v3;
	_ =	sdelay $0x1  }
0x189: {  	v3 =	vmul.f32 v5, v3  }
0x18a: {  	_ =	sdelay $0x2  }
0x18b: {  	[tilespmem:s1+$0x176F0] =	vst v3  }
0x18c: {  	v2 =	vld.idx.msk [tilespmem:v2+s21+$0x0], $0xffff  }
0x18d: {  	v3 =	vld [tilespmem:s15+$0x17280]  }
0x18e: {  	v1 =	vld.idx.msk [tilespmem:v1+s21+$0x0], $0xffff  }
0x18f: {  	v4 =	vld [tilespmem:s15+$0x16A90];
	_ =	sdelay $0x1  }
0x190: {  	v5 =	vld [tilespmem:s15+$0x16E90]  }
0x191: {  	v2 =	vmul.f32 v2, v3;
	_ =	sdelay $0x1  }
0x192: {  	v1 =	vmul.f32 v1, v2;
	_ =	sdelay $0x1  }
0x193: {  	v2 =	vld [tilespmem:s15+$0x17290];
	[tilespmem:s15+$0x17680] =	vst v1  }
0x194: {  	v1 =	vld.idx.msk [tilespmem:v4+s21+$0x0], $0xffff  }
0x195: {  	v52 =	vld [tilespmem:s15+$0x16AA0]  }
0x196: {  	v3 =	vld.idx.msk [tilespmem:v5+s21+$0x0], $0xffff;
	_ =	sdelay $0x1  }
0x197: {  	v53 =	vld [tilespmem:s15+$0x16EA0]  }
0x198: {  	v1 =	vmul.f32 v1, v2;
	_ =	sdelay $0x1  }
0x199: {  	v1 =	vmul.f32 v3, v1;
	_ =	sdelay $0x1  }
0x19a: {  	v2 =	vld [tilespmem:s15+$0x172A0];
	[tilespmem:s15+$0x17690] =	vst v1  }
0x19b: {  	v1 =	vld.idx.msk [tilespmem:v52+s21+$0x0], $0xffff  }
0x19c: {  	v54 =	vld [tilespmem:s15+$0x16AB0]  }
0x19d: {  	v3 =	vld.idx.msk [tilespmem:v53+s21+$0x0], $0xffff;
	_ =	sdelay $0x1  }
0x19e: {  	v55 =	vld [tilespmem:s15+$0x16EB0]  }
0x19f: {  	v1 =	vmul.f32 v1, v2;
	_ =	sdelay $0x1  }
0x1a0: {  	v1 =	vmul.f32 v3, v1;
	_ =	sdelay $0x1  }
0x1a1: {  	v2 =	vld [tilespmem:s15+$0x172B0];
	[tilespmem:s15+$0x176A0] =	vst v1  }
0x1a2: {  	v1 =	vld.idx.msk [tilespmem:v54+s21+$0x0], $0xffff  }
0x1a3: {  	v56 =	vld [tilespmem:s15+$0x16AC0]  }
0x1a4: {  	v3 =	vld.idx.msk [tilespmem:v55+s21+$0x0], $0xffff;
	_ =	sdelay $0x1  }
0x1a5: {  	v57 =	vld [tilespmem:s15+$0x16EC0]  }
0x1a6: {  	v1 =	vmul.f32 v1, v2;
	_ =	sdelay $0x1  }
0x1a7: {  	v1 =	vmul.f32 v3, v1;
	_ =	sdelay $0x1  }
0x1a8: {  	v2 =	vld [tilespmem:s15+$0x172C0];
	[tilespmem:s15+$0x176B0] =	vst v1  }
0x1a9: {  	v1 =	vld.idx.msk [tilespmem:v56+s21+$0x0], $0xffff  }
0x1aa: {  	v58 =	vld [tilespmem:s15+$0x16AD0]  }
0x1ab: {  	v3 =	vld.idx.msk [tilespmem:v57+s21+$0x0], $0xffff;
	_ =	sdelay $0x1  }
0x1ac: {  	v59 =	vld [tilespmem:s15+$0x16ED0]  }
0x1ad: {  	v1 =	vmul.f32 v1, v2;
	_ =	sdelay $0x1  }
0x1ae: {  	v1 =	vmul.f32 v3, v1;
	_ =	sdelay $0x1  }
0x1af: {  	[tilespmem:s15+$0x176C0] =	vst v1;
	v1 =	vld [tilespmem:s15+$0x172D0]  }
0x1b0: {  	v2 =	vld.idx.msk [tilespmem:v58+s21+$0x0], $0xffff  }
0x1b1: {  	v60 =	vld [tilespmem:s15+$0x16AE0]  }
0x1b2: {  	v3 =	vld.idx.msk [tilespmem:v59+s21+$0x0], $0xffff;
	_ =	sdelay $0x1  }
0x1b3: {  	v61 =	vld [tilespmem:s15+$0x16EE0]  }
0x1b4: {  	v1 =	vmul.f32 v2, v1;
	_ =	sdelay $0x1  }
0x1b5: {  	v1 =	vmul.f32 v3, v1;
	_ =	sdelay $0x1  }
0x1b6: {  	[tilespmem:s15+$0x176D0] =	vst v1;
	v1 =	vld [tilespmem:s15+$0x172E0]  }
0x1b7: {  	v2 =	vld.idx.msk [tilespmem:v60+s21+$0x0], $0xffff  }
0x1b8: {  	v62 =	vld [tilespmem:s15+$0x16AF0]  }
0x1b9: {  	v3 =	vld.idx.msk [tilespmem:v61+s21+$0x0], $0xffff;
	_ =	sdelay $0x1  }
0x1ba: {  	v63 =	vld [tilespmem:s15+$0x16EF0]  }
0x1bb: {  	v1 =	vmul.f32 v2, v1;
	_ =	sdelay $0x1  }
0x1bc: {  	v1 =	vmul.f32 v3, v1;
	_ =	sdelay $0x1  }
0x1bd: {  	[tilespmem:s15+$0x176E0] =	vst v1;
	v1 =	vld [tilespmem:s15+$0x172F0]  }
0x1be: {  	v2 =	vld.idx.msk [tilespmem:v62+s21+$0x0], $0xffff;
	_ =	sdelay $0x1  }
0x1bf: {  	v3 =	vld.idx.msk [tilespmem:v63+s21+$0x0], $0xffff;
	_ =	sdelay $0x2  }
0x1c0: {  	v1 =	vmul.f32 v2, v1;
	_ =	sdelay $0x1  }
0x1c1: {  	v1 =	vmul.f32 v3, v1;
	_ =	sdelay $0x1  }
0x1c2: {  	[tilespmem:s15+$0x176F0] =	vst v1  }
0x1c3: {  	s7 =	simm.s32 $0x0;
	_ =	strace $0x9000004D  }
.LBB2_15:
0x1c4: {  	_ =	strace $0x8000004E;
	s1 =	smov.u32 s7  }
0x1c5: {  	s7 =	sadd.s32 $0x1, s7;
	_ =	swait.ge [sflag:s25], $0x4000;
	p1 =	seq.s32 s1, $0x7  }
0x1c6: {  	s2 =	sshll.u32 s1, $0x9;
	[sflag:s25] =	ssyncset.done $0x0;
	s6 =	sshll.u32 @!p1 s7, $0xE  }
0x1c7: {  	s15 =	sshrl.u32 s2, $0x2;
	[sflag:s25] =	ssyncadd.s32 $0xFFFFC000;
	s2 =	sand.u32 @!p1 $0x4000, s6  }
0x1c8: {  	s6 =	sshll.u32 @!p1 s7, $0x7;
	s19 =	sadd.s32 $0x17680, s15;
	_ =	strace $0x9000004E  }
0x1c9: {  	s1 =	sshll.u32 s1, $0x7;
	s6 =	sand.u32 @!p1 $0x3FFFFF80, s6;
	v1 =	vmov s19;
	s2 =	sadd.s32 @!p1 $0x17A80, s2  }
0x1ca: {  	s19 =	simm.s32 @!p1 $0x80;
	_ =	strace @!p1 $0x8000004F;
	s6 =	sadd.s32 @!p1 $0x16A80, s6  }
0x1cb: {  	[tilespmem:s2], [sflag:$0x1] =	stream.indirect.gather @!p1 [hbm4b:s8+s19], $0x80, s6, s19, $0x2000b8;
	[tilespmem:$0x1FA80] =	vst v63  }
0x1cc: {  	s1 =	sand.u32 $0x80, s1;
	_ =	strace @!p1 $0x9000004F  }
0x1cd: {  	s6 =	simm.s32 $0x0;
	s19 =	sadd.s32 $0x0, s1;
	_ =	strace $0x80000050  }
0x1ce: {  	s19 =	sshll.u32 s19, $0x7;
	v2 =	vld.idx.msk [tilespmem:v1+s6+$0x0 ss:$0x1], $0xffff  }
0x1cf: {  	s19 =	sand.u32 $0x3FFFFF80, s19  }
0x1d0: {  	v3 =	vld [tilespmem:s19+$0x17A80]  }
0x1d1: {  	v4 =	vld [tilespmem:s19+$0x17A90]  }
0x1d2: {  	v5 =	vld [tilespmem:s19+$0x17AA0]  }
0x1d3: {  	v7 =	vld [tilespmem:s19+$0x17AB0];
	v6 =	vbroadcast v2, $0x0  }
0x1d4: {  	v8 =	vld [tilespmem:s19+$0x17AC0]  }
0x1d5: {  	v9 =	vld [tilespmem:s19+$0x17AD0];
	v3 =	vmul.f32 v6, v3  }
0x1d6: {  	v10 =	vld [tilespmem:s19+$0x17AE0];
	v4 =	vmul.f32 v4, v6  }
0x1d7: {  	v5 =	vmul.f32 v5, v6;
	[tilespmem:s19+$0x17A80] =	vst v3;
	v3 =	vld [tilespmem:s19+$0x17AF0]  }
0x1d8: {  	v48 =	vld [tilespmem:s19+$0x17B00];
	v7 =	vmul.f32 v7, v6;
	[tilespmem:s19+$0x17A90] =	vst v4  }
0x1d9: {  	v49 =	vld [tilespmem:s19+$0x17B10];
	v8 =	vmul.f32 v8, v6;
	[tilespmem:s19+$0x17AA0] =	vst v5  }
0x1da: {  	v50 =	vld [tilespmem:s19+$0x17B20];
	v9 =	vmul.f32 v9, v6;
	[tilespmem:s19+$0x17AB0] =	vst v7  }
0x1db: {  	v51 =	vld [tilespmem:s19+$0x17B30];
	v11 =	vbroadcast v2, $0x1;
	v10 =	vmul.f32 v10, v6;
	[tilespmem:s19+$0x17AC0] =	vst v8  }
0x1dc: {  	v52 =	vld [tilespmem:s19+$0x17B40];
	[tilespmem:s19+$0x17AD0] =	vst v9;
	v3 =	vmul.f32 v3, v6  }
0x1dd: {  	v54 =	vld [tilespmem:s19+$0x17B70];
	[tilespmem:s19+$0x17AE0] =	vst v10;
	v4 =	vmul.f32 v48, v11  }
0x1de: {  	v5 =	vmul.f32 v49, v11;
	[tilespmem:s19+$0x17AF0] =	vst v3;
	v3 =	vld [tilespmem:s19+$0x17B60]  }
0x1df: {  	v55 =	vld [tilespmem:s19+$0x17B80];
	v7 =	vmul.f32 v50, v11;
	[tilespmem:s19+$0x17B00] =	vst v4  }
0x1e0: {  	v56 =	vld [tilespmem:s19+$0x17B90];
	v8 =	vmul.f32 v51, v11;
	[tilespmem:s19+$0x17B10] =	vst v5  }
0x1e1: {  	v57 =	vld [tilespmem:s19+$0x17BA0];
	v9 =	vmul.f32 v52, v11;
	[tilespmem:s19+$0x17B20] =	vst v7  }
0x1e2: {  	v58 =	vld [tilespmem:s19+$0x17BB0];
	v60 =	vbroadcast v2, $0x2;
	[tilespmem:s19+$0x17B30] =	vst v8;
	v4 =	vmul.f32 v54, v11  }
0x1e3: {  	v61 =	vld [tilespmem:s19+$0x17BE0];
	[tilespmem:s19+$0x17B40] =	vst v9;
	v3 =	vmul.f32 v3, v11  }
0x1e4: {  	v62 =	vld [tilespmem:s19+$0x17BF0];
	v5 =	vmul.f32 v55, v60;
	[tilespmem:s19+$0x17B70] =	vst v4  }
0x1e5: {  	v7 =	vmul.f32 v56, v60;
	[tilespmem:s19+$0x17B60] =	vst v3;
	v3 =	vld [tilespmem:s19+$0x17BD0]  }
0x1e6: {  	v63 =	vld [tilespmem:s19+$0x17C00];
	v8 =	vmul.f32 v57, v60;
	[tilespmem:s19+$0x17B80] =	vst v5  }
0x1e7: {  	v12 =	vld [tilespmem:s19+$0x17C10];
	v9 =	vmul.f32 v58, v60;
	[tilespmem:s19+$0x17B90] =	vst v7  }
0x1e8: {  	v13 =	vld [tilespmem:s19+$0x17C20];
	[tilespmem:s19+$0x17BA0] =	vst v8;
	v4 =	vmul.f32 v61, v60  }
0x1e9: {  	v53 =	vld [tilespmem:s19+$0x17B50];
	v15 =	vbroadcast v2, $0x3;
	[tilespmem:s19+$0x17BB0] =	vst v9;
	v5 =	vmul.f32 v62, v60  }
0x1ea: {  	v16 =	vld [tilespmem:s19+$0x17C50];
	[tilespmem:s19+$0x17BE0] =	vst v4;
	v3 =	vmul.f32 v3, v60  }
0x1eb: {  	v17 =	vld [tilespmem:s19+$0x17C60];
	v7 =	vmul.f32 v63, v15;
	[tilespmem:s19+$0x17BF0] =	vst v5  }
0x1ec: {  	v8 =	vmul.f32 v12, v15;
	[tilespmem:s19+$0x17BD0] =	vst v3;
	v3 =	vld [tilespmem:s19+$0x17C40]  }
0x1ed: {  	v18 =	vld [tilespmem:s19+$0x17C70];
	v9 =	vmul.f32 v13, v15;
	[tilespmem:s19+$0x17C00] =	vst v7  }
0x1ee: {  	v19 =	vld [tilespmem:s19+$0x17C80];
	v6 =	vmul.f32 v53, v11;
	[tilespmem:s19+$0x17C10] =	vst v8  }
0x1ef: {  	v20 =	vld [tilespmem:s19+$0x17C90];
	[tilespmem:s19+$0x17C20] =	vst v9;
	v4 =	vmul.f32 v16, v15  }
0x1f0: {  	v59 =	vld [tilespmem:s19+$0x17BC0];
	v5 =	vmul.f32 v17, v15;
	[tilespmem:s19+$0x17B50] =	vst v6  }
0x1f1: {  	v22 =	vld [tilespmem:s19+$0x17CC0];
	v23 =	vbroadcast v2, $0x4;
	[tilespmem:s19+$0x17C50] =	vst v4;
	v3 =	vmul.f32 v3, v15  }
0x1f2: {  	v24 =	vld [tilespmem:s19+$0x17CD0];
	v7 =	vmul.f32 v18, v15;
	[tilespmem:s19+$0x17C60] =	vst v5  }
0x1f3: {  	v8 =	vmul.f32 v19, v23;
	[tilespmem:s19+$0x17C40] =	vst v3;
	v3 =	vld [tilespmem:s19+$0x17CB0]  }
0x1f4: {  	v25 =	vld [tilespmem:s19+$0x17CE0];
	v9 =	vmul.f32 v20, v23;
	[tilespmem:s19+$0x17C70] =	vst v7  }
0x1f5: {  	v26 =	vld [tilespmem:s19+$0x17CF0];
	v6 =	vmul.f32 v59, v60;
	[tilespmem:s19+$0x17C80] =	vst v8  }
0x1f6: {  	v27 =	vld [tilespmem:s19+$0x17D00];
	[tilespmem:s19+$0x17C90] =	vst v9;
	v4 =	vmul.f32 v22, v23  }
0x1f7: {  	v14 =	vld [tilespmem:s19+$0x17C30];
	v5 =	vmul.f32 v24, v23;
	[tilespmem:s19+$0x17BC0] =	vst v6  }
0x1f8: {  	v29 =	vld [tilespmem:s19+$0x17D30];
	[tilespmem:s19+$0x17CC0] =	vst v4;
	v3 =	vmul.f32 v3, v23  }
0x1f9: {  	v30 =	vld [tilespmem:s19+$0x17D40];
	v31 =	vbroadcast v2, $0x5;
	v7 =	vmul.f32 v25, v23;
	[tilespmem:s19+$0x17CD0] =	vst v5  }
0x1fa: {  	v8 =	vmul.f32 v26, v23;
	[tilespmem:s19+$0x17CB0] =	vst v3;
	v3 =	vld [tilespmem:s19+$0x17D20]  }
0x1fb: {  	v32 =	vld [tilespmem:s19+$0x17D50];
	v9 =	vmul.f32 v27, v31;
	[tilespmem:s19+$0x17CE0] =	vst v7  }
0x1fc: {  	v33 =	vld [tilespmem:s19+$0x17D60];
	v6 =	vmul.f32 v14, v15;
	[tilespmem:s19+$0x17CF0] =	vst v8  }
0x1fd: {  	v34 =	vld [tilespmem:s19+$0x17D70];
	[tilespmem:s19+$0x17D00] =	vst v9;
	v4 =	vmul.f32 v29, v31  }
0x1fe: {  	v21 =	vld [tilespmem:s19+$0x17CA0];
	v5 =	vmul.f32 v30, v31;
	[tilespmem:s19+$0x17C30] =	vst v6  }
0x1ff: {  	v36 =	vld [tilespmem:s19+$0x17DA0];
	[tilespmem:s19+$0x17D30] =	vst v4;
	v3 =	vmul.f32 v3, v31  }
0x200: {  	v37 =	vld [tilespmem:s19+$0x17DB0];
	v7 =	vmul.f32 v32, v31;
	[tilespmem:s19+$0x17D40] =	vst v5  }
0x201: {  	v8 =	vmul.f32 v33, v31;
	[tilespmem:s19+$0x17D20] =	vst v3;
	v3 =	vld [tilespmem:s19+$0x17D90]  }
0x202: {  	v38 =	vld [tilespmem:s19+$0x17DC0];
	v39 =	vbroadcast v2, $0x6;
	v9 =	vmul.f32 v34, v31;
	[tilespmem:s19+$0x17D50] =	vst v7  }
0x203: {  	v40 =	vld [tilespmem:s19+$0x17DD0];
	v6 =	vmul.f32 v21, v23;
	[tilespmem:s19+$0x17D60] =	vst v8  }
0x204: {  	v41 =	vld [tilespmem:s19+$0x17DE0];
	[tilespmem:s19+$0x17D70] =	vst v9;
	v4 =	vmul.f32 v36, v39  }
0x205: {  	v28 =	vld [tilespmem:s19+$0x17D10];
	v5 =	vmul.f32 v37, v39;
	[tilespmem:s19+$0x17CA0] =	vst v6  }
0x206: {  	v43 =	vld [tilespmem:s19+$0x17E10];
	[tilespmem:s19+$0x17DA0] =	vst v4;
	v3 =	vmul.f32 v3, v39  }
0x207: {  	v44 =	vld [tilespmem:s19+$0x17E20];
	v7 =	vmul.f32 v38, v39;
	[tilespmem:s19+$0x17DB0] =	vst v5  }
0x208: {  	v8 =	vmul.f32 v40, v39;
	[tilespmem:s19+$0x17D90] =	vst v3;
	v3 =	vld [tilespmem:s19+$0x17E00]  }
0x209: {  	v45 =	vld [tilespmem:s19+$0x17E30];
	v47 =	vbroadcast v2, $0x7;
	v9 =	vmul.f32 v41, v39;
	[tilespmem:s19+$0x17DC0] =	vst v7  }
0x20a: {  	v46 =	vld [tilespmem:s19+$0x17E40];
	v6 =	vmul.f32 v28, v31;
	[tilespmem:s19+$0x17DD0] =	vst v8  }
0x20b: {  	v48 =	vld [tilespmem:s19+$0x17E50];
	[tilespmem:s19+$0x17DE0] =	vst v9;
	v4 =	vmul.f32 v43, v47  }
0x20c: {  	v35 =	vld [tilespmem:s19+$0x17D80];
	v5 =	vmul.f32 v44, v47;
	[tilespmem:s19+$0x17D10] =	vst v6  }
0x20d: {  	v50 =	vld [tilespmem:s19+$0x17E80];
	[tilespmem:s19+$0x17E10] =	vst v4;
	v3 =	vmul.f32 v3, v47  }
0x20e: {  	v51 =	vld [tilespmem:s19+$0x17E90];
	v7 =	vmul.f32 v45, v47;
	[tilespmem:s19+$0x17E20] =	vst v5  }
0x20f: {  	v8 =	vmul.f32 v46, v47;
	[tilespmem:s19+$0x17E00] =	vst v3;
	v3 =	vld [tilespmem:s19+$0x17E70]  }
0x210: {  	v52 =	vld [tilespmem:s19+$0x17EA0];
	v55 =	vbroadcast v2, $0x8;
	v9 =	vmul.f32 v48, v47;
	[tilespmem:s19+$0x17E30] =	vst v7  }
0x211: {  	v53 =	vld [tilespmem:s19+$0x17EB0];
	v6 =	vmul.f32 v35, v39;
	[tilespmem:s19+$0x17E40] =	vst v8  }
0x212: {  	v54 =	vld [tilespmem:s19+$0x17EC0];
	[tilespmem:s19+$0x17E50] =	vst v9;
	v4 =	vmul.f32 v50, v55  }
0x213: {  	v42 =	vld [tilespmem:s19+$0x17DF0];
	v5 =	vmul.f32 v51, v55;
	[tilespmem:s19+$0x17D80] =	vst v6  }
0x214: {  	v57 =	vld [tilespmem:s19+$0x17EF0];
	[tilespmem:s19+$0x17E80] =	vst v4;
	v3 =	vmul.f32 v3, v47  }
0x215: {  	v58 =	vld [tilespmem:s19+$0x17F00];
	v7 =	vmul.f32 v52, v55;
	[tilespmem:s19+$0x17E90] =	vst v5  }
0x216: {  	v8 =	vmul.f32 v53, v55;
	[tilespmem:s19+$0x17E70] =	vst v3;
	v3 =	vld [tilespmem:s19+$0x17EE0]  }
0x217: {  	v59 =	vld [tilespmem:s19+$0x17F10];
	v9 =	vmul.f32 v54, v55;
	[tilespmem:s19+$0x17EA0] =	vst v7  }
0x218: {  	v61 =	vld [tilespmem:s19+$0x17F30];
	v63 =	vbroadcast v2, $0x9;
	v6 =	vmul.f32 v42, v39;
	[tilespmem:s19+$0x17EB0] =	vst v8  }
0x219: {  	v49 =	vld [tilespmem:s19+$0x17E60];
	[tilespmem:s19+$0x17EC0] =	vst v9;
	v4 =	vmul.f32 v57, v55  }
0x21a: {  	v12 =	vld [tilespmem:s19+$0x17F60];
	v5 =	vmul.f32 v58, v63;
	[tilespmem:s19+$0x17DF0] =	vst v6  }
0x21b: {  	v13 =	vld [tilespmem:s19+$0x17F70];
	[tilespmem:s19+$0x17EF0] =	vst v4;
	v3 =	vmul.f32 v3, v55  }
0x21c: {  	v14 =	vld [tilespmem:s19+$0x17F80];
	v7 =	vmul.f32 v59, v63;
	[tilespmem:s19+$0x17F00] =	vst v5  }
0x21d: {  	v9 =	vmul.f32 v61, v63;
	[tilespmem:s19+$0x17EE0] =	vst v3;
	v3 =	vld [tilespmem:s19+$0x17F50]  }
0x21e: {  	v16 =	vld [tilespmem:s19+$0x17FA0];
	v6 =	vmul.f32 v49, v47;
	[tilespmem:s19+$0x17F10] =	vst v7  }
0x21f: {  	v56 =	vld [tilespmem:s19+$0x17ED0];
	v18 =	vbroadcast v2, $0xA;
	[tilespmem:s19+$0x17F30] =	vst v9;
	v4 =	vmul.f32 v12, v63  }
0x220: {  	v19 =	vld [tilespmem:s19+$0x17FD0];
	v5 =	vmul.f32 v13, v63;
	[tilespmem:s19+$0x17E60] =	vst v6  }
0x221: {  	v20 =	vld [tilespmem:s19+$0x17FE0];
	v7 =	vmul.f32 v14, v18;
	[tilespmem:s19+$0x17F60] =	vst v4  }
0x222: {  	v21 =	vld [tilespmem:s19+$0x17FF0];
	[tilespmem:s19+$0x17F70] =	vst v5;
	v3 =	vmul.f32 v3, v63  }
0x223: {  	v62 =	vld [tilespmem:s19+$0x17F40];
	v9 =	vmul.f32 v16, v18;
	[tilespmem:s19+$0x17F80] =	vst v7  }
0x224: {  	v6 =	vmul.f32 v56, v55;
	[tilespmem:s19+$0x17F50] =	vst v3;
	v3 =	vld [tilespmem:s19+$0x17FC0]  }
0x225: {  	v60 =	vld [tilespmem:s19+$0x17F20];
	[tilespmem:s19+$0x17FA0] =	vst v9;
	v4 =	vmul.f32 v19, v18  }
0x226: {  	v25 =	vld [tilespmem:s19+$0x18040];
	v5 =	vmul.f32 v20, v18;
	[tilespmem:s19+$0x17ED0] =	vst v6  }
0x227: {  	v27 =	vld [tilespmem:s19+$0x18050];
	v7 =	vmul.f32 v21, v18;
	[tilespmem:s19+$0x17FD0] =	vst v4  }
0x228: {  	v28 =	vld [tilespmem:s19+$0x18060];
	v6 =	vmul.f32 v62, v63;
	[tilespmem:s19+$0x17FE0] =	vst v5  }
0x229: {  	v17 =	vld [tilespmem:s19+$0x17FB0];
	v26 =	vbroadcast v2, $0xB;
	[tilespmem:s19+$0x17FF0] =	vst v7;
	v3 =	vmul.f32 v3, v18  }
0x22a: {  	v32 =	vld [tilespmem:s19+$0x180B0];
	v8 =	vmul.f32 v60, v63;
	[tilespmem:s19+$0x17F40] =	vst v6  }
0x22b: {  	v4 =	vmul.f32 v25, v26;
	[tilespmem:s19+$0x17FC0] =	vst v3;
	v3 =	vld [tilespmem:s19+$0x18030]  }
0x22c: {  	v33 =	vld [tilespmem:s19+$0x180C0];
	v5 =	vmul.f32 v27, v26;
	[tilespmem:s19+$0x17F20] =	vst v8  }
0x22d: {  	v34 =	vbroadcast v2, $0xC;
	v35 =	vld [tilespmem:s19+$0x180D0];
	v7 =	vmul.f32 v28, v26;
	[tilespmem:s19+$0x18040] =	vst v4  }
0x22e: {  	v24 =	vld [tilespmem:s19+$0x18020];
	v6 =	vmul.f32 v17, v18;
	[tilespmem:s19+$0x18050] =	vst v5  }
0x22f: {  	v40 =	vld [tilespmem:s19+$0x18130];
	[tilespmem:s19+$0x18060] =	vst v7;
	v4 =	vmul.f32 v32, v34  }
0x230: {  	v41 =	vld [tilespmem:s19+$0x18140];
	[tilespmem:s19+$0x17FB0] =	vst v6;
	v3 =	vmul.f32 v3, v26  }
0x231: {  	v15 =	vld [tilespmem:s19+$0x17F90];
	v5 =	vmul.f32 v33, v34;
	[tilespmem:s19+$0x180B0] =	vst v4  }
0x232: {  	v42 =	vbroadcast v2, $0xD;
	v7 =	vmul.f32 v35, v34;
	[tilespmem:s19+$0x18030] =	vst v3;
	v3 =	vld [tilespmem:s19+$0x180A0]  }
0x233: {  	v22 =	vld [tilespmem:s19+$0x18000];
	v6 =	vmul.f32 v24, v26;
	[tilespmem:s19+$0x180C0] =	vst v5  }
0x234: {  	v48 =	vld [tilespmem:s19+$0x181B0];
	[tilespmem:s19+$0x180D0] =	vst v7;
	v5 =	vmul.f32 v40, v42  }
0x235: {  	v29 =	vld [tilespmem:s19+$0x18070];
	v7 =	vmul.f32 v41, v42;
	[tilespmem:s19+$0x18020] =	vst v6  }
0x236: {  	v56 =	vld [tilespmem:s19+$0x18230];
	[tilespmem:s19+$0x18130] =	vst v5;
	v8 =	vmul.f32 v15, v18  }
0x237: {  	v36 =	vld [tilespmem:s19+$0x180E0];
	v50 =	vbroadcast v2, $0xE;
	[tilespmem:s19+$0x18140] =	vst v7;
	v3 =	vmul.f32 v3, v34  }
0x238: {  	[tilespmem:s19+$0x17F90] =	vst v8;
	v23 =	vld [tilespmem:s19+$0x18010];
	v8 =	vmul.f32 v22, v26  }
0x239: {  	v2 =	vbroadcast v2, $0xF;
	v7 =	vmul.f32 v48, v50;
	[tilespmem:s19+$0x180A0] =	vst v3;
	v3 =	vld [tilespmem:s19+$0x18110]  }
0x23a: {  	v43 =	vld [tilespmem:s19+$0x18150];
	[tilespmem:s19+$0x18000] =	vst v8;
	v8 =	vmul.f32 v29, v26  }
0x23b: {  	v30 =	vld [tilespmem:s19+$0x18080];
	[tilespmem:s19+$0x181B0] =	vst v7;
	v61 =	vmul.f32 v56, v2  }
0x23c: {  	v49 =	vld [tilespmem:s19+$0x181C0];
	[tilespmem:s19+$0x18070] =	vst v8;
	v8 =	vmul.f32 v36, v34  }
0x23d: {  	v57 =	vld [tilespmem:s19+$0x18240];
	[tilespmem:s19+$0x18230] =	vst v61;
	v9 =	vmul.f32 v23, v26  }
0x23e: {  	v37 =	vld [tilespmem:s19+$0x180F0];
	[tilespmem:s19+$0x180E0] =	vst v8;
	v3 =	vmul.f32 v3, v42  }
0x23f: {  	v8 =	vmul.f32 v43, v42;
	[tilespmem:s19+$0x18010] =	vst v9;
	v31 =	vld [tilespmem:s19+$0x18090]  }
0x240: {  	v9 =	vmul.f32 v30, v34;
	[tilespmem:s19+$0x18110] =	vst v3;
	v3 =	vld [tilespmem:s19+$0x18180]  }
0x241: {  	v38 =	vld [tilespmem:s19+$0x18100];
	[tilespmem:s19+$0x18150] =	vst v8;
	v8 =	vmul.f32 v49, v50  }
0x242: {  	v44 =	vld [tilespmem:s19+$0x18160];
	v62 =	vmul.f32 v57, v2;
	[tilespmem:s19+$0x18080] =	vst v9  }
0x243: {  	v45 =	vld [tilespmem:s19+$0x18170];
	v9 =	vmul.f32 v37, v34;
	[tilespmem:s19+$0x181C0] =	vst v8  }
0x244: {  	v51 =	vld [tilespmem:s19+$0x181D0];
	[tilespmem:s19+$0x18240] =	vst v62;
	v6 =	vmul.f32 v31, v34  }
0x245: {  	v52 =	vld [tilespmem:s19+$0x181E0];
	[tilespmem:s19+$0x180F0] =	vst v9;
	v3 =	vmul.f32 v3, v50  }
0x246: {  	[tilespmem:s19+$0x18090] =	vst v6;
	v39 =	vld [tilespmem:s19+$0x18120];
	v6 =	vmul.f32 v38, v42  }
0x247: {  	v9 =	vmul.f32 v44, v42;
	[tilespmem:s19+$0x18180] =	vst v3;
	v3 =	vld [tilespmem:s19+$0x181F0]  }
0x248: {  	v46 =	vld [tilespmem:s19+$0x18190];
	[tilespmem:s19+$0x18100] =	vst v6;
	v6 =	vmul.f32 v45, v42  }
0x249: {  	[tilespmem:s19+$0x18160] =	vst v9;
	v9 =	vmul.f32 v51, v50;
	v47 =	vld [tilespmem:s19+$0x181A0]  }
0x24a: {  	v53 =	vld [tilespmem:s19+$0x18200];
	[tilespmem:s19+$0x18170] =	vst v6;
	v6 =	vmul.f32 v52, v50  }
0x24b: {  	v54 =	vld [tilespmem:s19+$0x18210];
	[tilespmem:s19+$0x181D0] =	vst v9;
	v4 =	vmul.f32 v39, v42  }
0x24c: {  	[tilespmem:s19+$0x181E0] =	vst v6;
	v55 =	vld [tilespmem:s19+$0x18220];
	v3 =	vmul.f32 v3, v50  }
0x24d: {  	v58 =	vld [tilespmem:s19+$0x18250];
	[tilespmem:s19+$0x18120] =	vst v4;
	v4 =	vmul.f32 v46, v50  }
0x24e: {  	v5 =	vmul.f32 v47, v50;
	[tilespmem:s19+$0x181F0] =	vst v3;
	v3 =	vld [tilespmem:s19+$0x18260]  }
0x24f: {  	v60 =	vld [tilespmem:s19+$0x18270];
	[tilespmem:s19+$0x18190] =	vst v4;
	v4 =	vmul.f32 v53, v2  }
0x250: {  	[tilespmem:s19+$0x181A0] =	vst v5;
	v5 =	vmul.f32 v54, v2  }
0x251: {  	[tilespmem:s19+$0x18200] =	vst v4;
	v59 =	vmul.f32 v55, v2  }
0x252: {  	[tilespmem:s19+$0x18210] =	vst v5;
	v63 =	vmul.f32 v58, v2  }
0x253: {  	[tilespmem:s19+$0x18220] =	vst v59;
	v3 =	vmul.f32 v3, v2  }
0x254: {  	[tilespmem:s19+$0x18250] =	vst v63;
	v2 =	vmul.f32 v60, v2  }
0x255: {  	s6 =	simm.s32 $0x1;
	[tilespmem:s19+$0x18260] =	vst v3  }
.LBB2_16:
0x256: {  	s2 =	sshll.u32 s6, $0x4;
	p1 =	sne.s32 s6, $0x7;
	s6 =	sadd.s32 $0x1, s6;
	[tilespmem:s19+$0x18270] =	vst v2  }
0x257: {  	v2 =	vld.idx.msk [tilespmem:v1+s2+$0x0 ss:$0x1], $0xffff;
	s2 =	sadd.s32 s1, s2  }
0x258: {  	s2 =	sshll.u32 s2, $0x7  }
0x259: {  	s19 =	sand.u32 $0x3FFFFF80, s2  }
0x25a: {  	v5 =	vld [tilespmem:s19+$0x17A80]  }
0x25b: {  	v6 =	vld [tilespmem:s19+$0x17A90]  }
0x25c: {  	v7 =	vld [tilespmem:s19+$0x17AA0]  }
0x25d: {  	v8 =	vbroadcast v2, $0x0;
	v4 =	vbroadcast v2, $0x3;
	v9 =	vld [tilespmem:s19+$0x17AB0]  }
0x25e: {  	v3 =	vbroadcast v2, $0x5;
	v10 =	vld [tilespmem:s19+$0x17AC0]  }
0x25f: {  	v5 =	vmul.f32 v8, v5;
	v11 =	vld [tilespmem:s19+$0x17AD0]  }
0x260: {  	v6 =	vmul.f32 v6, v8;
	v12 =	vld [tilespmem:s19+$0x17AE0]  }
0x261: {  	[tilespmem:s19+$0x17A80] =	vst v5;
	v5 =	vmul.f32 v7, v8;
	v7 =	vld [tilespmem:s19+$0x17AF0]  }
0x262: {  	[tilespmem:s19+$0x17A90] =	vst v6;
	v6 =	vmul.f32 v9, v8;
	v9 =	vld [tilespmem:s19+$0x17B00]  }
0x263: {  	[tilespmem:s19+$0x17AA0] =	vst v5;
	v5 =	vmul.f32 v10, v8;
	v10 =	vld [tilespmem:s19+$0x17B10]  }
0x264: {  	[tilespmem:s19+$0x17AB0] =	vst v6;
	v6 =	vmul.f32 v11, v8;
	v11 =	vld [tilespmem:s19+$0x17B20]  }
0x265: {  	[tilespmem:s19+$0x17AC0] =	vst v5;
	v5 =	vmul.f32 v12, v8;
	v12 =	vbroadcast v2, $0x1;
	v13 =	vld [tilespmem:s19+$0x17B30]  }
0x266: {  	[tilespmem:s19+$0x17AD0] =	vst v6;
	v6 =	vmul.f32 v7, v8;
	v7 =	vld [tilespmem:s19+$0x17B40]  }
0x267: {  	[tilespmem:s19+$0x17AE0] =	vst v5;
	v5 =	vmul.f32 v9, v12;
	v8 =	vld [tilespmem:s19+$0x17B50]  }
0x268: {  	[tilespmem:s19+$0x17AF0] =	vst v6;
	v6 =	vmul.f32 v10, v12;
	v9 =	vld [tilespmem:s19+$0x17B60]  }
0x269: {  	[tilespmem:s19+$0x17B00] =	vst v5;
	v5 =	vmul.f32 v11, v12;
	v10 =	vld [tilespmem:s19+$0x17B70]  }
0x26a: {  	[tilespmem:s19+$0x17B10] =	vst v6;
	v6 =	vmul.f32 v13, v12;
	v11 =	vld [tilespmem:s19+$0x17B80]  }
0x26b: {  	[tilespmem:s19+$0x17B20] =	vst v5;
	v5 =	vmul.f32 v7, v12;
	v7 =	vld [tilespmem:s19+$0x17B90]  }
0x26c: {  	[tilespmem:s19+$0x17B30] =	vst v6;
	v6 =	vmul.f32 v8, v12;
	v8 =	vld [tilespmem:s19+$0x17BA0]  }
0x26d: {  	[tilespmem:s19+$0x17B40] =	vst v5;
	v5 =	vmul.f32 v9, v12;
	v9 =	vbroadcast v2, $0x2;
	v13 =	vld [tilespmem:s19+$0x17BB0]  }
0x26e: {  	[tilespmem:s19+$0x17B50] =	vst v6;
	v6 =	vmul.f32 v10, v12;
	v10 =	vld [tilespmem:s19+$0x17BC0]  }
0x26f: {  	[tilespmem:s19+$0x17B60] =	vst v5;
	v5 =	vmul.f32 v11, v9;
	v11 =	vld [tilespmem:s19+$0x17BD0]  }
0x270: {  	[tilespmem:s19+$0x17B70] =	vst v6;
	v6 =	vmul.f32 v7, v9;
	v7 =	vld [tilespmem:s19+$0x17BE0]  }
0x271: {  	[tilespmem:s19+$0x17B80] =	vst v5;
	v5 =	vmul.f32 v8, v9;
	v8 =	vld [tilespmem:s19+$0x17BF0]  }
0x272: {  	[tilespmem:s19+$0x17B90] =	vst v6;
	v6 =	vmul.f32 v13, v9;
	v12 =	vld [tilespmem:s19+$0x17C00]  }
0x273: {  	[tilespmem:s19+$0x17BA0] =	vst v5;
	v5 =	vmul.f32 v10, v9;
	v10 =	vld [tilespmem:s19+$0x17C10]  }
0x274: {  	[tilespmem:s19+$0x17BB0] =	vst v6;
	v6 =	vmul.f32 v11, v9;
	v11 =	vld [tilespmem:s19+$0x17C20]  }
0x275: {  	[tilespmem:s19+$0x17BC0] =	vst v5;
	v5 =	vmul.f32 v7, v9;
	v7 =	vld [tilespmem:s19+$0x17C30]  }
0x276: {  	[tilespmem:s19+$0x17BD0] =	vst v6;
	v6 =	vmul.f32 v8, v9;
	v8 =	vld [tilespmem:s19+$0x17C40]  }
0x277: {  	[tilespmem:s19+$0x17BE0] =	vst v5;
	v5 =	vmul.f32 v12, v4;
	v9 =	vld [tilespmem:s19+$0x17C50]  }
0x278: {  	[tilespmem:s19+$0x17BF0] =	vst v6;
	v6 =	vmul.f32 v10, v4;
	v10 =	vld [tilespmem:s19+$0x17C60]  }
0x279: {  	[tilespmem:s19+$0x17C00] =	vst v5;
	v5 =	vmul.f32 v11, v4;
	v11 =	vld [tilespmem:s19+$0x17C70]  }
0x27a: {  	[tilespmem:s19+$0x17C10] =	vst v6;
	v6 =	vmul.f32 v7, v4;
	v7 =	vld [tilespmem:s19+$0x17C80]  }
0x27b: {  	[tilespmem:s19+$0x17C20] =	vst v5;
	v5 =	vmul.f32 v8, v4;
	v8 =	vld [tilespmem:s19+$0x17C90]  }
0x27c: {  	[tilespmem:s19+$0x17C30] =	vst v6;
	v6 =	vmul.f32 v9, v4;
	v9 =	vld [tilespmem:s19+$0x17CA0]  }
0x27d: {  	[tilespmem:s19+$0x17C40] =	vst v5;
	v5 =	vmul.f32 v10, v4;
	v10 =	vbroadcast v2, $0x4;
	v12 =	vld [tilespmem:s19+$0x17CB0]  }
0x27e: {  	[tilespmem:s19+$0x17C50] =	vst v6;
	v4 =	vmul.f32 v11, v4;
	v6 =	vld [tilespmem:s19+$0x17CC0]  }
0x27f: {  	[tilespmem:s19+$0x17C60] =	vst v5;
	v5 =	vmul.f32 v7, v10;
	v7 =	vld [tilespmem:s19+$0x17CD0]  }
0x280: {  	[tilespmem:s19+$0x17C70] =	vst v4;
	v4 =	vmul.f32 v8, v10;
	v8 =	vld [tilespmem:s19+$0x17CE0]  }
0x281: {  	[tilespmem:s19+$0x17C80] =	vst v5;
	v5 =	vmul.f32 v9, v10;
	v9 =	vld [tilespmem:s19+$0x17CF0]  }
0x282: {  	[tilespmem:s19+$0x17C90] =	vst v4;
	v4 =	vmul.f32 v12, v10;
	v11 =	vld [tilespmem:s19+$0x17D00]  }
0x283: {  	[tilespmem:s19+$0x17CA0] =	vst v5;
	v5 =	vmul.f32 v6, v10;
	v6 =	vld [tilespmem:s19+$0x17D10]  }
0x284: {  	[tilespmem:s19+$0x17CB0] =	vst v4;
	v4 =	vmul.f32 v7, v10;
	v7 =	vld [tilespmem:s19+$0x17D20]  }
0x285: {  	[tilespmem:s19+$0x17CC0] =	vst v5;
	v5 =	vmul.f32 v8, v10;
	v8 =	vld [tilespmem:s19+$0x17D30]  }
0x286: {  	[tilespmem:s19+$0x17CD0] =	vst v4;
	v4 =	vmul.f32 v9, v10;
	v9 =	vld [tilespmem:s19+$0x17D40]  }
0x287: {  	[tilespmem:s19+$0x17CE0] =	vst v5;
	v5 =	vmul.f32 v11, v3;
	v10 =	vld [tilespmem:s19+$0x17D50]  }
0x288: {  	[tilespmem:s19+$0x17CF0] =	vst v4;
	v4 =	vmul.f32 v6, v3;
	v6 =	vld [tilespmem:s19+$0x17D60]  }
0x289: {  	[tilespmem:s19+$0x17D00] =	vst v5;
	v5 =	vmul.f32 v7, v3;
	v7 =	vld [tilespmem:s19+$0x17D70]  }
0x28a: {  	[tilespmem:s19+$0x17D10] =	vst v4;
	v4 =	vmul.f32 v8, v3;
	v8 =	vld [tilespmem:s19+$0x17D80]  }
0x28b: {  	[tilespmem:s19+$0x17D20] =	vst v5;
	v5 =	vmul.f32 v9, v3;
	v9 =	vld [tilespmem:s19+$0x17D90]  }
0x28c: {  	[tilespmem:s19+$0x17D30] =	vst v4;
	v4 =	vmul.f32 v10, v3;
	v10 =	vld [tilespmem:s19+$0x17DA0]  }
0x28d: {  	[tilespmem:s19+$0x17D40] =	vst v5;
	v5 =	vmul.f32 v6, v3;
	v6 =	vbroadcast v2, $0x6;
	v11 =	vld [tilespmem:s19+$0x17DB0]  }
0x28e: {  	[tilespmem:s19+$0x17D50] =	vst v4;
	v3 =	vmul.f32 v7, v3;
	v4 =	vld [tilespmem:s19+$0x17DC0]  }
0x28f: {  	[tilespmem:s19+$0x17D60] =	vst v5;
	v5 =	vmul.f32 v8, v6;
	v7 =	vld [tilespmem:s19+$0x17DD0]  }
0x290: {  	[tilespmem:s19+$0x17D70] =	vst v3;
	v3 =	vmul.f32 v9, v6;
	v8 =	vld [tilespmem:s19+$0x17DE0]  }
0x291: {  	[tilespmem:s19+$0x17D80] =	vst v5;
	v5 =	vmul.f32 v10, v6;
	v9 =	vld [tilespmem:s19+$0x17DF0]  }
0x292: {  	[tilespmem:s19+$0x17D90] =	vst v3;
	v3 =	vmul.f32 v11, v6;
	v10 =	vld [tilespmem:s19+$0x17E00]  }
0x293: {  	[tilespmem:s19+$0x17DA0] =	vst v5;
	v4 =	vmul.f32 v4, v6;
	v5 =	vld [tilespmem:s19+$0x17E10]  }
0x294: {  	[tilespmem:s19+$0x17DB0] =	vst v3;
	v3 =	vmul.f32 v7, v6;
	v7 =	vld [tilespmem:s19+$0x17E20]  }
0x295: {  	[tilespmem:s19+$0x17DC0] =	vst v4;
	v4 =	vmul.f32 v8, v6;
	v8 =	vbroadcast v2, $0x7;
	v11 =	vld [tilespmem:s19+$0x17E30]  }
0x296: {  	[tilespmem:s19+$0x17DD0] =	vst v3;
	v3 =	vmul.f32 v9, v6;
	v6 =	vld [tilespmem:s19+$0x17E40]  }
0x297: {  	[tilespmem:s19+$0x17DE0] =	vst v4;
	v4 =	vmul.f32 v10, v8;
	v9 =	vld [tilespmem:s19+$0x17E50]  }
0x298: {  	[tilespmem:s19+$0x17DF0] =	vst v3;
	v3 =	vmul.f32 v5, v8;
	v5 =	vld [tilespmem:s19+$0x17E60]  }
0x299: {  	[tilespmem:s19+$0x17E00] =	vst v4;
	v4 =	vmul.f32 v7, v8;
	v7 =	vld [tilespmem:s19+$0x17E70]  }
0x29a: {  	[tilespmem:s19+$0x17E10] =	vst v3;
	v3 =	vmul.f32 v11, v8;
	v10 =	vld [tilespmem:s19+$0x17E80]  }
0x29b: {  	[tilespmem:s19+$0x17E20] =	vst v4;
	v4 =	vmul.f32 v6, v8;
	v6 =	vld [tilespmem:s19+$0x17E90]  }
0x29c: {  	[tilespmem:s19+$0x17E30] =	vst v3;
	v3 =	vmul.f32 v9, v8;
	v9 =	vld [tilespmem:s19+$0x17EA0]  }
0x29d: {  	[tilespmem:s19+$0x17E40] =	vst v4;
	v4 =	vmul.f32 v5, v8;
	v5 =	vbroadcast v2, $0x8;
	v11 =	vld [tilespmem:s19+$0x17EB0]  }
0x29e: {  	[tilespmem:s19+$0x17E50] =	vst v3;
	v3 =	vmul.f32 v7, v8;
	v7 =	vld [tilespmem:s19+$0x17EC0]  }
0x29f: {  	[tilespmem:s19+$0x17E60] =	vst v4;
	v4 =	vmul.f32 v10, v5;
	v8 =	vld [tilespmem:s19+$0x17ED0]  }
0x2a0: {  	[tilespmem:s19+$0x17E70] =	vst v3;
	v3 =	vmul.f32 v6, v5;
	v6 =	vld [tilespmem:s19+$0x17EE0]  }
0x2a1: {  	[tilespmem:s19+$0x17E80] =	vst v4;
	v4 =	vmul.f32 v9, v5;
	v9 =	vld [tilespmem:s19+$0x17EF0]  }
0x2a2: {  	[tilespmem:s19+$0x17E90] =	vst v3;
	v3 =	vmul.f32 v11, v5;
	v10 =	vld [tilespmem:s19+$0x17F00]  }
0x2a3: {  	[tilespmem:s19+$0x17EA0] =	vst v4;
	v4 =	vmul.f32 v7, v5;
	v7 =	vld [tilespmem:s19+$0x17F10]  }
0x2a4: {  	[tilespmem:s19+$0x17EB0] =	vst v3;
	v3 =	vmul.f32 v8, v5;
	v8 =	vld [tilespmem:s19+$0x17F20]  }
0x2a5: {  	[tilespmem:s19+$0x17EC0] =	vst v4;
	v4 =	vmul.f32 v6, v5;
	v6 =	vbroadcast v2, $0x9;
	v11 =	vld [tilespmem:s19+$0x17F30]  }
0x2a6: {  	[tilespmem:s19+$0x17ED0] =	vst v3;
	v3 =	vmul.f32 v9, v5;
	v5 =	vld [tilespmem:s19+$0x17F40]  }
0x2a7: {  	[tilespmem:s19+$0x17EE0] =	vst v4;
	v4 =	vmul.f32 v10, v6;
	v9 =	vld [tilespmem:s19+$0x17F50]  }
0x2a8: {  	[tilespmem:s19+$0x17EF0] =	vst v3;
	v3 =	vmul.f32 v7, v6;
	v7 =	vld [tilespmem:s19+$0x17F60]  }
0x2a9: {  	[tilespmem:s19+$0x17F00] =	vst v4;
	v4 =	vmul.f32 v8, v6;
	v8 =	vld [tilespmem:s19+$0x17F70]  }
0x2aa: {  	[tilespmem:s19+$0x17F10] =	vst v3;
	v3 =	vmul.f32 v11, v6;
	v10 =	vld [tilespmem:s19+$0x17F80]  }
0x2ab: {  	[tilespmem:s19+$0x17F20] =	vst v4;
	v4 =	vmul.f32 v5, v6;
	v5 =	vld [tilespmem:s19+$0x17F90]  }
0x2ac: {  	[tilespmem:s19+$0x17F30] =	vst v3;
	v3 =	vmul.f32 v9, v6;
	v9 =	vld [tilespmem:s19+$0x17FA0]  }
0x2ad: {  	[tilespmem:s19+$0x17F40] =	vst v4;
	v4 =	vmul.f32 v7, v6;
	v7 =	vbroadcast v2, $0xA;
	v11 =	vld [tilespmem:s19+$0x17FB0]  }
0x2ae: {  	[tilespmem:s19+$0x17F50] =	vst v3;
	v3 =	vmul.f32 v8, v6;
	v6 =	vld [tilespmem:s19+$0x17FC0]  }
0x2af: {  	[tilespmem:s19+$0x17F60] =	vst v4;
	v4 =	vmul.f32 v10, v7;
	v8 =	vld [tilespmem:s19+$0x17FD0]  }
0x2b0: {  	[tilespmem:s19+$0x17F70] =	vst v3;
	v3 =	vmul.f32 v5, v7;
	v5 =	vld [tilespmem:s19+$0x17FE0]  }
0x2b1: {  	[tilespmem:s19+$0x17F80] =	vst v4;
	v4 =	vmul.f32 v9, v7;
	v9 =	vld [tilespmem:s19+$0x17FF0]  }
0x2b2: {  	[tilespmem:s19+$0x17F90] =	vst v3;
	v3 =	vmul.f32 v11, v7;
	v10 =	vld [tilespmem:s19+$0x18000]  }
0x2b3: {  	[tilespmem:s19+$0x17FA0] =	vst v4;
	v4 =	vmul.f32 v6, v7;
	v6 =	vld [tilespmem:s19+$0x18010]  }
0x2b4: {  	[tilespmem:s19+$0x17FB0] =	vst v3;
	v3 =	vmul.f32 v8, v7;
	v8 =	vld [tilespmem:s19+$0x18020]  }
0x2b5: {  	[tilespmem:s19+$0x17FC0] =	vst v4;
	v4 =	vmul.f32 v5, v7;
	v5 =	vbroadcast v2, $0xB;
	v11 =	vld [tilespmem:s19+$0x18030]  }
0x2b6: {  	[tilespmem:s19+$0x17FD0] =	vst v3;
	v3 =	vmul.f32 v9, v7;
	v7 =	vld [tilespmem:s19+$0x18040]  }
0x2b7: {  	[tilespmem:s19+$0x17FE0] =	vst v4;
	v4 =	vmul.f32 v10, v5;
	v9 =	vld [tilespmem:s19+$0x18050]  }
0x2b8: {  	[tilespmem:s19+$0x17FF0] =	vst v3;
	v3 =	vmul.f32 v6, v5;
	v6 =	vld [tilespmem:s19+$0x18060]  }
0x2b9: {  	[tilespmem:s19+$0x18000] =	vst v4;
	v4 =	vmul.f32 v8, v5;
	v8 =	vld [tilespmem:s19+$0x18070]  }
0x2ba: {  	[tilespmem:s19+$0x18010] =	vst v3;
	v3 =	vmul.f32 v11, v5;
	v10 =	vld [tilespmem:s19+$0x18080]  }
0x2bb: {  	[tilespmem:s19+$0x18020] =	vst v4;
	v4 =	vmul.f32 v7, v5;
	v7 =	vld [tilespmem:s19+$0x18090]  }
0x2bc: {  	[tilespmem:s19+$0x18030] =	vst v3;
	v3 =	vmul.f32 v9, v5;
	v9 =	vld [tilespmem:s19+$0x180A0]  }
0x2bd: {  	[tilespmem:s19+$0x18040] =	vst v4;
	v4 =	vmul.f32 v6, v5;
	v6 =	vbroadcast v2, $0xC;
	v11 =	vld [tilespmem:s19+$0x180B0]  }
0x2be: {  	[tilespmem:s19+$0x18050] =	vst v3;
	v3 =	vmul.f32 v8, v5;
	v5 =	vld [tilespmem:s19+$0x180C0]  }
0x2bf: {  	[tilespmem:s19+$0x18060] =	vst v4;
	v4 =	vmul.f32 v10, v6;
	v8 =	vld [tilespmem:s19+$0x180D0]  }
0x2c0: {  	[tilespmem:s19+$0x18070] =	vst v3;
	v3 =	vmul.f32 v7, v6;
	v7 =	vld [tilespmem:s19+$0x180E0]  }
0x2c1: {  	[tilespmem:s19+$0x18080] =	vst v4;
	v4 =	vmul.f32 v9, v6;
	v9 =	vld [tilespmem:s19+$0x180F0]  }
0x2c2: {  	[tilespmem:s19+$0x18090] =	vst v3;
	v3 =	vmul.f32 v11, v6;
	v10 =	vld [tilespmem:s19+$0x18100]  }
0x2c3: {  	[tilespmem:s19+$0x180A0] =	vst v4;
	v4 =	vmul.f32 v5, v6;
	v5 =	vld [tilespmem:s19+$0x18110]  }
0x2c4: {  	[tilespmem:s19+$0x180B0] =	vst v3;
	v3 =	vmul.f32 v8, v6;
	v8 =	vld [tilespmem:s19+$0x18120]  }
0x2c5: {  	[tilespmem:s19+$0x180C0] =	vst v4;
	v4 =	vmul.f32 v7, v6;
	v7 =	vbroadcast v2, $0xD;
	v11 =	vld [tilespmem:s19+$0x18130]  }
0x2c6: {  	[tilespmem:s19+$0x180D0] =	vst v3;
	v3 =	vmul.f32 v9, v6;
	v6 =	vld [tilespmem:s19+$0x18140]  }
0x2c7: {  	[tilespmem:s19+$0x180E0] =	vst v4;
	v4 =	vmul.f32 v10, v7;
	v9 =	vld [tilespmem:s19+$0x18150]  }
0x2c8: {  	[tilespmem:s19+$0x180F0] =	vst v3;
	v3 =	vmul.f32 v5, v7;
	v5 =	vld [tilespmem:s19+$0x18160]  }
0x2c9: {  	[tilespmem:s19+$0x18100] =	vst v4;
	v4 =	vmul.f32 v8, v7;
	v8 =	vld [tilespmem:s19+$0x18170]  }
0x2ca: {  	[tilespmem:s19+$0x18110] =	vst v3;
	v3 =	vmul.f32 v11, v7;
	v10 =	vld [tilespmem:s19+$0x18180]  }
0x2cb: {  	[tilespmem:s19+$0x18120] =	vst v4;
	v4 =	vmul.f32 v6, v7;
	v6 =	vld [tilespmem:s19+$0x18190]  }
0x2cc: {  	[tilespmem:s19+$0x18130] =	vst v3;
	v3 =	vmul.f32 v9, v7;
	v9 =	vld [tilespmem:s19+$0x181A0]  }
0x2cd: {  	[tilespmem:s19+$0x18140] =	vst v4;
	v4 =	vmul.f32 v5, v7;
	v5 =	vbroadcast v2, $0xE;
	v11 =	vld [tilespmem:s19+$0x181B0]  }
0x2ce: {  	[tilespmem:s19+$0x18150] =	vst v3;
	v3 =	vmul.f32 v8, v7;
	v7 =	vld [tilespmem:s19+$0x181C0]  }
0x2cf: {  	[tilespmem:s19+$0x18160] =	vst v4;
	v4 =	vmul.f32 v10, v5;
	v8 =	vld [tilespmem:s19+$0x181D0]  }
0x2d0: {  	[tilespmem:s19+$0x18170] =	vst v3;
	v3 =	vmul.f32 v6, v5;
	v6 =	vld [tilespmem:s19+$0x181E0]  }
0x2d1: {  	[tilespmem:s19+$0x18180] =	vst v4;
	v4 =	vmul.f32 v9, v5;
	v9 =	vld [tilespmem:s19+$0x181F0]  }
0x2d2: {  	[tilespmem:s19+$0x18190] =	vst v3;
	v3 =	vmul.f32 v11, v5;
	v10 =	vld [tilespmem:s19+$0x18200]  }
0x2d3: {  	[tilespmem:s19+$0x181A0] =	vst v4;
	v4 =	vmul.f32 v7, v5;
	v7 =	vld [tilespmem:s19+$0x18210]  }
0x2d4: {  	[tilespmem:s19+$0x181B0] =	vst v3;
	v3 =	vmul.f32 v8, v5;
	v8 =	vld [tilespmem:s19+$0x18220]  }
0x2d5: {  	v2 =	vbroadcast v2, $0xF;
	[tilespmem:s19+$0x181C0] =	vst v4;
	v4 =	vmul.f32 v6, v5;
	v6 =	vld [tilespmem:s19+$0x18230]  }
0x2d6: {  	[tilespmem:s19+$0x181D0] =	vst v3;
	v3 =	vmul.f32 v9, v5;
	v5 =	vld [tilespmem:s19+$0x18240]  }
0x2d7: {  	[tilespmem:s19+$0x181E0] =	vst v4;
	v4 =	vmul.f32 v10, v2;
	v9 =	vld [tilespmem:s19+$0x18250]  }
0x2d8: {  	[tilespmem:s19+$0x181F0] =	vst v3;
	v3 =	vmul.f32 v7, v2;
	v7 =	vld [tilespmem:s19+$0x18260]  }
0x2d9: {  	[tilespmem:s19+$0x18200] =	vst v4;
	v4 =	vmul.f32 v8, v2;
	v8 =	vld [tilespmem:s19+$0x18270]  }
0x2da: {  	[tilespmem:s19+$0x18210] =	vst v3;
	v3 =	vmul.f32 v6, v2  }
.Ltmp6:
0x2db: {  	[tilespmem:s19+$0x18220] =	vst v4;
	v4 =	vmul.f32 v5, v2;
	(pc) =	sbr.rel @p1 .LBB2_16-.Ltmp6, $4  }
0x2dc: {  	[tilespmem:s19+$0x18230] =	vst v3;
	v3 =	vmul.f32 v9, v2  }
0x2dd: {  	[tilespmem:s19+$0x18240] =	vst v4;
	v4 =	vmul.f32 v7, v2  }
0x2de: {  	[tilespmem:s19+$0x18250] =	vst v3;
	v2 =	vmul.f32 v8, v2  }
0x2df: {  	[tilespmem:s19+$0x18260] =	vst v4  }
0x2e0: {  	[tilespmem:s19+$0x18270] =	vst v2  }
0x2e1: {  	s1 =	sshll.u32 s1, $0x7;
	s2 =	sadd.s32 $0x16E80, s15;
	_ =	strace $0x90000050  }
0x2e2: {  	p1 =	sne.s32 s7, $0x8;
	s1 =	sadd.s32 $0x17A80, s1;
	_ =	strace $0x80000051  }
0x2e3: {  	[spmem:s29] =	stream.indirect.scatter.add.f32 [tilespmem:s1], [sflag:$0x2], $0x80, s2, s26, $0x2000b8;
	[tilespmem:$0x1FA80] =	vst v63  }
.Ltmp7:
0x2e4: {  	_ = 	snop;
	(pc) =	sbr.rel @p1 .LBB2_15-.Ltmp7, $4  }
0x2e5: {  	_ =	swait.ge [sflag:s20], $0x4000  }
0x2e6: {  	[sflag:s20] =	ssyncset.done $0x0  }
0x2e7: {  	[sflag:s20] =	ssyncadd.s32 $0xFFFFC000  }
0x2e8: {  	_ =	strace $0x90000051  }
0x2e9: {  	s2 =	sadd.s32 $0x1, s28  }
0x2ea: {  	p1 =	sne.s32 s2, $0xA  }
.Ltmp8:
0x2eb: {  	_ = 	snop;
	(pc) =	sbr.rel @p1 .LBB2_12-.Ltmp8, $1  }
0x2ec: {  	_ =	sdelay $0x3  }
0x2ed: {  	s1 =	stileid.u32;
	[bflag:$0x0] =	sbarrier.arrive $0xFFFF  }
0x2ee: {  	s1 =	sshll.u32 s1, $0x6;
	s15 =	rddreg [dreg:$0x7]  }
0x2ef: {  	s6 =	rddreg [dreg:$0xf];
	s1 =	sor.u32 $0x1C02, s1;
	s2 =	sshrl.u32 s15, $0x3  }
0x2f0: {  	[hbm:s6], [sflag:s1] =	dma.local [spmem:s2], $0x2800  }
0x2f1: {  	_ =	swait.ge [sflag:s20], $0x2800  }
0x2f2: {  	s7 =	rddreg [dreg:$0x10]  }
0x2f3: {  	s19 =	rddreg [dreg:$0xe];
	s2 =	sadd.s32 $0x1, s7  }
0x2f4: {  	p1 =	sne.s32 s2, s19  }
.Ltmp9:
0x2f5: {  	_ = 	snop;
	(pc) =	sbr.rel @p1 .LBB2_1-.Ltmp9, $3  }
0x2f6: {  	_ =	sdelay $0x1  }
0x2f7: {  	[sflag:s20] =	ssyncset.done $0x0  }
0x2f8: {  	s28 =	simm.s32 $0x16F00;
	[sflag:s20] =	ssyncadd.s32 $0xFFFFD800  }
0x2f9: {  	_ =	sfence.sel $0x180000  }
0x2fa: {  	[bflag:$0x0] =	sbarrier.arrive $0xFFFF  }
0x2fb: {  	_ =	strace $0x90000047  }
0x2fc: {  	s0 =	stileid.u32;
	[bflag:$0x2] =	sbarrier.arrive $0xFFFF  }
0x2fd: {  	p0 =	sne.s32 s0, $0x0;
	s0 =	rddreg [dreg:$0x4]  }
0x2fe: {  	s0 =	sadd.s32 @!p0 $0x100000, s0  }
0x2ff: {  	[sflag:s0] =	ssyncadd.tile.s32 @!p0 $0x1;
	_ =	shalt  }
.Lfunc_end2:
_tile_overlayer_lowered:
.L_overlay_start_2:
0x300: {  	(tag) =	ssettag $0x2  }
0x301: {  	s0 =	rddreg [dreg:$0x0];
	s2 =	stileid.u32  }
0x302: {  	s1 =	rddreg [dreg:$0x1];
	p0 =	sne.s32 s2, $0x0  }
0x303: {  	s3 =	rddreg [dreg:$0x2];
	[bflag:$0x3] =	sbarrier.arrive $0xFFFF;
	s2 =	simm.s32 @!p0 $0x1C02  }
0x304: {  	[timem:s3], [sflag:s2] =	dma.local @!p0 [hbm:s0], s1  }
0x305: {  	s0 =	simm.s32 @!p0 $0x2  }
0x306: {  	_ =	swait.ge @!p0 [sflag:s0], s1  }
0x307: {  	s1 =	ssub.s32 @!p0 $0x0, s1;
	[sflag:s0] =	ssyncset.done @!p0 $0x0  }
0x308: {  	[sflag:s0] =	ssyncadd.s32 @!p0 s1  }
0x309: {  	[bflag:$0x3] =	sbarrier.arrive $0xFFFF  }
0x30a: {  	_ =	shalt  }

</sc_bundles>
